<compile_context>
chip_gen: v7x
topology: tpu7x:2x2x1
jax: 0.10.2.dev20260603
libtpu: 0.0.44.dev20260713+nightly
codegen_flags: <defaults>
</compile_context>

<pallas_src>
import functools

import jax
import jax.numpy as jnp
from jax import lax
from jax.experimental import pallas as pl
from jax.experimental.pallas import tpu as pltpu
from jax.experimental.pallas import tpu_sc as plsc

BINS = 256
LANES = 16
ROWS = 64
COLS = 512


def _make_sc_hist(n_rows):
    mesh = plsc.VectorSubcoreMesh(core_axis_name="c", subcore_axis_name="s")
    n_workers = mesh.num_cores * mesh.num_subcores
    rows_per_tile = n_rows // n_workers
    n_chunks = rows_per_tile // ROWS
    n_pairs = n_chunks // 2
    assert rows_per_tile * n_workers == n_rows
    assert n_pairs * 2 * ROWS == rows_per_tile
    hist_words = (BINS + 1) * LANES

    @functools.partial(
        pl.kernel,
        out_type=jax.ShapeDtypeStruct((2, n_workers, 8, COLS), jnp.float32),
        mesh=mesh,
        compiler_params=pltpu.CompilerParams(
            needs_layout_passes=False,
            use_tc_tiling_on_sc=True,
        ),
        scratch_types=[
            pltpu.VMEM((2, ROWS, COLS), jnp.float32),
            pltpu.VMEM((hist_words,), jnp.float32),
            pltpu.VMEM((hist_words,), jnp.float32),
            pltpu.VMEM((8, COLS), jnp.float32),
            pltpu.SemaphoreType.DMA,
            pltpu.SemaphoreType.DMA,
        ],
    )
    def hist_kernel(src_hbm, tgt_hbm, out_hbm, buf, hist_a, hist_b, stage,
                    sem0, sem1):
        wid = lax.axis_index("c") * mesh.num_subcores + lax.axis_index("s")
        base = wid * rows_per_tile
        lane = lax.iota(jnp.int32, LANES)
        ones = jnp.full((LANES,), 1.0, jnp.float32)

        def zero_body(k, carry):
            z = jnp.zeros((LANES,), jnp.float32)
            hist_a[pl.ds(k * LANES, LANES)] = z
            hist_b[pl.ds(k * LANES, LANES)] = z
            return carry

        lax.fori_loop(0, BINS + 1, zero_body, 0)

        def inner(half, hist):
            @plsc.parallel_loop(0, ROWS * 4, unroll=2)
            def body(i):
                r = jnp.right_shift(i, 2)
                q = jnp.bitwise_and(i, 3) * (8 * LANES)
                for u in range(8):
                    x = buf[half, r, pl.ds(q + u * LANES, LANES)]
                    bn = (x * float(BINS)).astype(jnp.int32)
                    addr = lax.shift_left(bn, 4) | lane
                    plsc.addupdate_scatter(hist, [addr], ones)

        def process(src, hist):
            pltpu.async_copy(src.at[pl.ds(base, ROWS), :], buf.at[0], sem0)

            def pair(p, carry):
                c1 = 2 * p + 1
                pltpu.async_copy(src.at[pl.ds(base + c1 * ROWS, ROWS), :],
                                 buf.at[1], sem1)
                pltpu.make_async_copy(src.at[pl.ds(base, ROWS), :],
                                      buf.at[0], sem0).wait()
                inner(0, hist)
                c2 = c1 + 1

                @pl.when(c2 < n_chunks)
                def _():
                    pltpu.async_copy(src.at[pl.ds(base + c2 * ROWS, ROWS), :],
                                     buf.at[0], sem0)

                pltpu.make_async_copy(src.at[pl.ds(base, ROWS), :],
                                      buf.at[1], sem1).wait()
                inner(1, hist)
                return carry

            lax.fori_loop(0, n_pairs, pair, 0)

        def flush(hist, t):
            def fl(k, carry):
                stage[jnp.right_shift(k, 5),
                      pl.ds(jnp.bitwise_and(k, 31) * LANES, LANES)] = (
                          hist[pl.ds(k * LANES, LANES)])
                return carry

            lax.fori_loop(0, BINS, fl, 0)
            stage[7, pl.ds(31 * LANES, LANES)] = (
                stage[7, pl.ds(31 * LANES, LANES)]
                + hist[pl.ds(BINS * LANES, LANES)])
            pltpu.sync_copy(stage, out_hbm.at[t, wid])

        process(src_hbm, hist_a)
        flush(hist_a, 0)
        process(tgt_hbm, hist_b)
        flush(hist_b, 1)

    return hist_kernel


def _loss_body(p_ref, o_ref):
    p = p_ref[...]
    a0 = jnp.sum(p[0], axis=0)
    a1 = jnp.sum(p[1], axis=0)
    sel = (lax.broadcasted_iota(jnp.int32, (COLS, 32), 0) // LANES ==
           lax.broadcasted_iota(jnp.int32, (COLS, 32), 1)).astype(jnp.float32)
    b0 = jax.lax.dot(a0, sel, preferred_element_type=jnp.float32)
    b1 = jax.lax.dot(a1, sel, preferred_element_type=jnp.float32)
    eps = 1e-8
    sn = b0 / jnp.sum(b0) + eps
    tn = b1 / jnp.sum(b1) + eps
    d = sn - tn
    o_ref[...] = (jnp.sum(d * d) * (1.0 / BINS)).reshape(1, 1)


def kernel(source, target):
    m, r, c = source.shape
    s2d = source.reshape((m * r, c))
    t2d = target.reshape((m * r, c))
    partials = _make_sc_hist(m * r)(s2d, t2d)
    loss = pl.pallas_call(
        _loss_body,
        out_shape=jax.ShapeDtypeStruct((1, 1), jnp.float32),
    )(partials)
    return loss.reshape(())

# --- scband reference (transcript-rebuilt; emitter-appended) ---
"""Pipeline reference for scband-histogram-match-loss-72043781423223 (READ-ONLY COPY).

The authoritative reference and input builder live on the scoring server;
editing this copy changes nothing except your own understanding.
"""

import jax, jax.numpy as jnp
import numpy as np

BINS = 256


def _histc(x, bins, lo=0.0, hi=1.0):
    # torch.histc semantics: equal-width bins over [lo, hi]; values outside ignored;
    # values == hi fall into the last bin.
    valid = (x >= lo) & (x <= hi)
    scaled = (x - lo) / (hi - lo) * bins
    idx = jnp.clip(scaled.astype(jnp.int32), 0, bins - 1)
    idx = jnp.where(valid, idx, 0)
    w = valid.astype(jnp.float32)
    return jnp.bincount(idx.reshape(-1), weights=w.reshape(-1), length=bins)


def setup_inputs(seed: int = 0) -> dict:
    key = jax.random.key(seed)
    k1, k2 = jax.random.split(key)
    source = jax.random.uniform(k1, (64, 512, 512), dtype=jnp.float32)
    target = jax.random.uniform(k2, (64, 512, 512), dtype=jnp.float32)
    return {"source": source, "target": target}


def reference(source, target):
    bins = BINS
    source_hist = _histc(source, bins, 0.0, 1.0)
    target_hist = _histc(target, bins, 0.0, 1.0)
    # smooth=False, so no gaussian smoothing branch
    epsilon = 1e-08
    source_hist_norm = source_hist / source_hist.sum() + epsilon
    target_hist_norm = target_hist / target_hist.sum() + epsilon
    loss = jnp.mean((source_hist_norm - target_hist_norm) ** 2)
    return loss

if __name__ == "__main__":
    import jax
    _d = setup_inputs()
    print(jax.jit(kernel)(*tuple(_d.values())))

</pallas_src>

<mosaic_0001>
#map = affine_map<(d0, d1) -> (0, 0)>
#map1 = affine_map<(d0, d1) -> (0, 0, 0, 0)>
module attributes {stable_mosaic.version = 14 : i64} {
  func.func @hist_kernel(%arg0: i32, %arg1: i32, %arg2: memref<32768x512xf32, #tpu.memory_space<hbm>>, %arg3: memref<32768x512xf32, #tpu.memory_space<hbm>>, %arg4: memref<2x32x8x512xf32, #tpu.memory_space<hbm>>, %arg5: memref<2x64x512xf32, #tpu.memory_space<vmem>>, %arg6: memref<4112xf32, #tpu.memory_space<vmem>>, %arg7: memref<4112xf32, #tpu.memory_space<vmem>>, %arg8: memref<8x512xf32, #tpu.memory_space<vmem>>, %arg9: memref<!tpu.dma_semaphore, #tpu.memory_space<semaphore_mem>>, %arg10: memref<!tpu.dma_semaphore, #tpu.memory_space<semaphore_mem>>) attributes {dimension_semantics = [#tpu.dimension_semantics<core_parallel>, #tpu.dimension_semantics<subcore_parallel>], iteration_bounds = array<i64: 2, 16>, scalar_prefetch = 0 : i64, scratch_operands = 6 : i64, tpu.core_type = #tpu.core_type<sc_vector_subcore>, window_params = [{transform_indices = #map}, {transform_indices = #map}, {transform_indices = #map1}]} {
    %mul3A = arith.constant 16 : i32
    %mul3A_0 = arith.muli %arg0, %mul3A : i32
    %add3A = arith.addi %mul3A_0, %arg1 : i32
    %mul3A_1 = arith.constant 1024 : i32
    %mul3A_2 = arith.muli %add3A, %mul3A_1 : i32
    %iota3A = tpu.iota {dimensions = array<i32: 0>} : vector<16xi32>
    %broadcast_in_dim3A = arith.constant 1.000000e+00 : f32
    %broadcast_in_dim3A_3 = vector.broadcast %broadcast_in_dim3A : f32 to vector<16xf32>
    %scan3A = arith.constant 0 : i32
    %scan3A_4 = arith.constant 0 : i32
    %scan3A_5 = arith.constant 257 : i32
    %scan3A_6 = arith.addi %scan3A_4, %scan3A_5 : i32
    %scan3A_7 = arith.constant 1 : i32
    scf.for %scan3A_79 = %scan3A_4 to %scan3A_6 step %scan3A_7  : i32 {
      %broadcast_in_dim3A_80 = arith.constant 0.000000e+00 : f32
      %broadcast_in_dim3A_81 = vector.broadcast %broadcast_in_dim3A_80 : f32 to vector<16xf32>
      %mul3A_82 = arith.constant 16 : i32
      %mul3A_83 = arith.muli %scan3A_79, %mul3A_82 : i32
      %swap3A_84 = arith.index_cast %mul3A_83 : i32 to index
      %swap3A_85 = tpu.vector_load %arg6[%swap3A_84] {strides = array<i32>} : memref<4112xf32, #tpu.memory_space<vmem>>, vector<16xf32>,
      tpu.vector_store %arg6[%swap3A_84], %broadcast_in_dim3A_81 {strides = array<i32>} : memref<4112xf32, #tpu.memory_space<vmem>>, vector<16xf32>,
      %mul3A_86 = arith.constant 16 : i32
      %mul3A_87 = arith.muli %scan3A_79, %mul3A_86 : i32
      %swap3A_88 = arith.index_cast %mul3A_87 : i32 to index
      %swap3A_89 = tpu.vector_load %arg7[%swap3A_88] {strides = array<i32>} : memref<4112xf32, #tpu.memory_space<vmem>>, vector<16xf32>,
      tpu.vector_store %arg7[%swap3A_88], %broadcast_in_dim3A_81 {strides = array<i32>} : memref<4112xf32, #tpu.memory_space<vmem>>, vector<16xf32>,
    }
    %scan3A_8 = arith.constant 257 : i32
    %dma_start3A = arith.constant 0 : i32
    %dma_start3A_9 = arith.constant 0 : i32
    %dma_start3A_10 = arith.constant 0 : i32
    %dma_start3A_11 = tpu.memref_slice %arg5[%dma_start3A, %dma_start3A_9, %dma_start3A_10] : memref<2x64x512xf32, #tpu.memory_space<vmem>> -> memref<1x64x512xf32, #tpu.memory_space<vmem>>
    %dma_start3A_12 = tpu.memref_squeeze %dma_start3A_11 : memref<1x64x512xf32, #tpu.memory_space<vmem>> -> memref<64x512xf32, #tpu.memory_space<vmem>>
    %dma_start3A_13 = arith.constant 0 : i32
    %dma_start3A_14 = tpu.memref_slice %arg2[%mul3A_2, %dma_start3A_13] : memref<32768x512xf32, #tpu.memory_space<hbm>> -> memref<64x512xf32, #tpu.memory_space<hbm>>
    %dma_start3A_15 = arith.constant 0 : i32
    %dma_start3A_16 = arith.constant 0 : i32
    %dma_start3A_17 = tpu.memref_slice %arg5[%dma_start3A, %dma_start3A_15, %dma_start3A_16] : memref<2x64x512xf32, #tpu.memory_space<vmem>> -> memref<1x64x512xf32, #tpu.memory_space<vmem>>
    %dma_start3A_18 = tpu.memref_squeeze %dma_start3A_17 : memref<1x64x512xf32, #tpu.memory_space<vmem>> -> memref<64x512xf32, #tpu.memory_space<vmem>>
    %dma_start3A_19 = arith.constant 0 : i32
    %dma_start3A_20 = tpu.memref_slice %arg2[%mul3A_2, %dma_start3A_19] : memref<32768x512xf32, #tpu.memory_space<hbm>> -> memref<64x512xf32, #tpu.memory_space<hbm>>
    tpu.enqueue_dma source(%dma_start3A_20 : memref<64x512xf32, #tpu.memory_space<hbm>>) target(%dma_start3A_18 : memref<64x512xf32, #tpu.memory_space<vmem>>) target_semaphore(%arg9 : memref<!tpu.dma_semaphore, #tpu.memory_space<semaphore_mem>>)
    %scan3A_21 = arith.constant 0 : i32
    %scan3A_22 = arith.constant 0 : i32
    %scan3A_23 = arith.constant 8 : i32
    %scan3A_24 = arith.addi %scan3A_22, %scan3A_23 : i32
    %scan3A_25 = arith.constant 1 : i32
    scf.for %scan3A_79 = %scan3A_22 to %scan3A_24 step %scan3A_25  : i32 {
      %mul3A_80 = arith.constant 2 : i32
      %mul3A_81 = arith.muli %mul3A_80, %scan3A_79 : i32
      %add3A_82 = arith.constant 1 : i32
      %add3A_83 = arith.addi %mul3A_81, %add3A_82 : i32
      %mul3A_84 = arith.constant 64 : i32
      %mul3A_85 = arith.muli %add3A_83, %mul3A_84 : i32
      %add3A_86 = arith.addi %mul3A_2, %mul3A_85 : i32
      %dma_start3A_87 = arith.constant 1 : i32
      %dma_start3A_88 = arith.constant 0 : i32
      %dma_start3A_89 = arith.constant 0 : i32
      %dma_start3A_90 = tpu.memref_slice %arg5[%dma_start3A_87, %dma_start3A_88, %dma_start3A_89] : memref<2x64x512xf32, #tpu.memory_space<vmem>> -> memref<1x64x512xf32, #tpu.memory_space<vmem>>
      %dma_start3A_91 = tpu.memref_squeeze %dma_start3A_90 : memref<1x64x512xf32, #tpu.memory_space<vmem>> -> memref<64x512xf32, #tpu.memory_space<vmem>>
      %dma_start3A_92 = arith.constant 0 : i32
      %dma_start3A_93 = tpu.memref_slice %arg2[%add3A_86, %dma_start3A_92] : memref<32768x512xf32, #tpu.memory_space<hbm>> -> memref<64x512xf32, #tpu.memory_space<hbm>>
      %dma_start3A_94 = arith.constant 0 : i32
      %dma_start3A_95 = arith.constant 0 : i32
      %dma_start3A_96 = tpu.memref_slice %arg5[%dma_start3A_87, %dma_start3A_94, %dma_start3A_95] : memref<2x64x512xf32, #tpu.memory_space<vmem>> -> memref<1x64x512xf32, #tpu.memory_space<vmem>>
      %dma_start3A_97 = tpu.memref_squeeze %dma_start3A_96 : memref<1x64x512xf32, #tpu.memory_space<vmem>> -> memref<64x512xf32, #tpu.memory_space<vmem>>
      %dma_start3A_98 = arith.constant 0 : i32
      %dma_start3A_99 = tpu.memref_slice %arg2[%add3A_86, %dma_start3A_98] : memref<32768x512xf32, #tpu.memory_space<hbm>> -> memref<64x512xf32, #tpu.memory_space<hbm>>
      tpu.enqueue_dma source(%dma_start3A_99 : memref<64x512xf32, #tpu.memory_space<hbm>>) target(%dma_start3A_97 : memref<64x512xf32, #tpu.memory_space<vmem>>) target_semaphore(%arg10 : memref<!tpu.dma_semaphore, #tpu.memory_space<semaphore_mem>>)
      %dma_wait3A = arith.constant 0 : i32
      %dma_wait3A_100 = arith.constant 0 : i32
      %dma_wait3A_101 = arith.constant 0 : i32
      %dma_wait3A_102 = tpu.memref_slice %arg5[%dma_wait3A, %dma_wait3A_100, %dma_wait3A_101] : memref<2x64x512xf32, #tpu.memory_space<vmem>> -> memref<1x64x512xf32, #tpu.memory_space<vmem>>
      %dma_wait3A_103 = tpu.memref_squeeze %dma_wait3A_102 : memref<1x64x512xf32, #tpu.memory_space<vmem>> -> memref<64x512xf32, #tpu.memory_space<vmem>>
      %dma_wait3A_104 = arith.constant 0 : i32
      %dma_wait3A_105 = tpu.memref_slice %arg2[%mul3A_2, %dma_wait3A_104] : memref<32768x512xf32, #tpu.memory_space<hbm>> -> memref<64x512xf32, #tpu.memory_space<hbm>>
      %dma_wait3A_106 = arith.constant 0 : i32
      %dma_wait3A_107 = arith.constant 0 : i32
      %dma_wait3A_108 = tpu.memref_slice %arg5[%dma_wait3A, %dma_wait3A_106, %dma_wait3A_107] : memref<2x64x512xf32, #tpu.memory_space<vmem>> -> memref<1x64x512xf32, #tpu.memory_space<vmem>>
      %dma_wait3A_109 = tpu.memref_squeeze %dma_wait3A_108 : memref<1x64x512xf32, #tpu.memory_space<vmem>> -> memref<64x512xf32, #tpu.memory_space<vmem>>
      %dma_wait3A_110 = arith.constant 0 : i32
      %dma_wait3A_111 = tpu.memref_slice %arg2[%mul3A_2, %dma_wait3A_110] : memref<32768x512xf32, #tpu.memory_space<hbm>> -> memref<64x512xf32, #tpu.memory_space<hbm>>
      tpu.wait_dma2 semaphore(%arg9 : memref<!tpu.dma_semaphore, #tpu.memory_space<semaphore_mem>>) src(%dma_wait3A_111 : memref<64x512xf32, #tpu.memory_space<hbm>>) dst(%dma_wait3A_109 : memref<64x512xf32, #tpu.memory_space<vmem>>)
      %parallel_loop3A = arith.constant 0 : i32
      %parallel_loop3A_112 = arith.constant 256 : i32
      %parallel_loop3A_113 = arith.constant 1 : i32
      scf.for %parallel_loop3A_134 = %parallel_loop3A to %parallel_loop3A_112 step %parallel_loop3A_113  : i32 {
        %parallel_loop3A_135 = arith.constant 2 : i32
        %parallel_loop3A_136 = arith.shrsi %parallel_loop3A_134, %parallel_loop3A_135 : i32
        %parallel_loop3A_137 = arith.constant 3 : i32
        %parallel_loop3A_138 = arith.andi %parallel_loop3A_134, %parallel_loop3A_137 : i32
        %parallel_loop3A_139 = arith.constant 128 : i32
        %parallel_loop3A_140 = arith.muli %parallel_loop3A_138, %parallel_loop3A_139 : i32
        %parallel_loop3A_141 = arith.constant 0 : i32
        %parallel_loop3A_142 = arith.addi %parallel_loop3A_140, %parallel_loop3A_141 : i32
        %parallel_loop3A_143 = arith.constant 0 : i32
        %parallel_loop3A_144 = arith.index_cast %parallel_loop3A_143 : i32 to index
        %parallel_loop3A_145 = arith.index_cast %parallel_loop3A_136 : i32 to index
        %parallel_loop3A_146 = arith.index_cast %parallel_loop3A_142 : i32 to index
        %parallel_loop3A_147 = tpu.vector_load %arg5[%parallel_loop3A_144, %parallel_loop3A_145, %parallel_loop3A_146] {strides = array<i32>} : memref<2x64x512xf32, #tpu.memory_space<vmem>>, vector<16xf32>,
        %parallel_loop3A_148 = arith.constant 2.560000e+02 : f32
        %parallel_loop3A_149 = vector.broadcast %parallel_loop3A_148 : f32 to vector<16xf32>
        %parallel_loop3A_150 = arith.mulf %parallel_loop3A_147, %parallel_loop3A_149 : vector<16xf32>
        %parallel_loop3A_151 = arith.fptosi %parallel_loop3A_150 : vector<16xf32> to vector<16xi32>
        %parallel_loop3A_152 = arith.constant 4 : i32
        %parallel_loop3A_153 = vector.broadcast %parallel_loop3A_152 : i32 to vector<16xi32>
        %parallel_loop3A_154 = arith.shli %parallel_loop3A_151, %parallel_loop3A_153 : vector<16xi32>
        %parallel_loop3A_155 = arith.ori %parallel_loop3A_154, %iota3A : vector<16xi32>
        tpu.vector_store_idx %arg6[%parallel_loop3A_155], %broadcast_in_dim3A_3 {add = true} : memref<4112xf32, #tpu.memory_space<vmem>>[vector<16xi32>], vector<16xf32>,
        %parallel_loop3A_156 = arith.constant 16 : i32
        %parallel_loop3A_157 = arith.addi %parallel_loop3A_140, %parallel_loop3A_156 : i32
        %parallel_loop3A_158 = arith.constant 0 : i32
        %parallel_loop3A_159 = arith.index_cast %parallel_loop3A_158 : i32 to index
        %parallel_loop3A_160 = arith.index_cast %parallel_loop3A_136 : i32 to index
        %parallel_loop3A_161 = arith.index_cast %parallel_loop3A_157 : i32 to index
        %parallel_loop3A_162 = tpu.vector_load %arg5[%parallel_loop3A_159, %parallel_loop3A_160, %parallel_loop3A_161] {strides = array<i32>} : memref<2x64x512xf32, #tpu.memory_space<vmem>>, vector<16xf32>,
        %parallel_loop3A_163 = arith.constant 2.560000e+02 : f32
        %parallel_loop3A_164 = vector.broadcast %parallel_loop3A_163 : f32 to vector<16xf32>
        %parallel_loop3A_165 = arith.mulf %parallel_loop3A_162, %parallel_loop3A_164 : vector<16xf32>
        %parallel_loop3A_166 = arith.fptosi %parallel_loop3A_165 : vector<16xf32> to vector<16xi32>
        %parallel_loop3A_167 = arith.constant 4 : i32
        %parallel_loop3A_168 = vector.broadcast %parallel_loop3A_167 : i32 to vector<16xi32>
        %parallel_loop3A_169 = arith.shli %parallel_loop3A_166, %parallel_loop3A_168 : vector<16xi32>
        %parallel_loop3A_170 = arith.ori %parallel_loop3A_169, %iota3A : vector<16xi32>
        tpu.vector_store_idx %arg6[%parallel_loop3A_170], %broadcast_in_dim3A_3 {add = true} : memref<4112xf32, #tpu.memory_space<vmem>>[vector<16xi32>], vector<16xf32>,
        %parallel_loop3A_171 = arith.constant 32 : i32
        %parallel_loop3A_172 = arith.addi %parallel_loop3A_140, %parallel_loop3A_171 : i32
        %parallel_loop3A_173 = arith.constant 0 : i32
        %parallel_loop3A_174 = arith.index_cast %parallel_loop3A_173 : i32 to index
        %parallel_loop3A_175 = arith.index_cast %parallel_loop3A_136 : i32 to index
        %parallel_loop3A_176 = arith.index_cast %parallel_loop3A_172 : i32 to index
        %parallel_loop3A_177 = tpu.vector_load %arg5[%parallel_loop3A_174, %parallel_loop3A_175, %parallel_loop3A_176] {strides = array<i32>} : memref<2x64x512xf32, #tpu.memory_space<vmem>>, vector<16xf32>,
        %parallel_loop3A_178 = arith.constant 2.560000e+02 : f32
        %parallel_loop3A_179 = vector.broadcast %parallel_loop3A_178 : f32 to vector<16xf32>
        %parallel_loop3A_180 = arith.mulf %parallel_loop3A_177, %parallel_loop3A_179 : vector<16xf32>
        %parallel_loop3A_181 = arith.fptosi %parallel_loop3A_180 : vector<16xf32> to vector<16xi32>
        %parallel_loop3A_182 = arith.constant 4 : i32
        %parallel_loop3A_183 = vector.broadcast %parallel_loop3A_182 : i32 to vector<16xi32>
        %parallel_loop3A_184 = arith.shli %parallel_loop3A_181, %parallel_loop3A_183 : vector<16xi32>
        %parallel_loop3A_185 = arith.ori %parallel_loop3A_184, %iota3A : vector<16xi32>
        tpu.vector_store_idx %arg6[%parallel_loop3A_185], %broadcast_in_dim3A_3 {add = true} : memref<4112xf32, #tpu.memory_space<vmem>>[vector<16xi32>], vector<16xf32>,
        %parallel_loop3A_186 = arith.constant 48 : i32
        %parallel_loop3A_187 = arith.addi %parallel_loop3A_140, %parallel_loop3A_186 : i32
        %parallel_loop3A_188 = arith.constant 0 : i32
        %parallel_loop3A_189 = arith.index_cast %parallel_loop3A_188 : i32 to index
        %parallel_loop3A_190 = arith.index_cast %parallel_loop3A_136 : i32 to index
        %parallel_loop3A_191 = arith.index_cast %parallel_loop3A_187 : i32 to index
        %parallel_loop3A_192 = tpu.vector_load %arg5[%parallel_loop3A_189, %parallel_loop3A_190, %parallel_loop3A_191] {strides = array<i32>} : memref<2x64x512xf32, #tpu.memory_space<vmem>>, vector<16xf32>,
        %parallel_loop3A_193 = arith.constant 2.560000e+02 : f32
        %parallel_loop3A_194 = vector.broadcast %parallel_loop3A_193 : f32 to vector<16xf32>
        %parallel_loop3A_195 = arith.mulf %parallel_loop3A_192, %parallel_loop3A_194 : vector<16xf32>
        %parallel_loop3A_196 = arith.fptosi %parallel_loop3A_195 : vector<16xf32> to vector<16xi32>
        %parallel_loop3A_197 = arith.constant 4 : i32
        %parallel_loop3A_198 = vector.broadcast %parallel_loop3A_197 : i32 to vector<16xi32>
        %parallel_loop3A_199 = arith.shli %parallel_loop3A_196, %parallel_loop3A_198 : vector<16xi32>
        %parallel_loop3A_200 = arith.ori %parallel_loop3A_199, %iota3A : vector<16xi32>
        tpu.vector_store_idx %arg6[%parallel_loop3A_200], %broadcast_in_dim3A_3 {add = true} : memref<4112xf32, #tpu.memory_space<vmem>>[vector<16xi32>], vector<16xf32>,
        %parallel_loop3A_201 = arith.constant 64 : i32
        %parallel_loop3A_202 = arith.addi %parallel_loop3A_140, %parallel_loop3A_201 : i32
        %parallel_loop3A_203 = arith.constant 0 : i32
        %parallel_loop3A_204 = arith.index_cast %parallel_loop3A_203 : i32 to index
        %parallel_loop3A_205 = arith.index_cast %parallel_loop3A_136 : i32 to index
        %parallel_loop3A_206 = arith.index_cast %parallel_loop3A_202 : i32 to index
        %parallel_loop3A_207 = tpu.vector_load %arg5[%parallel_loop3A_204, %parallel_loop3A_205, %parallel_loop3A_206] {strides = array<i32>} : memref<2x64x512xf32, #tpu.memory_space<vmem>>, vector<16xf32>,
        %parallel_loop3A_208 = arith.constant 2.560000e+02 : f32
        %parallel_loop3A_209 = vector.broadcast %parallel_loop3A_208 : f32 to vector<16xf32>
        %parallel_loop3A_210 = arith.mulf %parallel_loop3A_207, %parallel_loop3A_209 : vector<16xf32>
        %parallel_loop3A_211 = arith.fptosi %parallel_loop3A_210 : vector<16xf32> to vector<16xi32>
        %parallel_loop3A_212 = arith.constant 4 : i32
        %parallel_loop3A_213 = vector.broadcast %parallel_loop3A_212 : i32 to vector<16xi32>
        %parallel_loop3A_214 = arith.shli %parallel_loop3A_211, %parallel_loop3A_213 : vector<16xi32>
        %parallel_loop3A_215 = arith.ori %parallel_loop3A_214, %iota3A : vector<16xi32>
        tpu.vector_store_idx %arg6[%parallel_loop3A_215], %broadcast_in_dim3A_3 {add = true} : memref<4112xf32, #tpu.memory_space<vmem>>[vector<16xi32>], vector<16xf32>,
        %parallel_loop3A_216 = arith.constant 80 : i32
        %parallel_loop3A_217 = arith.addi %parallel_loop3A_140, %parallel_loop3A_216 : i32
        %parallel_loop3A_218 = arith.constant 0 : i32
        %parallel_loop3A_219 = arith.index_cast %parallel_loop3A_218 : i32 to index
        %parallel_loop3A_220 = arith.index_cast %parallel_loop3A_136 : i32 to index
        %parallel_loop3A_221 = arith.index_cast %parallel_loop3A_217 : i32 to index
        %parallel_loop3A_222 = tpu.vector_load %arg5[%parallel_loop3A_219, %parallel_loop3A_220, %parallel_loop3A_221] {strides = array<i32>} : memref<2x64x512xf32, #tpu.memory_space<vmem>>, vector<16xf32>,
        %parallel_loop3A_223 = arith.constant 2.560000e+02 : f32
        %parallel_loop3A_224 = vector.broadcast %parallel_loop3A_223 : f32 to vector<16xf32>
        %parallel_loop3A_225 = arith.mulf %parallel_loop3A_222, %parallel_loop3A_224 : vector<16xf32>
        %parallel_loop3A_226 = arith.fptosi %parallel_loop3A_225 : vector<16xf32> to vector<16xi32>
        %parallel_loop3A_227 = arith.constant 4 : i32
        %parallel_loop3A_228 = vector.broadcast %parallel_loop3A_227 : i32 to vector<16xi32>
        %parallel_loop3A_229 = arith.shli %parallel_loop3A_226, %parallel_loop3A_228 : vector<16xi32>
        %parallel_loop3A_230 = arith.ori %parallel_loop3A_229, %iota3A : vector<16xi32>
        tpu.vector_store_idx %arg6[%parallel_loop3A_230], %broadcast_in_dim3A_3 {add = true} : memref<4112xf32, #tpu.memory_space<vmem>>[vector<16xi32>], vector<16xf32>,
        %parallel_loop3A_231 = arith.constant 96 : i32
        %parallel_loop3A_232 = arith.addi %parallel_loop3A_140, %parallel_loop3A_231 : i32
        %parallel_loop3A_233 = arith.constant 0 : i32
        %parallel_loop3A_234 = arith.index_cast %parallel_loop3A_233 : i32 to index
        %parallel_loop3A_235 = arith.index_cast %parallel_loop3A_136 : i32 to index
        %parallel_loop3A_236 = arith.index_cast %parallel_loop3A_232 : i32 to index
        %parallel_loop3A_237 = tpu.vector_load %arg5[%parallel_loop3A_234, %parallel_loop3A_235, %parallel_loop3A_236] {strides = array<i32>} : memref<2x64x512xf32, #tpu.memory_space<vmem>>, vector<16xf32>,
        %parallel_loop3A_238 = arith.constant 2.560000e+02 : f32
        %parallel_loop3A_239 = vector.broadcast %parallel_loop3A_238 : f32 to vector<16xf32>
        %parallel_loop3A_240 = arith.mulf %parallel_loop3A_237, %parallel_loop3A_239 : vector<16xf32>
        %parallel_loop3A_241 = arith.fptosi %parallel_loop3A_240 : vector<16xf32> to vector<16xi32>
        %parallel_loop3A_242 = arith.constant 4 : i32
        %parallel_loop3A_243 = vector.broadcast %parallel_loop3A_242 : i32 to vector<16xi32>
        %parallel_loop3A_244 = arith.shli %parallel_loop3A_241, %parallel_loop3A_243 : vector<16xi32>
        %parallel_loop3A_245 = arith.ori %parallel_loop3A_244, %iota3A : vector<16xi32>
        tpu.vector_store_idx %arg6[%parallel_loop3A_245], %broadcast_in_dim3A_3 {add = true} : memref<4112xf32, #tpu.memory_space<vmem>>[vector<16xi32>], vector<16xf32>,
        %parallel_loop3A_246 = arith.constant 112 : i32
        %parallel_loop3A_247 = arith.addi %parallel_loop3A_140, %parallel_loop3A_246 : i32
        %parallel_loop3A_248 = arith.constant 0 : i32
        %parallel_loop3A_249 = arith.index_cast %parallel_loop3A_248 : i32 to index
        %parallel_loop3A_250 = arith.index_cast %parallel_loop3A_136 : i32 to index
        %parallel_loop3A_251 = arith.index_cast %parallel_loop3A_247 : i32 to index
        %parallel_loop3A_252 = tpu.vector_load %arg5[%parallel_loop3A_249, %parallel_loop3A_250, %parallel_loop3A_251] {strides = array<i32>} : memref<2x64x512xf32, #tpu.memory_space<vmem>>, vector<16xf32>,
        %parallel_loop3A_253 = arith.constant 2.560000e+02 : f32
        %parallel_loop3A_254 = vector.broadcast %parallel_loop3A_253 : f32 to vector<16xf32>
        %parallel_loop3A_255 = arith.mulf %parallel_loop3A_252, %parallel_loop3A_254 : vector<16xf32>
        %parallel_loop3A_256 = arith.fptosi %parallel_loop3A_255 : vector<16xf32> to vector<16xi32>
        %parallel_loop3A_257 = arith.constant 4 : i32
        %parallel_loop3A_258 = vector.broadcast %parallel_loop3A_257 : i32 to vector<16xi32>
        %parallel_loop3A_259 = arith.shli %parallel_loop3A_256, %parallel_loop3A_258 : vector<16xi32>
        %parallel_loop3A_260 = arith.ori %parallel_loop3A_259, %iota3A : vector<16xi32>
        tpu.vector_store_idx %arg6[%parallel_loop3A_260], %broadcast_in_dim3A_3 {add = true} : memref<4112xf32, #tpu.memory_space<vmem>>[vector<16xi32>], vector<16xf32>,
      } {sc.loop_unroll_factor = 2 : i64, sc.parallel_access}
      %add3A_114 = arith.constant 1 : i32
      %add3A_115 = arith.addi %add3A_83, %add3A_114 : i32
      %lt3A = arith.constant 16 : i32
      %lt3A_116 = arith.cmpi slt, %add3A_115, %lt3A : i32
      %convert_element_type3A = arith.extui %lt3A_116 : i1 to i32
      %cond3A = arith.constant 0 : i32
      %cond3A_117 = arith.cmpi ne, %convert_element_type3A, %cond3A : i32
      scf.if %cond3A_117 {
        %mul3A_134 = arith.constant 64 : i32
        %mul3A_135 = arith.muli %add3A_115, %mul3A_134 : i32
        %add3A_136 = arith.addi %mul3A_2, %mul3A_135 : i32
        %dma_start3A_137 = arith.constant 0 : i32
        %dma_start3A_138 = arith.constant 0 : i32
        %dma_start3A_139 = arith.constant 0 : i32
        %dma_start3A_140 = tpu.memref_slice %arg5[%dma_start3A_137, %dma_start3A_138, %dma_start3A_139] : memref<2x64x512xf32, #tpu.memory_space<vmem>> -> memref<1x64x512xf32, #tpu.memory_space<vmem>>
        %dma_start3A_141 = tpu.memref_squeeze %dma_start3A_140 : memref<1x64x512xf32, #tpu.memory_space<vmem>> -> memref<64x512xf32, #tpu.memory_space<vmem>>
        %dma_start3A_142 = arith.constant 0 : i32
        %dma_start3A_143 = tpu.memref_slice %arg2[%add3A_136, %dma_start3A_142] : memref<32768x512xf32, #tpu.memory_space<hbm>> -> memref<64x512xf32, #tpu.memory_space<hbm>>
        %dma_start3A_144 = arith.constant 0 : i32
        %dma_start3A_145 = arith.constant 0 : i32
        %dma_start3A_146 = tpu.memref_slice %arg5[%dma_start3A_137, %dma_start3A_144, %dma_start3A_145] : memref<2x64x512xf32, #tpu.memory_space<vmem>> -> memref<1x64x512xf32, #tpu.memory_space<vmem>>
        %dma_start3A_147 = tpu.memref_squeeze %dma_start3A_146 : memref<1x64x512xf32, #tpu.memory_space<vmem>> -> memref<64x512xf32, #tpu.memory_space<vmem>>
        %dma_start3A_148 = arith.constant 0 : i32
        %dma_start3A_149 = tpu.memref_slice %arg2[%add3A_136, %dma_start3A_148] : memref<32768x512xf32, #tpu.memory_space<hbm>> -> memref<64x512xf32, #tpu.memory_space<hbm>>
        tpu.enqueue_dma source(%dma_start3A_149 : memref<64x512xf32, #tpu.memory_space<hbm>>) target(%dma_start3A_147 : memref<64x512xf32, #tpu.memory_space<vmem>>) target_semaphore(%arg9 : memref<!tpu.dma_semaphore, #tpu.memory_space<semaphore_mem>>)
      } else {
      }
      %dma_wait3A_118 = arith.constant 1 : i32
      %dma_wait3A_119 = arith.constant 0 : i32
      %dma_wait3A_120 = arith.constant 0 : i32
      %dma_wait3A_121 = tpu.memref_slice %arg5[%dma_wait3A_118, %dma_wait3A_119, %dma_wait3A_120] : memref<2x64x512xf32, #tpu.memory_space<vmem>> -> memref<1x64x512xf32, #tpu.memory_space<vmem>>
      %dma_wait3A_122 = tpu.memref_squeeze %dma_wait3A_121 : memref<1x64x512xf32, #tpu.memory_space<vmem>> -> memref<64x512xf32, #tpu.memory_space<vmem>>
      %dma_wait3A_123 = arith.constant 0 : i32
      %dma_wait3A_124 = tpu.memref_slice %arg2[%mul3A_2, %dma_wait3A_123] : memref<32768x512xf32, #tpu.memory_space<hbm>> -> memref<64x512xf32, #tpu.memory_space<hbm>>
      %dma_wait3A_125 = arith.constant 0 : i32
      %dma_wait3A_126 = arith.constant 0 : i32
      %dma_wait3A_127 = tpu.memref_slice %arg5[%dma_wait3A_118, %dma_wait3A_125, %dma_wait3A_126] : memref<2x64x512xf32, #tpu.memory_space<vmem>> -> memref<1x64x512xf32, #tpu.memory_space<vmem>>
      %dma_wait3A_128 = tpu.memref_squeeze %dma_wait3A_127 : memref<1x64x512xf32, #tpu.memory_space<vmem>> -> memref<64x512xf32, #tpu.memory_space<vmem>>
      %dma_wait3A_129 = arith.constant 0 : i32
      %dma_wait3A_130 = tpu.memref_slice %arg2[%mul3A_2, %dma_wait3A_129] : memref<32768x512xf32, #tpu.memory_space<hbm>> -> memref<64x512xf32, #tpu.memory_space<hbm>>
      tpu.wait_dma2 semaphore(%arg10 : memref<!tpu.dma_semaphore, #tpu.memory_space<semaphore_mem>>) src(%dma_wait3A_130 : memref<64x512xf32, #tpu.memory_space<hbm>>) dst(%dma_wait3A_128 : memref<64x512xf32, #tpu.memory_space<vmem>>)
      %parallel_loop3A_131 = arith.constant 0 : i32
      %parallel_loop3A_132 = arith.constant 256 : i32
      %parallel_loop3A_133 = arith.constant 1 : i32
      scf.for %parallel_loop3A_134 = %parallel_loop3A_131 to %parallel_loop3A_132 step %parallel_loop3A_133  : i32 {
        %parallel_loop3A_135 = arith.constant 2 : i32
        %parallel_loop3A_136 = arith.shrsi %parallel_loop3A_134, %parallel_loop3A_135 : i32
        %parallel_loop3A_137 = arith.constant 3 : i32
        %parallel_loop3A_138 = arith.andi %parallel_loop3A_134, %parallel_loop3A_137 : i32
        %parallel_loop3A_139 = arith.constant 128 : i32
        %parallel_loop3A_140 = arith.muli %parallel_loop3A_138, %parallel_loop3A_139 : i32
        %parallel_loop3A_141 = arith.constant 0 : i32
        %parallel_loop3A_142 = arith.addi %parallel_loop3A_140, %parallel_loop3A_141 : i32
        %parallel_loop3A_143 = arith.constant 1 : i32
        %parallel_loop3A_144 = arith.index_cast %parallel_loop3A_143 : i32 to index
        %parallel_loop3A_145 = arith.index_cast %parallel_loop3A_136 : i32 to index
        %parallel_loop3A_146 = arith.index_cast %parallel_loop3A_142 : i32 to index
        %parallel_loop3A_147 = tpu.vector_load %arg5[%parallel_loop3A_144, %parallel_loop3A_145, %parallel_loop3A_146] {strides = array<i32>} : memref<2x64x512xf32, #tpu.memory_space<vmem>>, vector<16xf32>,
        %parallel_loop3A_148 = arith.constant 2.560000e+02 : f32
        %parallel_loop3A_149 = vector.broadcast %parallel_loop3A_148 : f32 to vector<16xf32>
        %parallel_loop3A_150 = arith.mulf %parallel_loop3A_147, %parallel_loop3A_149 : vector<16xf32>
        %parallel_loop3A_151 = arith.fptosi %parallel_loop3A_150 : vector<16xf32> to vector<16xi32>
        %parallel_loop3A_152 = arith.constant 4 : i32
        %parallel_loop3A_153 = vector.broadcast %parallel_loop3A_152 : i32 to vector<16xi32>
        %parallel_loop3A_154 = arith.shli %parallel_loop3A_151, %parallel_loop3A_153 : vector<16xi32>
        %parallel_loop3A_155 = arith.ori %parallel_loop3A_154, %iota3A : vector<16xi32>
        tpu.vector_store_idx %arg6[%parallel_loop3A_155], %broadcast_in_dim3A_3 {add = true} : memref<4112xf32, #tpu.memory_space<vmem>>[vector<16xi32>], vector<16xf32>,
        %parallel_loop3A_156 = arith.constant 16 : i32
        %parallel_loop3A_157 = arith.addi %parallel_loop3A_140, %parallel_loop3A_156 : i32
        %parallel_loop3A_158 = arith.constant 1 : i32
        %parallel_loop3A_159 = arith.index_cast %parallel_loop3A_158 : i32 to index
        %parallel_loop3A_160 = arith.index_cast %parallel_loop3A_136 : i32 to index
        %parallel_loop3A_161 = arith.index_cast %parallel_loop3A_157 : i32 to index
        %parallel_loop3A_162 = tpu.vector_load %arg5[%parallel_loop3A_159, %parallel_loop3A_160, %parallel_loop3A_161] {strides = array<i32>} : memref<2x64x512xf32, #tpu.memory_space<vmem>>, vector<16xf32>,
        %parallel_loop3A_163 = arith.constant 2.560000e+02 : f32
        %parallel_loop3A_164 = vector.broadcast %parallel_loop3A_163 : f32 to vector<16xf32>
        %parallel_loop3A_165 = arith.mulf %parallel_loop3A_162, %parallel_loop3A_164 : vector<16xf32>
        %parallel_loop3A_166 = arith.fptosi %parallel_loop3A_165 : vector<16xf32> to vector<16xi32>
        %parallel_loop3A_167 = arith.constant 4 : i32
        %parallel_loop3A_168 = vector.broadcast %parallel_loop3A_167 : i32 to vector<16xi32>
        %parallel_loop3A_169 = arith.shli %parallel_loop3A_166, %parallel_loop3A_168 : vector<16xi32>
        %parallel_loop3A_170 = arith.ori %parallel_loop3A_169, %iota3A : vector<16xi32>
        tpu.vector_store_idx %arg6[%parallel_loop3A_170], %broadcast_in_dim3A_3 {add = true} : memref<4112xf32, #tpu.memory_space<vmem>>[vector<16xi32>], vector<16xf32>,
        %parallel_loop3A_171 = arith.constant 32 : i32
        %parallel_loop3A_172 = arith.addi %parallel_loop3A_140, %parallel_loop3A_171 : i32
        %parallel_loop3A_173 = arith.constant 1 : i32
        %parallel_loop3A_174 = arith.index_cast %parallel_loop3A_173 : i32 to index
        %parallel_loop3A_175 = arith.index_cast %parallel_loop3A_136 : i32 to index
        %parallel_loop3A_176 = arith.index_cast %parallel_loop3A_172 : i32 to index
        %parallel_loop3A_177 = tpu.vector_load %arg5[%parallel_loop3A_174, %parallel_loop3A_175, %parallel_loop3A_176] {strides = array<i32>} : memref<2x64x512xf32, #tpu.memory_space<vmem>>, vector<16xf32>,
        %parallel_loop3A_178 = arith.constant 2.560000e+02 : f32
        %parallel_loop3A_179 = vector.broadcast %parallel_loop3A_178 : f32 to vector<16xf32>
        %parallel_loop3A_180 = arith.mulf %parallel_loop3A_177, %parallel_loop3A_179 : vector<16xf32>
        %parallel_loop3A_181 = arith.fptosi %parallel_loop3A_180 : vector<16xf32> to vector<16xi32>
        %parallel_loop3A_182 = arith.constant 4 : i32
        %parallel_loop3A_183 = vector.broadcast %parallel_loop3A_182 : i32 to vector<16xi32>
        %parallel_loop3A_184 = arith.shli %parallel_loop3A_181, %parallel_loop3A_183 : vector<16xi32>
        %parallel_loop3A_185 = arith.ori %parallel_loop3A_184, %iota3A : vector<16xi32>
        tpu.vector_store_idx %arg6[%parallel_loop3A_185], %broadcast_in_dim3A_3 {add = true} : memref<4112xf32, #tpu.memory_space<vmem>>[vector<16xi32>], vector<16xf32>,
        %parallel_loop3A_186 = arith.constant 48 : i32
        %parallel_loop3A_187 = arith.addi %parallel_loop3A_140, %parallel_loop3A_186 : i32
        %parallel_loop3A_188 = arith.constant 1 : i32
        %parallel_loop3A_189 = arith.index_cast %parallel_loop3A_188 : i32 to index
        %parallel_loop3A_190 = arith.index_cast %parallel_loop3A_136 : i32 to index
        %parallel_loop3A_191 = arith.index_cast %parallel_loop3A_187 : i32 to index
        %parallel_loop3A_192 = tpu.vector_load %arg5[%parallel_loop3A_189, %parallel_loop3A_190, %parallel_loop3A_191] {strides = array<i32>} : memref<2x64x512xf32, #tpu.memory_space<vmem>>, vector<16xf32>,
        %parallel_loop3A_193 = arith.constant 2.560000e+02 : f32
        %parallel_loop3A_194 = vector.broadcast %parallel_loop3A_193 : f32 to vector<16xf32>
        %parallel_loop3A_195 = arith.mulf %parallel_loop3A_192, %parallel_loop3A_194 : vector<16xf32>
        %parallel_loop3A_196 = arith.fptosi %parallel_loop3A_195 : vector<16xf32> to vector<16xi32>
        %parallel_loop3A_197 = arith.constant 4 : i32
        %parallel_loop3A_198 = vector.broadcast %parallel_loop3A_197 : i32 to vector<16xi32>
        %parallel_loop3A_199 = arith.shli %parallel_loop3A_196, %parallel_loop3A_198 : vector<16xi32>
        %parallel_loop3A_200 = arith.ori %parallel_loop3A_199, %iota3A : vector<16xi32>
        tpu.vector_store_idx %arg6[%parallel_loop3A_200], %broadcast_in_dim3A_3 {add = true} : memref<4112xf32, #tpu.memory_space<vmem>>[vector<16xi32>], vector<16xf32>,
        %parallel_loop3A_201 = arith.constant 64 : i32
        %parallel_loop3A_202 = arith.addi %parallel_loop3A_140, %parallel_loop3A_201 : i32
        %parallel_loop3A_203 = arith.constant 1 : i32
        %parallel_loop3A_204 = arith.index_cast %parallel_loop3A_203 : i32 to index
        %parallel_loop3A_205 = arith.index_cast %parallel_loop3A_136 : i32 to index
        %parallel_loop3A_206 = arith.index_cast %parallel_loop3A_202 : i32 to index
        %parallel_loop3A_207 = tpu.vector_load %arg5[%parallel_loop3A_204, %parallel_loop3A_205, %parallel_loop3A_206] {strides = array<i32>} : memref<2x64x512xf32, #tpu.memory_space<vmem>>, vector<16xf32>,
        %parallel_loop3A_208 = arith.constant 2.560000e+02 : f32
        %parallel_loop3A_209 = vector.broadcast %parallel_loop3A_208 : f32 to vector<16xf32>
        %parallel_loop3A_210 = arith.mulf %parallel_loop3A_207, %parallel_loop3A_209 : vector<16xf32>
        %parallel_loop3A_211 = arith.fptosi %parallel_loop3A_210 : vector<16xf32> to vector<16xi32>
        %parallel_loop3A_212 = arith.constant 4 : i32
        %parallel_loop3A_213 = vector.broadcast %parallel_loop3A_212 : i32 to vector<16xi32>
        %parallel_loop3A_214 = arith.shli %parallel_loop3A_211, %parallel_loop3A_213 : vector<16xi32>
        %parallel_loop3A_215 = arith.ori %parallel_loop3A_214, %iota3A : vector<16xi32>
        tpu.vector_store_idx %arg6[%parallel_loop3A_215], %broadcast_in_dim3A_3 {add = true} : memref<4112xf32, #tpu.memory_space<vmem>>[vector<16xi32>], vector<16xf32>,
        %parallel_loop3A_216 = arith.constant 80 : i32
        %parallel_loop3A_217 = arith.addi %parallel_loop3A_140, %parallel_loop3A_216 : i32
        %parallel_loop3A_218 = arith.constant 1 : i32
        %parallel_loop3A_219 = arith.index_cast %parallel_loop3A_218 : i32 to index
        %parallel_loop3A_220 = arith.index_cast %parallel_loop3A_136 : i32 to index
        %parallel_loop3A_221 = arith.index_cast %parallel_loop3A_217 : i32 to index
        %parallel_loop3A_222 = tpu.vector_load %arg5[%parallel_loop3A_219, %parallel_loop3A_220, %parallel_loop3A_221] {strides = array<i32>} : memref<2x64x512xf32, #tpu.memory_space<vmem>>, vector<16xf32>,
        %parallel_loop3A_223 = arith.constant 2.560000e+02 : f32
        %parallel_loop3A_224 = vector.broadcast %parallel_loop3A_223 : f32 to vector<16xf32>
        %parallel_loop3A_225 = arith.mulf %parallel_loop3A_222, %parallel_loop3A_224 : vector<16xf32>
        %parallel_loop3A_226 = arith.fptosi %parallel_loop3A_225 : vector<16xf32> to vector<16xi32>
        %parallel_loop3A_227 = arith.constant 4 : i32
        %parallel_loop3A_228 = vector.broadcast %parallel_loop3A_227 : i32 to vector<16xi32>
        %parallel_loop3A_229 = arith.shli %parallel_loop3A_226, %parallel_loop3A_228 : vector<16xi32>
        %parallel_loop3A_230 = arith.ori %parallel_loop3A_229, %iota3A : vector<16xi32>
        tpu.vector_store_idx %arg6[%parallel_loop3A_230], %broadcast_in_dim3A_3 {add = true} : memref<4112xf32, #tpu.memory_space<vmem>>[vector<16xi32>], vector<16xf32>,
        %parallel_loop3A_231 = arith.constant 96 : i32
        %parallel_loop3A_232 = arith.addi %parallel_loop3A_140, %parallel_loop3A_231 : i32
        %parallel_loop3A_233 = arith.constant 1 : i32
        %parallel_loop3A_234 = arith.index_cast %parallel_loop3A_233 : i32 to index
        %parallel_loop3A_235 = arith.index_cast %parallel_loop3A_136 : i32 to index
        %parallel_loop3A_236 = arith.index_cast %parallel_loop3A_232 : i32 to index
        %parallel_loop3A_237 = tpu.vector_load %arg5[%parallel_loop3A_234, %parallel_loop3A_235, %parallel_loop3A_236] {strides = array<i32>} : memref<2x64x512xf32, #tpu.memory_space<vmem>>, vector<16xf32>,
        %parallel_loop3A_238 = arith.constant 2.560000e+02 : f32
        %parallel_loop3A_239 = vector.broadcast %parallel_loop3A_238 : f32 to vector<16xf32>
        %parallel_loop3A_240 = arith.mulf %parallel_loop3A_237, %parallel_loop3A_239 : vector<16xf32>
        %parallel_loop3A_241 = arith.fptosi %parallel_loop3A_240 : vector<16xf32> to vector<16xi32>
        %parallel_loop3A_242 = arith.constant 4 : i32
        %parallel_loop3A_243 = vector.broadcast %parallel_loop3A_242 : i32 to vector<16xi32>
        %parallel_loop3A_244 = arith.shli %parallel_loop3A_241, %parallel_loop3A_243 : vector<16xi32>
        %parallel_loop3A_245 = arith.ori %parallel_loop3A_244, %iota3A : vector<16xi32>
        tpu.vector_store_idx %arg6[%parallel_loop3A_245], %broadcast_in_dim3A_3 {add = true} : memref<4112xf32, #tpu.memory_space<vmem>>[vector<16xi32>], vector<16xf32>,
        %parallel_loop3A_246 = arith.constant 112 : i32
        %parallel_loop3A_247 = arith.addi %parallel_loop3A_140, %parallel_loop3A_246 : i32
        %parallel_loop3A_248 = arith.constant 1 : i32
        %parallel_loop3A_249 = arith.index_cast %parallel_loop3A_248 : i32 to index
        %parallel_loop3A_250 = arith.index_cast %parallel_loop3A_136 : i32 to index
        %parallel_loop3A_251 = arith.index_cast %parallel_loop3A_247 : i32 to index
        %parallel_loop3A_252 = tpu.vector_load %arg5[%parallel_loop3A_249, %parallel_loop3A_250, %parallel_loop3A_251] {strides = array<i32>} : memref<2x64x512xf32, #tpu.memory_space<vmem>>, vector<16xf32>,
        %parallel_loop3A_253 = arith.constant 2.560000e+02 : f32
        %parallel_loop3A_254 = vector.broadcast %parallel_loop3A_253 : f32 to vector<16xf32>
        %parallel_loop3A_255 = arith.mulf %parallel_loop3A_252, %parallel_loop3A_254 : vector<16xf32>
        %parallel_loop3A_256 = arith.fptosi %parallel_loop3A_255 : vector<16xf32> to vector<16xi32>
        %parallel_loop3A_257 = arith.constant 4 : i32
        %parallel_loop3A_258 = vector.broadcast %parallel_loop3A_257 : i32 to vector<16xi32>
        %parallel_loop3A_259 = arith.shli %parallel_loop3A_256, %parallel_loop3A_258 : vector<16xi32>
        %parallel_loop3A_260 = arith.ori %parallel_loop3A_259, %iota3A : vector<16xi32>
        tpu.vector_store_idx %arg6[%parallel_loop3A_260], %broadcast_in_dim3A_3 {add = true} : memref<4112xf32, #tpu.memory_space<vmem>>[vector<16xi32>], vector<16xf32>,
      } {sc.loop_unroll_factor = 2 : i64, sc.parallel_access}
    }
    %scan3A_26 = arith.constant 8 : i32
    %scan3A_27 = arith.constant 0 : i32
    %scan3A_28 = arith.constant 0 : i32
    %scan3A_29 = arith.constant 256 : i32
    %scan3A_30 = arith.addi %scan3A_28, %scan3A_29 : i32
    %scan3A_31 = arith.constant 1 : i32
    scf.for %scan3A_79 = %scan3A_28 to %scan3A_30 step %scan3A_31  : i32 {
      %mul3A_80 = arith.constant 16 : i32
      %mul3A_81 = arith.muli %scan3A_79, %mul3A_80 : i32
      %get3A_82 = arith.index_cast %mul3A_81 : i32 to index
      %get3A_83 = tpu.vector_load %arg6[%get3A_82] {strides = array<i32>} : memref<4112xf32, #tpu.memory_space<vmem>>, vector<16xf32>,
      %shift_right_arithmetic3A = arith.constant 5 : i32
      %shift_right_arithmetic3A_84 = arith.shrsi %scan3A_79, %shift_right_arithmetic3A : i32
      %and3A = arith.constant 31 : i32
      %and3A_85 = arith.andi %scan3A_79, %and3A : i32
      %mul3A_86 = arith.constant 16 : i32
      %mul3A_87 = arith.muli %and3A_85, %mul3A_86 : i32
      %swap3A_88 = arith.index_cast %shift_right_arithmetic3A_84 : i32 to index
      %swap3A_89 = arith.index_cast %mul3A_87 : i32 to index
      %swap3A_90 = tpu.vector_load %arg8[%swap3A_88, %swap3A_89] {strides = array<i32>} : memref<8x512xf32, #tpu.memory_space<vmem>>, vector<16xf32>,
      tpu.vector_store %arg8[%swap3A_88, %swap3A_89], %get3A_83 {strides = array<i32>} : memref<8x512xf32, #tpu.memory_space<vmem>>, vector<16xf32>,
    }
    %scan3A_32 = arith.constant 256 : i32
    %get3A = arith.constant 7 : i32
    %get3A_33 = arith.index_cast %get3A : i32 to index
    %get3A_34 = arith.constant 496 : index
    %get3A_35 = tpu.vector_load %arg8[%get3A_33, %get3A_34] {strides = array<i32>} : memref<8x512xf32, #tpu.memory_space<vmem>>, vector<16xf32>,
    %get3A_36 = arith.constant 4096 : index
    %get3A_37 = tpu.vector_load %arg6[%get3A_36] {strides = array<i32>} : memref<4112xf32, #tpu.memory_space<vmem>>, vector<16xf32>,
    %add3A_38 = arith.addf %get3A_35, %get3A_37 : vector<16xf32>
    %swap3A = arith.constant 7 : i32
    %swap3A_39 = arith.index_cast %swap3A : i32 to index
    %swap3A_40 = arith.constant 496 : index
    %swap3A_41 = tpu.vector_load %arg8[%swap3A_39, %swap3A_40] {strides = array<i32>} : memref<8x512xf32, #tpu.memory_space<vmem>>, vector<16xf32>,
    tpu.vector_store %arg8[%swap3A_39, %swap3A_40], %add3A_38 {strides = array<i32>} : memref<8x512xf32, #tpu.memory_space<vmem>>, vector<16xf32>,
    %run_scoped3A = arith.constant 0 : i32
    "tpu.region"() ({
      %run_scoped3A_79 = tpu.sem_alloc : memref<!tpu.dma_semaphore, #tpu.memory_space<semaphore_mem>>
      %dma_start3A_80 = arith.constant 0 : i32
      %dma_start3A_81 = arith.constant 0 : i32
      %dma_start3A_82 = tpu.memref_slice %arg4[%run_scoped3A, %add3A, %dma_start3A_80, %dma_start3A_81] : memref<2x32x8x512xf32, #tpu.memory_space<hbm>> -> memref<1x1x8x512xf32, #tpu.memory_space<hbm>>
      %dma_start3A_83 = tpu.memref_squeeze %dma_start3A_82 : memref<1x1x8x512xf32, #tpu.memory_space<hbm>> -> memref<8x512xf32, #tpu.memory_space<hbm>>
      %dma_start3A_84 = arith.constant 0 : i32
      %dma_start3A_85 = arith.constant 0 : i32
      %dma_start3A_86 = tpu.memref_slice %arg4[%run_scoped3A, %add3A, %dma_start3A_84, %dma_start3A_85] : memref<2x32x8x512xf32, #tpu.memory_space<hbm>> -> memref<1x1x8x512xf32, #tpu.memory_space<hbm>>
      %dma_start3A_87 = tpu.memref_squeeze %dma_start3A_86 : memref<1x1x8x512xf32, #tpu.memory_space<hbm>> -> memref<8x512xf32, #tpu.memory_space<hbm>>
      tpu.enqueue_dma source(%arg8 : memref<8x512xf32, #tpu.memory_space<vmem>>) target(%dma_start3A_87 : memref<8x512xf32, #tpu.memory_space<hbm>>) target_semaphore(%run_scoped3A_79 : memref<!tpu.dma_semaphore, #tpu.memory_space<semaphore_mem>>)
      %dma_wait3A = arith.constant 0 : i32
      %dma_wait3A_88 = arith.constant 0 : i32
      %dma_wait3A_89 = tpu.memref_slice %arg4[%run_scoped3A, %add3A, %dma_wait3A, %dma_wait3A_88] : memref<2x32x8x512xf32, #tpu.memory_space<hbm>> -> memref<1x1x8x512xf32, #tpu.memory_space<hbm>>
      %dma_wait3A_90 = tpu.memref_squeeze %dma_wait3A_89 : memref<1x1x8x512xf32, #tpu.memory_space<hbm>> -> memref<8x512xf32, #tpu.memory_space<hbm>>
      %dma_wait3A_91 = arith.constant 0 : i32
      %dma_wait3A_92 = arith.constant 0 : i32
      %dma_wait3A_93 = tpu.memref_slice %arg4[%run_scoped3A, %add3A, %dma_wait3A_91, %dma_wait3A_92] : memref<2x32x8x512xf32, #tpu.memory_space<hbm>> -> memref<1x1x8x512xf32, #tpu.memory_space<hbm>>
      %dma_wait3A_94 = tpu.memref_squeeze %dma_wait3A_93 : memref<1x1x8x512xf32, #tpu.memory_space<hbm>> -> memref<8x512xf32, #tpu.memory_space<hbm>>
      tpu.wait_dma2 semaphore(%run_scoped3A_79 : memref<!tpu.dma_semaphore, #tpu.memory_space<semaphore_mem>>) src(%arg8 : memref<8x512xf32, #tpu.memory_space<vmem>>) dst(%dma_wait3A_94 : memref<8x512xf32, #tpu.memory_space<hbm>>)
      tpu.yield
    }) : () -> ()
    %dma_start3A_42 = arith.constant 0 : i32
    %dma_start3A_43 = arith.constant 0 : i32
    %dma_start3A_44 = arith.constant 0 : i32
    %dma_start3A_45 = tpu.memref_slice %arg5[%dma_start3A_42, %dma_start3A_43, %dma_start3A_44] : memref<2x64x512xf32, #tpu.memory_space<vmem>> -> memref<1x64x512xf32, #tpu.memory_space<vmem>>
    %dma_start3A_46 = tpu.memref_squeeze %dma_start3A_45 : memref<1x64x512xf32, #tpu.memory_space<vmem>> -> memref<64x512xf32, #tpu.memory_space<vmem>>
    %dma_start3A_47 = arith.constant 0 : i32
    %dma_start3A_48 = tpu.memref_slice %arg3[%mul3A_2, %dma_start3A_47] : memref<32768x512xf32, #tpu.memory_space<hbm>> -> memref<64x512xf32, #tpu.memory_space<hbm>>
    %dma_start3A_49 = arith.constant 0 : i32
    %dma_start3A_50 = arith.constant 0 : i32
    %dma_start3A_51 = tpu.memref_slice %arg5[%dma_start3A_42, %dma_start3A_49, %dma_start3A_50] : memref<2x64x512xf32, #tpu.memory_space<vmem>> -> memref<1x64x512xf32, #tpu.memory_space<vmem>>
    %dma_start3A_52 = tpu.memref_squeeze %dma_start3A_51 : memref<1x64x512xf32, #tpu.memory_space<vmem>> -> memref<64x512xf32, #tpu.memory_space<vmem>>
    %dma_start3A_53 = arith.constant 0 : i32
    %dma_start3A_54 = tpu.memref_slice %arg3[%mul3A_2, %dma_start3A_53] : memref<32768x512xf32, #tpu.memory_space<hbm>> -> memref<64x512xf32, #tpu.memory_space<hbm>>
    tpu.enqueue_dma source(%dma_start3A_54 : memref<64x512xf32, #tpu.memory_space<hbm>>) target(%dma_start3A_52 : memref<64x512xf32, #tpu.memory_space<vmem>>) target_semaphore(%arg9 : memref<!tpu.dma_semaphore, #tpu.memory_space<semaphore_mem>>)
    %scan3A_55 = arith.constant 0 : i32
    %scan3A_56 = arith.constant 0 : i32
    %scan3A_57 = arith.constant 8 : i32
    %scan3A_58 = arith.addi %scan3A_56, %scan3A_57 : i32
    %scan3A_59 = arith.constant 1 : i32
    scf.for %scan3A_79 = %scan3A_56 to %scan3A_58 step %scan3A_59  : i32 {
      %mul3A_80 = arith.constant 2 : i32
      %mul3A_81 = arith.muli %mul3A_80, %scan3A_79 : i32
      %add3A_82 = arith.constant 1 : i32
      %add3A_83 = arith.addi %mul3A_81, %add3A_82 : i32
      %mul3A_84 = arith.constant 64 : i32
      %mul3A_85 = arith.muli %add3A_83, %mul3A_84 : i32
      %add3A_86 = arith.addi %mul3A_2, %mul3A_85 : i32
      %dma_start3A_87 = arith.constant 1 : i32
      %dma_start3A_88 = arith.constant 0 : i32
      %dma_start3A_89 = arith.constant 0 : i32
      %dma_start3A_90 = tpu.memref_slice %arg5[%dma_start3A_87, %dma_start3A_88, %dma_start3A_89] : memref<2x64x512xf32, #tpu.memory_space<vmem>> -> memref<1x64x512xf32, #tpu.memory_space<vmem>>
      %dma_start3A_91 = tpu.memref_squeeze %dma_start3A_90 : memref<1x64x512xf32, #tpu.memory_space<vmem>> -> memref<64x512xf32, #tpu.memory_space<vmem>>
      %dma_start3A_92 = arith.constant 0 : i32
      %dma_start3A_93 = tpu.memref_slice %arg3[%add3A_86, %dma_start3A_92] : memref<32768x512xf32, #tpu.memory_space<hbm>> -> memref<64x512xf32, #tpu.memory_space<hbm>>
      %dma_start3A_94 = arith.constant 0 : i32
      %dma_start3A_95 = arith.constant 0 : i32
      %dma_start3A_96 = tpu.memref_slice %arg5[%dma_start3A_87, %dma_start3A_94, %dma_start3A_95] : memref<2x64x512xf32, #tpu.memory_space<vmem>> -> memref<1x64x512xf32, #tpu.memory_space<vmem>>
      %dma_start3A_97 = tpu.memref_squeeze %dma_start3A_96 : memref<1x64x512xf32, #tpu.memory_space<vmem>> -> memref<64x512xf32, #tpu.memory_space<vmem>>
      %dma_start3A_98 = arith.constant 0 : i32
      %dma_start3A_99 = tpu.memref_slice %arg3[%add3A_86, %dma_start3A_98] : memref<32768x512xf32, #tpu.memory_space<hbm>> -> memref<64x512xf32, #tpu.memory_space<hbm>>
      tpu.enqueue_dma source(%dma_start3A_99 : memref<64x512xf32, #tpu.memory_space<hbm>>) target(%dma_start3A_97 : memref<64x512xf32, #tpu.memory_space<vmem>>) target_semaphore(%arg10 : memref<!tpu.dma_semaphore, #tpu.memory_space<semaphore_mem>>)
      %dma_wait3A = arith.constant 0 : i32
      %dma_wait3A_100 = arith.constant 0 : i32
      %dma_wait3A_101 = arith.constant 0 : i32
      %dma_wait3A_102 = tpu.memref_slice %arg5[%dma_wait3A, %dma_wait3A_100, %dma_wait3A_101] : memref<2x64x512xf32, #tpu.memory_space<vmem>> -> memref<1x64x512xf32, #tpu.memory_space<vmem>>
      %dma_wait3A_103 = tpu.memref_squeeze %dma_wait3A_102 : memref<1x64x512xf32, #tpu.memory_space<vmem>> -> memref<64x512xf32, #tpu.memory_space<vmem>>
      %dma_wait3A_104 = arith.constant 0 : i32
      %dma_wait3A_105 = tpu.memref_slice %arg3[%mul3A_2, %dma_wait3A_104] : memref<32768x512xf32, #tpu.memory_space<hbm>> -> memref<64x512xf32, #tpu.memory_space<hbm>>
      %dma_wait3A_106 = arith.constant 0 : i32
      %dma_wait3A_107 = arith.constant 0 : i32
      %dma_wait3A_108 = tpu.memref_slice %arg5[%dma_wait3A, %dma_wait3A_106, %dma_wait3A_107] : memref<2x64x512xf32, #tpu.memory_space<vmem>> -> memref<1x64x512xf32, #tpu.memory_space<vmem>>
      %dma_wait3A_109 = tpu.memref_squeeze %dma_wait3A_108 : memref<1x64x512xf32, #tpu.memory_space<vmem>> -> memref<64x512xf32, #tpu.memory_space<vmem>>
      %dma_wait3A_110 = arith.constant 0 : i32
      %dma_wait3A_111 = tpu.memref_slice %arg3[%mul3A_2, %dma_wait3A_110] : memref<32768x512xf32, #tpu.memory_space<hbm>> -> memref<64x512xf32, #tpu.memory_space<hbm>>
      tpu.wait_dma2 semaphore(%arg9 : memref<!tpu.dma_semaphore, #tpu.memory_space<semaphore_mem>>) src(%dma_wait3A_111 : memref<64x512xf32, #tpu.memory_space<hbm>>) dst(%dma_wait3A_109 : memref<64x512xf32, #tpu.memory_space<vmem>>)
      %parallel_loop3A = arith.constant 0 : i32
      %parallel_loop3A_112 = arith.constant 256 : i32
      %parallel_loop3A_113 = arith.constant 1 : i32
      scf.for %parallel_loop3A_134 = %parallel_loop3A to %parallel_loop3A_112 step %parallel_loop3A_113  : i32 {
        %parallel_loop3A_135 = arith.constant 2 : i32
        %parallel_loop3A_136 = arith.shrsi %parallel_loop3A_134, %parallel_loop3A_135 : i32
        %parallel_loop3A_137 = arith.constant 3 : i32
        %parallel_loop3A_138 = arith.andi %parallel_loop3A_134, %parallel_loop3A_137 : i32
        %parallel_loop3A_139 = arith.constant 128 : i32
        %parallel_loop3A_140 = arith.muli %parallel_loop3A_138, %parallel_loop3A_139 : i32
        %parallel_loop3A_141 = arith.constant 0 : i32
        %parallel_loop3A_142 = arith.addi %parallel_loop3A_140, %parallel_loop3A_141 : i32
        %parallel_loop3A_143 = arith.constant 0 : i32
        %parallel_loop3A_144 = arith.index_cast %parallel_loop3A_143 : i32 to index
        %parallel_loop3A_145 = arith.index_cast %parallel_loop3A_136 : i32 to index
        %parallel_loop3A_146 = arith.index_cast %parallel_loop3A_142 : i32 to index
        %parallel_loop3A_147 = tpu.vector_load %arg5[%parallel_loop3A_144, %parallel_loop3A_145, %parallel_loop3A_146] {strides = array<i32>} : memref<2x64x512xf32, #tpu.memory_space<vmem>>, vector<16xf32>,
        %parallel_loop3A_148 = arith.constant 2.560000e+02 : f32
        %parallel_loop3A_149 = vector.broadcast %parallel_loop3A_148 : f32 to vector<16xf32>
        %parallel_loop3A_150 = arith.mulf %parallel_loop3A_147, %parallel_loop3A_149 : vector<16xf32>
        %parallel_loop3A_151 = arith.fptosi %parallel_loop3A_150 : vector<16xf32> to vector<16xi32>
        %parallel_loop3A_152 = arith.constant 4 : i32
        %parallel_loop3A_153 = vector.broadcast %parallel_loop3A_152 : i32 to vector<16xi32>
        %parallel_loop3A_154 = arith.shli %parallel_loop3A_151, %parallel_loop3A_153 : vector<16xi32>
        %parallel_loop3A_155 = arith.ori %parallel_loop3A_154, %iota3A : vector<16xi32>
        tpu.vector_store_idx %arg7[%parallel_loop3A_155], %broadcast_in_dim3A_3 {add = true} : memref<4112xf32, #tpu.memory_space<vmem>>[vector<16xi32>], vector<16xf32>,
        %parallel_loop3A_156 = arith.constant 16 : i32
        %parallel_loop3A_157 = arith.addi %parallel_loop3A_140, %parallel_loop3A_156 : i32
        %parallel_loop3A_158 = arith.constant 0 : i32
        %parallel_loop3A_159 = arith.index_cast %parallel_loop3A_158 : i32 to index
        %parallel_loop3A_160 = arith.index_cast %parallel_loop3A_136 : i32 to index
        %parallel_loop3A_161 = arith.index_cast %parallel_loop3A_157 : i32 to index
        %parallel_loop3A_162 = tpu.vector_load %arg5[%parallel_loop3A_159, %parallel_loop3A_160, %parallel_loop3A_161] {strides = array<i32>} : memref<2x64x512xf32, #tpu.memory_space<vmem>>, vector<16xf32>,
        %parallel_loop3A_163 = arith.constant 2.560000e+02 : f32
        %parallel_loop3A_164 = vector.broadcast %parallel_loop3A_163 : f32 to vector<16xf32>
        %parallel_loop3A_165 = arith.mulf %parallel_loop3A_162, %parallel_loop3A_164 : vector<16xf32>
        %parallel_loop3A_166 = arith.fptosi %parallel_loop3A_165 : vector<16xf32> to vector<16xi32>
        %parallel_loop3A_167 = arith.constant 4 : i32
        %parallel_loop3A_168 = vector.broadcast %parallel_loop3A_167 : i32 to vector<16xi32>
        %parallel_loop3A_169 = arith.shli %parallel_loop3A_166, %parallel_loop3A_168 : vector<16xi32>
        %parallel_loop3A_170 = arith.ori %parallel_loop3A_169, %iota3A : vector<16xi32>
        tpu.vector_store_idx %arg7[%parallel_loop3A_170], %broadcast_in_dim3A_3 {add = true} : memref<4112xf32, #tpu.memory_space<vmem>>[vector<16xi32>], vector<16xf32>,
        %parallel_loop3A_171 = arith.constant 32 : i32
        %parallel_loop3A_172 = arith.addi %parallel_loop3A_140, %parallel_loop3A_171 : i32
        %parallel_loop3A_173 = arith.constant 0 : i32
        %parallel_loop3A_174 = arith.index_cast %parallel_loop3A_173 : i32 to index
        %parallel_loop3A_175 = arith.index_cast %parallel_loop3A_136 : i32 to index
        %parallel_loop3A_176 = arith.index_cast %parallel_loop3A_172 : i32 to index
        %parallel_loop3A_177 = tpu.vector_load %arg5[%parallel_loop3A_174, %parallel_loop3A_175, %parallel_loop3A_176] {strides = array<i32>} : memref<2x64x512xf32, #tpu.memory_space<vmem>>, vector<16xf32>,
        %parallel_loop3A_178 = arith.constant 2.560000e+02 : f32
        %parallel_loop3A_179 = vector.broadcast %parallel_loop3A_178 : f32 to vector<16xf32>
        %parallel_loop3A_180 = arith.mulf %parallel_loop3A_177, %parallel_loop3A_179 : vector<16xf32>
        %parallel_loop3A_181 = arith.fptosi %parallel_loop3A_180 : vector<16xf32> to vector<16xi32>
        %parallel_loop3A_182 = arith.constant 4 : i32
        %parallel_loop3A_183 = vector.broadcast %parallel_loop3A_182 : i32 to vector<16xi32>
        %parallel_loop3A_184 = arith.shli %parallel_loop3A_181, %parallel_loop3A_183 : vector<16xi32>
        %parallel_loop3A_185 = arith.ori %parallel_loop3A_184, %iota3A : vector<16xi32>
        tpu.vector_store_idx %arg7[%parallel_loop3A_185], %broadcast_in_dim3A_3 {add = true} : memref<4112xf32, #tpu.memory_space<vmem>>[vector<16xi32>], vector<16xf32>,
        %parallel_loop3A_186 = arith.constant 48 : i32
        %parallel_loop3A_187 = arith.addi %parallel_loop3A_140, %parallel_loop3A_186 : i32
        %parallel_loop3A_188 = arith.constant 0 : i32
        %parallel_loop3A_189 = arith.index_cast %parallel_loop3A_188 : i32 to index
        %parallel_loop3A_190 = arith.index_cast %parallel_loop3A_136 : i32 to index
        %parallel_loop3A_191 = arith.index_cast %parallel_loop3A_187 : i32 to index
        %parallel_loop3A_192 = tpu.vector_load %arg5[%parallel_loop3A_189, %parallel_loop3A_190, %parallel_loop3A_191] {strides = array<i32>} : memref<2x64x512xf32, #tpu.memory_space<vmem>>, vector<16xf32>,
        %parallel_loop3A_193 = arith.constant 2.560000e+02 : f32
        %parallel_loop3A_194 = vector.broadcast %parallel_loop3A_193 : f32 to vector<16xf32>
        %parallel_loop3A_195 = arith.mulf %parallel_loop3A_192, %parallel_loop3A_194 : vector<16xf32>
        %parallel_loop3A_196 = arith.fptosi %parallel_loop3A_195 : vector<16xf32> to vector<16xi32>
        %parallel_loop3A_197 = arith.constant 4 : i32
        %parallel_loop3A_198 = vector.broadcast %parallel_loop3A_197 : i32 to vector<16xi32>
        %parallel_loop3A_199 = arith.shli %parallel_loop3A_196, %parallel_loop3A_198 : vector<16xi32>
        %parallel_loop3A_200 = arith.ori %parallel_loop3A_199, %iota3A : vector<16xi32>
        tpu.vector_store_idx %arg7[%parallel_loop3A_200], %broadcast_in_dim3A_3 {add = true} : memref<4112xf32, #tpu.memory_space<vmem>>[vector<16xi32>], vector<16xf32>,
        %parallel_loop3A_201 = arith.constant 64 : i32
        %parallel_loop3A_202 = arith.addi %parallel_loop3A_140, %parallel_loop3A_201 : i32
        %parallel_loop3A_203 = arith.constant 0 : i32
        %parallel_loop3A_204 = arith.index_cast %parallel_loop3A_203 : i32 to index
        %parallel_loop3A_205 = arith.index_cast %parallel_loop3A_136 : i32 to index
        %parallel_loop3A_206 = arith.index_cast %parallel_loop3A_202 : i32 to index
        %parallel_loop3A_207 = tpu.vector_load %arg5[%parallel_loop3A_204, %parallel_loop3A_205, %parallel_loop3A_206] {strides = array<i32>} : memref<2x64x512xf32, #tpu.memory_space<vmem>>, vector<16xf32>,
        %parallel_loop3A_208 = arith.constant 2.560000e+02 : f32
        %parallel_loop3A_209 = vector.broadcast %parallel_loop3A_208 : f32 to vector<16xf32>
        %parallel_loop3A_210 = arith.mulf %parallel_loop3A_207, %parallel_loop3A_209 : vector<16xf32>
        %parallel_loop3A_211 = arith.fptosi %parallel_loop3A_210 : vector<16xf32> to vector<16xi32>
        %parallel_loop3A_212 = arith.constant 4 : i32
        %parallel_loop3A_213 = vector.broadcast %parallel_loop3A_212 : i32 to vector<16xi32>
        %parallel_loop3A_214 = arith.shli %parallel_loop3A_211, %parallel_loop3A_213 : vector<16xi32>
        %parallel_loop3A_215 = arith.ori %parallel_loop3A_214, %iota3A : vector<16xi32>
        tpu.vector_store_idx %arg7[%parallel_loop3A_215], %broadcast_in_dim3A_3 {add = true} : memref<4112xf32, #tpu.memory_space<vmem>>[vector<16xi32>], vector<16xf32>,
        %parallel_loop3A_216 = arith.constant 80 : i32
        %parallel_loop3A_217 = arith.addi %parallel_loop3A_140, %parallel_loop3A_216 : i32
        %parallel_loop3A_218 = arith.constant 0 : i32
        %parallel_loop3A_219 = arith.index_cast %parallel_loop3A_218 : i32 to index
        %parallel_loop3A_220 = arith.index_cast %parallel_loop3A_136 : i32 to index
        %parallel_loop3A_221 = arith.index_cast %parallel_loop3A_217 : i32 to index
        %parallel_loop3A_222 = tpu.vector_load %arg5[%parallel_loop3A_219, %parallel_loop3A_220, %parallel_loop3A_221] {strides = array<i32>} : memref<2x64x512xf32, #tpu.memory_space<vmem>>, vector<16xf32>,
        %parallel_loop3A_223 = arith.constant 2.560000e+02 : f32
        %parallel_loop3A_224 = vector.broadcast %parallel_loop3A_223 : f32 to vector<16xf32>
        %parallel_loop3A_225 = arith.mulf %parallel_loop3A_222, %parallel_loop3A_224 : vector<16xf32>
        %parallel_loop3A_226 = arith.fptosi %parallel_loop3A_225 : vector<16xf32> to vector<16xi32>
        %parallel_loop3A_227 = arith.constant 4 : i32
        %parallel_loop3A_228 = vector.broadcast %parallel_loop3A_227 : i32 to vector<16xi32>
        %parallel_loop3A_229 = arith.shli %parallel_loop3A_226, %parallel_loop3A_228 : vector<16xi32>
        %parallel_loop3A_230 = arith.ori %parallel_loop3A_229, %iota3A : vector<16xi32>
        tpu.vector_store_idx %arg7[%parallel_loop3A_230], %broadcast_in_dim3A_3 {add = true} : memref<4112xf32, #tpu.memory_space<vmem>>[vector<16xi32>], vector<16xf32>,
        %parallel_loop3A_231 = arith.constant 96 : i32
        %parallel_loop3A_232 = arith.addi %parallel_loop3A_140, %parallel_loop3A_231 : i32
        %parallel_loop3A_233 = arith.constant 0 : i32
        %parallel_loop3A_234 = arith.index_cast %parallel_loop3A_233 : i32 to index
        %parallel_loop3A_235 = arith.index_cast %parallel_loop3A_136 : i32 to index
        %parallel_loop3A_236 = arith.index_cast %parallel_loop3A_232 : i32 to index
        %parallel_loop3A_237 = tpu.vector_load %arg5[%parallel_loop3A_234, %parallel_loop3A_235, %parallel_loop3A_236] {strides = array<i32>} : memref<2x64x512xf32, #tpu.memory_space<vmem>>, vector<16xf32>,
        %parallel_loop3A_238 = arith.constant 2.560000e+02 : f32
        %parallel_loop3A_239 = vector.broadcast %parallel_loop3A_238 : f32 to vector<16xf32>
        %parallel_loop3A_240 = arith.mulf %parallel_loop3A_237, %parallel_loop3A_239 : vector<16xf32>
        %parallel_loop3A_241 = arith.fptosi %parallel_loop3A_240 : vector<16xf32> to vector<16xi32>
        %parallel_loop3A_242 = arith.constant 4 : i32
        %parallel_loop3A_243 = vector.broadcast %parallel_loop3A_242 : i32 to vector<16xi32>
        %parallel_loop3A_244 = arith.shli %parallel_loop3A_241, %parallel_loop3A_243 : vector<16xi32>
        %parallel_loop3A_245 = arith.ori %parallel_loop3A_244, %iota3A : vector<16xi32>
        tpu.vector_store_idx %arg7[%parallel_loop3A_245], %broadcast_in_dim3A_3 {add = true} : memref<4112xf32, #tpu.memory_space<vmem>>[vector<16xi32>], vector<16xf32>,
        %parallel_loop3A_246 = arith.constant 112 : i32
        %parallel_loop3A_247 = arith.addi %parallel_loop3A_140, %parallel_loop3A_246 : i32
        %parallel_loop3A_248 = arith.constant 0 : i32
        %parallel_loop3A_249 = arith.index_cast %parallel_loop3A_248 : i32 to index
        %parallel_loop3A_250 = arith.index_cast %parallel_loop3A_136 : i32 to index
        %parallel_loop3A_251 = arith.index_cast %parallel_loop3A_247 : i32 to index
        %parallel_loop3A_252 = tpu.vector_load %arg5[%parallel_loop3A_249, %parallel_loop3A_250, %parallel_loop3A_251] {strides = array<i32>} : memref<2x64x512xf32, #tpu.memory_space<vmem>>, vector<16xf32>,
        %parallel_loop3A_253 = arith.constant 2.560000e+02 : f32
        %parallel_loop3A_254 = vector.broadcast %parallel_loop3A_253 : f32 to vector<16xf32>
        %parallel_loop3A_255 = arith.mulf %parallel_loop3A_252, %parallel_loop3A_254 : vector<16xf32>
        %parallel_loop3A_256 = arith.fptosi %parallel_loop3A_255 : vector<16xf32> to vector<16xi32>
        %parallel_loop3A_257 = arith.constant 4 : i32
        %parallel_loop3A_258 = vector.broadcast %parallel_loop3A_257 : i32 to vector<16xi32>
        %parallel_loop3A_259 = arith.shli %parallel_loop3A_256, %parallel_loop3A_258 : vector<16xi32>
        %parallel_loop3A_260 = arith.ori %parallel_loop3A_259, %iota3A : vector<16xi32>
        tpu.vector_store_idx %arg7[%parallel_loop3A_260], %broadcast_in_dim3A_3 {add = true} : memref<4112xf32, #tpu.memory_space<vmem>>[vector<16xi32>], vector<16xf32>,
      } {sc.loop_unroll_factor = 2 : i64, sc.parallel_access}
      %add3A_114 = arith.constant 1 : i32
      %add3A_115 = arith.addi %add3A_83, %add3A_114 : i32
      %lt3A = arith.constant 16 : i32
      %lt3A_116 = arith.cmpi slt, %add3A_115, %lt3A : i32
      %convert_element_type3A = arith.extui %lt3A_116 : i1 to i32
      %cond3A = arith.constant 0 : i32
      %cond3A_117 = arith.cmpi ne, %convert_element_type3A, %cond3A : i32
      scf.if %cond3A_117 {
        %mul3A_134 = arith.constant 64 : i32
        %mul3A_135 = arith.muli %add3A_115, %mul3A_134 : i32
        %add3A_136 = arith.addi %mul3A_2, %mul3A_135 : i32
        %dma_start3A_137 = arith.constant 0 : i32
        %dma_start3A_138 = arith.constant 0 : i32
        %dma_start3A_139 = arith.constant 0 : i32
        %dma_start3A_140 = tpu.memref_slice %arg5[%dma_start3A_137, %dma_start3A_138, %dma_start3A_139] : memref<2x64x512xf32, #tpu.memory_space<vmem>> -> memref<1x64x512xf32, #tpu.memory_space<vmem>>
        %dma_start3A_141 = tpu.memref_squeeze %dma_start3A_140 : memref<1x64x512xf32, #tpu.memory_space<vmem>> -> memref<64x512xf32, #tpu.memory_space<vmem>>
        %dma_start3A_142 = arith.constant 0 : i32
        %dma_start3A_143 = tpu.memref_slice %arg3[%add3A_136, %dma_start3A_142] : memref<32768x512xf32, #tpu.memory_space<hbm>> -> memref<64x512xf32, #tpu.memory_space<hbm>>
        %dma_start3A_144 = arith.constant 0 : i32
        %dma_start3A_145 = arith.constant 0 : i32
        %dma_start3A_146 = tpu.memref_slice %arg5[%dma_start3A_137, %dma_start3A_144, %dma_start3A_145] : memref<2x64x512xf32, #tpu.memory_space<vmem>> -> memref<1x64x512xf32, #tpu.memory_space<vmem>>
        %dma_start3A_147 = tpu.memref_squeeze %dma_start3A_146 : memref<1x64x512xf32, #tpu.memory_space<vmem>> -> memref<64x512xf32, #tpu.memory_space<vmem>>
        %dma_start3A_148 = arith.constant 0 : i32
        %dma_start3A_149 = tpu.memref_slice %arg3[%add3A_136, %dma_start3A_148] : memref<32768x512xf32, #tpu.memory_space<hbm>> -> memref<64x512xf32, #tpu.memory_space<hbm>>
        tpu.enqueue_dma source(%dma_start3A_149 : memref<64x512xf32, #tpu.memory_space<hbm>>) target(%dma_start3A_147 : memref<64x512xf32, #tpu.memory_space<vmem>>) target_semaphore(%arg9 : memref<!tpu.dma_semaphore, #tpu.memory_space<semaphore_mem>>)
      } else {
      }
      %dma_wait3A_118 = arith.constant 1 : i32
      %dma_wait3A_119 = arith.constant 0 : i32
      %dma_wait3A_120 = arith.constant 0 : i32
      %dma_wait3A_121 = tpu.memref_slice %arg5[%dma_wait3A_118, %dma_wait3A_119, %dma_wait3A_120] : memref<2x64x512xf32, #tpu.memory_space<vmem>> -> memref<1x64x512xf32, #tpu.memory_space<vmem>>
      %dma_wait3A_122 = tpu.memref_squeeze %dma_wait3A_121 : memref<1x64x512xf32, #tpu.memory_space<vmem>> -> memref<64x512xf32, #tpu.memory_space<vmem>>
      %dma_wait3A_123 = arith.constant 0 : i32
      %dma_wait3A_124 = tpu.memref_slice %arg3[%mul3A_2, %dma_wait3A_123] : memref<32768x512xf32, #tpu.memory_space<hbm>> -> memref<64x512xf32, #tpu.memory_space<hbm>>
      %dma_wait3A_125 = arith.constant 0 : i32
      %dma_wait3A_126 = arith.constant 0 : i32
      %dma_wait3A_127 = tpu.memref_slice %arg5[%dma_wait3A_118, %dma_wait3A_125, %dma_wait3A_126] : memref<2x64x512xf32, #tpu.memory_space<vmem>> -> memref<1x64x512xf32, #tpu.memory_space<vmem>>
      %dma_wait3A_128 = tpu.memref_squeeze %dma_wait3A_127 : memref<1x64x512xf32, #tpu.memory_space<vmem>> -> memref<64x512xf32, #tpu.memory_space<vmem>>
      %dma_wait3A_129 = arith.constant 0 : i32
      %dma_wait3A_130 = tpu.memref_slice %arg3[%mul3A_2, %dma_wait3A_129] : memref<32768x512xf32, #tpu.memory_space<hbm>> -> memref<64x512xf32, #tpu.memory_space<hbm>>
      tpu.wait_dma2 semaphore(%arg10 : memref<!tpu.dma_semaphore, #tpu.memory_space<semaphore_mem>>) src(%dma_wait3A_130 : memref<64x512xf32, #tpu.memory_space<hbm>>) dst(%dma_wait3A_128 : memref<64x512xf32, #tpu.memory_space<vmem>>)
      %parallel_loop3A_131 = arith.constant 0 : i32
      %parallel_loop3A_132 = arith.constant 256 : i32
      %parallel_loop3A_133 = arith.constant 1 : i32
      scf.for %parallel_loop3A_134 = %parallel_loop3A_131 to %parallel_loop3A_132 step %parallel_loop3A_133  : i32 {
        %parallel_loop3A_135 = arith.constant 2 : i32
        %parallel_loop3A_136 = arith.shrsi %parallel_loop3A_134, %parallel_loop3A_135 : i32
        %parallel_loop3A_137 = arith.constant 3 : i32
        %parallel_loop3A_138 = arith.andi %parallel_loop3A_134, %parallel_loop3A_137 : i32
        %parallel_loop3A_139 = arith.constant 128 : i32
        %parallel_loop3A_140 = arith.muli %parallel_loop3A_138, %parallel_loop3A_139 : i32
        %parallel_loop3A_141 = arith.constant 0 : i32
        %parallel_loop3A_142 = arith.addi %parallel_loop3A_140, %parallel_loop3A_141 : i32
        %parallel_loop3A_143 = arith.constant 1 : i32
        %parallel_loop3A_144 = arith.index_cast %parallel_loop3A_143 : i32 to index
        %parallel_loop3A_145 = arith.index_cast %parallel_loop3A_136 : i32 to index
        %parallel_loop3A_146 = arith.index_cast %parallel_loop3A_142 : i32 to index
        %parallel_loop3A_147 = tpu.vector_load %arg5[%parallel_loop3A_144, %parallel_loop3A_145, %parallel_loop3A_146] {strides = array<i32>} : memref<2x64x512xf32, #tpu.memory_space<vmem>>, vector<16xf32>,
        %parallel_loop3A_148 = arith.constant 2.560000e+02 : f32
        %parallel_loop3A_149 = vector.broadcast %parallel_loop3A_148 : f32 to vector<16xf32>
        %parallel_loop3A_150 = arith.mulf %parallel_loop3A_147, %parallel_loop3A_149 : vector<16xf32>
        %parallel_loop3A_151 = arith.fptosi %parallel_loop3A_150 : vector<16xf32> to vector<16xi32>
        %parallel_loop3A_152 = arith.constant 4 : i32
        %parallel_loop3A_153 = vector.broadcast %parallel_loop3A_152 : i32 to vector<16xi32>
        %parallel_loop3A_154 = arith.shli %parallel_loop3A_151, %parallel_loop3A_153 : vector<16xi32>
        %parallel_loop3A_155 = arith.ori %parallel_loop3A_154, %iota3A : vector<16xi32>
        tpu.vector_store_idx %arg7[%parallel_loop3A_155], %broadcast_in_dim3A_3 {add = true} : memref<4112xf32, #tpu.memory_space<vmem>>[vector<16xi32>], vector<16xf32>,
        %parallel_loop3A_156 = arith.constant 16 : i32
        %parallel_loop3A_157 = arith.addi %parallel_loop3A_140, %parallel_loop3A_156 : i32
        %parallel_loop3A_158 = arith.constant 1 : i32
        %parallel_loop3A_159 = arith.index_cast %parallel_loop3A_158 : i32 to index
        %parallel_loop3A_160 = arith.index_cast %parallel_loop3A_136 : i32 to index
        %parallel_loop3A_161 = arith.index_cast %parallel_loop3A_157 : i32 to index
        %parallel_loop3A_162 = tpu.vector_load %arg5[%parallel_loop3A_159, %parallel_loop3A_160, %parallel_loop3A_161] {strides = array<i32>} : memref<2x64x512xf32, #tpu.memory_space<vmem>>, vector<16xf32>,
        %parallel_loop3A_163 = arith.constant 2.560000e+02 : f32
        %parallel_loop3A_164 = vector.broadcast %parallel_loop3A_163 : f32 to vector<16xf32>
        %parallel_loop3A_165 = arith.mulf %parallel_loop3A_162, %parallel_loop3A_164 : vector<16xf32>
        %parallel_loop3A_166 = arith.fptosi %parallel_loop3A_165 : vector<16xf32> to vector<16xi32>
        %parallel_loop3A_167 = arith.constant 4 : i32
        %parallel_loop3A_168 = vector.broadcast %parallel_loop3A_167 : i32 to vector<16xi32>
        %parallel_loop3A_169 = arith.shli %parallel_loop3A_166, %parallel_loop3A_168 : vector<16xi32>
        %parallel_loop3A_170 = arith.ori %parallel_loop3A_169, %iota3A : vector<16xi32>
        tpu.vector_store_idx %arg7[%parallel_loop3A_170], %broadcast_in_dim3A_3 {add = true} : memref<4112xf32, #tpu.memory_space<vmem>>[vector<16xi32>], vector<16xf32>,
        %parallel_loop3A_171 = arith.constant 32 : i32
        %parallel_loop3A_172 = arith.addi %parallel_loop3A_140, %parallel_loop3A_171 : i32
        %parallel_loop3A_173 = arith.constant 1 : i32
        %parallel_loop3A_174 = arith.index_cast %parallel_loop3A_173 : i32 to index
        %parallel_loop3A_175 = arith.index_cast %parallel_loop3A_136 : i32 to index
        %parallel_loop3A_176 = arith.index_cast %parallel_loop3A_172 : i32 to index
        %parallel_loop3A_177 = tpu.vector_load %arg5[%parallel_loop3A_174, %parallel_loop3A_175, %parallel_loop3A_176] {strides = array<i32>} : memref<2x64x512xf32, #tpu.memory_space<vmem>>, vector<16xf32>,
        %parallel_loop3A_178 = arith.constant 2.560000e+02 : f32
        %parallel_loop3A_179 = vector.broadcast %parallel_loop3A_178 : f32 to vector<16xf32>
        %parallel_loop3A_180 = arith.mulf %parallel_loop3A_177, %parallel_loop3A_179 : vector<16xf32>
        %parallel_loop3A_181 = arith.fptosi %parallel_loop3A_180 : vector<16xf32> to vector<16xi32>
        %parallel_loop3A_182 = arith.constant 4 : i32
        %parallel_loop3A_183 = vector.broadcast %parallel_loop3A_182 : i32 to vector<16xi32>
        %parallel_loop3A_184 = arith.shli %parallel_loop3A_181, %parallel_loop3A_183 : vector<16xi32>
        %parallel_loop3A_185 = arith.ori %parallel_loop3A_184, %iota3A : vector<16xi32>
        tpu.vector_store_idx %arg7[%parallel_loop3A_185], %broadcast_in_dim3A_3 {add = true} : memref<4112xf32, #tpu.memory_space<vmem>>[vector<16xi32>], vector<16xf32>,
        %parallel_loop3A_186 = arith.constant 48 : i32
        %parallel_loop3A_187 = arith.addi %parallel_loop3A_140, %parallel_loop3A_186 : i32
        %parallel_loop3A_188 = arith.constant 1 : i32
        %parallel_loop3A_189 = arith.index_cast %parallel_loop3A_188 : i32 to index
        %parallel_loop3A_190 = arith.index_cast %parallel_loop3A_136 : i32 to index
        %parallel_loop3A_191 = arith.index_cast %parallel_loop3A_187 : i32 to index
        %parallel_loop3A_192 = tpu.vector_load %arg5[%parallel_loop3A_189, %parallel_loop3A_190, %parallel_loop3A_191] {strides = array<i32>} : memref<2x64x512xf32, #tpu.memory_space<vmem>>, vector<16xf32>,
        %parallel_loop3A_193 = arith.constant 2.560000e+02 : f32
        %parallel_loop3A_194 = vector.broadcast %parallel_loop3A_193 : f32 to vector<16xf32>
        %parallel_loop3A_195 = arith.mulf %parallel_loop3A_192, %parallel_loop3A_194 : vector<16xf32>
        %parallel_loop3A_196 = arith.fptosi %parallel_loop3A_195 : vector<16xf32> to vector<16xi32>
        %parallel_loop3A_197 = arith.constant 4 : i32
        %parallel_loop3A_198 = vector.broadcast %parallel_loop3A_197 : i32 to vector<16xi32>
        %parallel_loop3A_199 = arith.shli %parallel_loop3A_196, %parallel_loop3A_198 : vector<16xi32>
        %parallel_loop3A_200 = arith.ori %parallel_loop3A_199, %iota3A : vector<16xi32>
        tpu.vector_store_idx %arg7[%parallel_loop3A_200], %broadcast_in_dim3A_3 {add = true} : memref<4112xf32, #tpu.memory_space<vmem>>[vector<16xi32>], vector<16xf32>,
        %parallel_loop3A_201 = arith.constant 64 : i32
        %parallel_loop3A_202 = arith.addi %parallel_loop3A_140, %parallel_loop3A_201 : i32
        %parallel_loop3A_203 = arith.constant 1 : i32
        %parallel_loop3A_204 = arith.index_cast %parallel_loop3A_203 : i32 to index
        %parallel_loop3A_205 = arith.index_cast %parallel_loop3A_136 : i32 to index
        %parallel_loop3A_206 = arith.index_cast %parallel_loop3A_202 : i32 to index
        %parallel_loop3A_207 = tpu.vector_load %arg5[%parallel_loop3A_204, %parallel_loop3A_205, %parallel_loop3A_206] {strides = array<i32>} : memref<2x64x512xf32, #tpu.memory_space<vmem>>, vector<16xf32>,
        %parallel_loop3A_208 = arith.constant 2.560000e+02 : f32
        %parallel_loop3A_209 = vector.broadcast %parallel_loop3A_208 : f32 to vector<16xf32>
        %parallel_loop3A_210 = arith.mulf %parallel_loop3A_207, %parallel_loop3A_209 : vector<16xf32>
        %parallel_loop3A_211 = arith.fptosi %parallel_loop3A_210 : vector<16xf32> to vector<16xi32>
        %parallel_loop3A_212 = arith.constant 4 : i32
        %parallel_loop3A_213 = vector.broadcast %parallel_loop3A_212 : i32 to vector<16xi32>
        %parallel_loop3A_214 = arith.shli %parallel_loop3A_211, %parallel_loop3A_213 : vector<16xi32>
        %parallel_loop3A_215 = arith.ori %parallel_loop3A_214, %iota3A : vector<16xi32>
        tpu.vector_store_idx %arg7[%parallel_loop3A_215], %broadcast_in_dim3A_3 {add = true} : memref<4112xf32, #tpu.memory_space<vmem>>[vector<16xi32>], vector<16xf32>,
        %parallel_loop3A_216 = arith.constant 80 : i32
        %parallel_loop3A_217 = arith.addi %parallel_loop3A_140, %parallel_loop3A_216 : i32
        %parallel_loop3A_218 = arith.constant 1 : i32
        %parallel_loop3A_219 = arith.index_cast %parallel_loop3A_218 : i32 to index
        %parallel_loop3A_220 = arith.index_cast %parallel_loop3A_136 : i32 to index
        %parallel_loop3A_221 = arith.index_cast %parallel_loop3A_217 : i32 to index
        %parallel_loop3A_222 = tpu.vector_load %arg5[%parallel_loop3A_219, %parallel_loop3A_220, %parallel_loop3A_221] {strides = array<i32>} : memref<2x64x512xf32, #tpu.memory_space<vmem>>, vector<16xf32>,
        %parallel_loop3A_223 = arith.constant 2.560000e+02 : f32
        %parallel_loop3A_224 = vector.broadcast %parallel_loop3A_223 : f32 to vector<16xf32>
        %parallel_loop3A_225 = arith.mulf %parallel_loop3A_222, %parallel_loop3A_224 : vector<16xf32>
        %parallel_loop3A_226 = arith.fptosi %parallel_loop3A_225 : vector<16xf32> to vector<16xi32>
        %parallel_loop3A_227 = arith.constant 4 : i32
        %parallel_loop3A_228 = vector.broadcast %parallel_loop3A_227 : i32 to vector<16xi32>
        %parallel_loop3A_229 = arith.shli %parallel_loop3A_226, %parallel_loop3A_228 : vector<16xi32>
        %parallel_loop3A_230 = arith.ori %parallel_loop3A_229, %iota3A : vector<16xi32>
        tpu.vector_store_idx %arg7[%parallel_loop3A_230], %broadcast_in_dim3A_3 {add = true} : memref<4112xf32, #tpu.memory_space<vmem>>[vector<16xi32>], vector<16xf32>,
        %parallel_loop3A_231 = arith.constant 96 : i32
        %parallel_loop3A_232 = arith.addi %parallel_loop3A_140, %parallel_loop3A_231 : i32
        %parallel_loop3A_233 = arith.constant 1 : i32
        %parallel_loop3A_234 = arith.index_cast %parallel_loop3A_233 : i32 to index
        %parallel_loop3A_235 = arith.index_cast %parallel_loop3A_136 : i32 to index
        %parallel_loop3A_236 = arith.index_cast %parallel_loop3A_232 : i32 to index
        %parallel_loop3A_237 = tpu.vector_load %arg5[%parallel_loop3A_234, %parallel_loop3A_235, %parallel_loop3A_236] {strides = array<i32>} : memref<2x64x512xf32, #tpu.memory_space<vmem>>, vector<16xf32>,
        %parallel_loop3A_238 = arith.constant 2.560000e+02 : f32
        %parallel_loop3A_239 = vector.broadcast %parallel_loop3A_238 : f32 to vector<16xf32>
        %parallel_loop3A_240 = arith.mulf %parallel_loop3A_237, %parallel_loop3A_239 : vector<16xf32>
        %parallel_loop3A_241 = arith.fptosi %parallel_loop3A_240 : vector<16xf32> to vector<16xi32>
        %parallel_loop3A_242 = arith.constant 4 : i32
        %parallel_loop3A_243 = vector.broadcast %parallel_loop3A_242 : i32 to vector<16xi32>
        %parallel_loop3A_244 = arith.shli %parallel_loop3A_241, %parallel_loop3A_243 : vector<16xi32>
        %parallel_loop3A_245 = arith.ori %parallel_loop3A_244, %iota3A : vector<16xi32>
        tpu.vector_store_idx %arg7[%parallel_loop3A_245], %broadcast_in_dim3A_3 {add = true} : memref<4112xf32, #tpu.memory_space<vmem>>[vector<16xi32>], vector<16xf32>,
        %parallel_loop3A_246 = arith.constant 112 : i32
        %parallel_loop3A_247 = arith.addi %parallel_loop3A_140, %parallel_loop3A_246 : i32
        %parallel_loop3A_248 = arith.constant 1 : i32
        %parallel_loop3A_249 = arith.index_cast %parallel_loop3A_248 : i32 to index
        %parallel_loop3A_250 = arith.index_cast %parallel_loop3A_136 : i32 to index
        %parallel_loop3A_251 = arith.index_cast %parallel_loop3A_247 : i32 to index
        %parallel_loop3A_252 = tpu.vector_load %arg5[%parallel_loop3A_249, %parallel_loop3A_250, %parallel_loop3A_251] {strides = array<i32>} : memref<2x64x512xf32, #tpu.memory_space<vmem>>, vector<16xf32>,
        %parallel_loop3A_253 = arith.constant 2.560000e+02 : f32
        %parallel_loop3A_254 = vector.broadcast %parallel_loop3A_253 : f32 to vector<16xf32>
        %parallel_loop3A_255 = arith.mulf %parallel_loop3A_252, %parallel_loop3A_254 : vector<16xf32>
        %parallel_loop3A_256 = arith.fptosi %parallel_loop3A_255 : vector<16xf32> to vector<16xi32>
        %parallel_loop3A_257 = arith.constant 4 : i32
        %parallel_loop3A_258 = vector.broadcast %parallel_loop3A_257 : i32 to vector<16xi32>
        %parallel_loop3A_259 = arith.shli %parallel_loop3A_256, %parallel_loop3A_258 : vector<16xi32>
        %parallel_loop3A_260 = arith.ori %parallel_loop3A_259, %iota3A : vector<16xi32>
        tpu.vector_store_idx %arg7[%parallel_loop3A_260], %broadcast_in_dim3A_3 {add = true} : memref<4112xf32, #tpu.memory_space<vmem>>[vector<16xi32>], vector<16xf32>,
      } {sc.loop_unroll_factor = 2 : i64, sc.parallel_access}
    }
    %scan3A_60 = arith.constant 8 : i32
    %scan3A_61 = arith.constant 0 : i32
    %scan3A_62 = arith.constant 0 : i32
    %scan3A_63 = arith.constant 256 : i32
    %scan3A_64 = arith.addi %scan3A_62, %scan3A_63 : i32
    %scan3A_65 = arith.constant 1 : i32
    scf.for %scan3A_79 = %scan3A_62 to %scan3A_64 step %scan3A_65  : i32 {
      %mul3A_80 = arith.constant 16 : i32
      %mul3A_81 = arith.muli %scan3A_79, %mul3A_80 : i32
      %get3A_82 = arith.index_cast %mul3A_81 : i32 to index
      %get3A_83 = tpu.vector_load %arg7[%get3A_82] {strides = array<i32>} : memref<4112xf32, #tpu.memory_space<vmem>>, vector<16xf32>,
      %shift_right_arithmetic3A = arith.constant 5 : i32
      %shift_right_arithmetic3A_84 = arith.shrsi %scan3A_79, %shift_right_arithmetic3A : i32
      %and3A = arith.constant 31 : i32
      %and3A_85 = arith.andi %scan3A_79, %and3A : i32
      %mul3A_86 = arith.constant 16 : i32
      %mul3A_87 = arith.muli %and3A_85, %mul3A_86 : i32
      %swap3A_88 = arith.index_cast %shift_right_arithmetic3A_84 : i32 to index
      %swap3A_89 = arith.index_cast %mul3A_87 : i32 to index
      %swap3A_90 = tpu.vector_load %arg8[%swap3A_88, %swap3A_89] {strides = array<i32>} : memref<8x512xf32, #tpu.memory_space<vmem>>, vector<16xf32>,
      tpu.vector_store %arg8[%swap3A_88, %swap3A_89], %get3A_83 {strides = array<i32>} : memref<8x512xf32, #tpu.memory_space<vmem>>, vector<16xf32>,
    }
    %scan3A_66 = arith.constant 256 : i32
    %get3A_67 = arith.constant 7 : i32
    %get3A_68 = arith.index_cast %get3A_67 : i32 to index
    %get3A_69 = arith.constant 496 : index
    %get3A_70 = tpu.vector_load %arg8[%get3A_68, %get3A_69] {strides = array<i32>} : memref<8x512xf32, #tpu.memory_space<vmem>>, vector<16xf32>,
    %get3A_71 = arith.constant 4096 : index
    %get3A_72 = tpu.vector_load %arg7[%get3A_71] {strides = array<i32>} : memref<4112xf32, #tpu.memory_space<vmem>>, vector<16xf32>,
    %add3A_73 = arith.addf %get3A_70, %get3A_72 : vector<16xf32>
    %swap3A_74 = arith.constant 7 : i32
    %swap3A_75 = arith.index_cast %swap3A_74 : i32 to index
    %swap3A_76 = arith.constant 496 : index
    %swap3A_77 = tpu.vector_load %arg8[%swap3A_75, %swap3A_76] {strides = array<i32>} : memref<8x512xf32, #tpu.memory_space<vmem>>, vector<16xf32>,
    tpu.vector_store %arg8[%swap3A_75, %swap3A_76], %add3A_73 {strides = array<i32>} : memref<8x512xf32, #tpu.memory_space<vmem>>, vector<16xf32>,
    %run_scoped3A_78 = arith.constant 1 : i32
    "tpu.region"() ({
      %run_scoped3A_79 = tpu.sem_alloc : memref<!tpu.dma_semaphore, #tpu.memory_space<semaphore_mem>>
      %dma_start3A_80 = arith.constant 0 : i32
      %dma_start3A_81 = arith.constant 0 : i32
      %dma_start3A_82 = tpu.memref_slice %arg4[%run_scoped3A_78, %add3A, %dma_start3A_80, %dma_start3A_81] : memref<2x32x8x512xf32, #tpu.memory_space<hbm>> -> memref<1x1x8x512xf32, #tpu.memory_space<hbm>>
      %dma_start3A_83 = tpu.memref_squeeze %dma_start3A_82 : memref<1x1x8x512xf32, #tpu.memory_space<hbm>> -> memref<8x512xf32, #tpu.memory_space<hbm>>
      %dma_start3A_84 = arith.constant 0 : i32
      %dma_start3A_85 = arith.constant 0 : i32
      %dma_start3A_86 = tpu.memref_slice %arg4[%run_scoped3A_78, %add3A, %dma_start3A_84, %dma_start3A_85] : memref<2x32x8x512xf32, #tpu.memory_space<hbm>> -> memref<1x1x8x512xf32, #tpu.memory_space<hbm>>
      %dma_start3A_87 = tpu.memref_squeeze %dma_start3A_86 : memref<1x1x8x512xf32, #tpu.memory_space<hbm>> -> memref<8x512xf32, #tpu.memory_space<hbm>>
      tpu.enqueue_dma source(%arg8 : memref<8x512xf32, #tpu.memory_space<vmem>>) target(%dma_start3A_87 : memref<8x512xf32, #tpu.memory_space<hbm>>) target_semaphore(%run_scoped3A_79 : memref<!tpu.dma_semaphore, #tpu.memory_space<semaphore_mem>>)
      %dma_wait3A = arith.constant 0 : i32
      %dma_wait3A_88 = arith.constant 0 : i32
      %dma_wait3A_89 = tpu.memref_slice %arg4[%run_scoped3A_78, %add3A, %dma_wait3A, %dma_wait3A_88] : memref<2x32x8x512xf32, #tpu.memory_space<hbm>> -> memref<1x1x8x512xf32, #tpu.memory_space<hbm>>
      %dma_wait3A_90 = tpu.memref_squeeze %dma_wait3A_89 : memref<1x1x8x512xf32, #tpu.memory_space<hbm>> -> memref<8x512xf32, #tpu.memory_space<hbm>>
      %dma_wait3A_91 = arith.constant 0 : i32
      %dma_wait3A_92 = arith.constant 0 : i32
      %dma_wait3A_93 = tpu.memref_slice %arg4[%run_scoped3A_78, %add3A, %dma_wait3A_91, %dma_wait3A_92] : memref<2x32x8x512xf32, #tpu.memory_space<hbm>> -> memref<1x1x8x512xf32, #tpu.memory_space<hbm>>
      %dma_wait3A_94 = tpu.memref_squeeze %dma_wait3A_93 : memref<1x1x8x512xf32, #tpu.memory_space<hbm>> -> memref<8x512xf32, #tpu.memory_space<hbm>>
      tpu.wait_dma2 semaphore(%run_scoped3A_79 : memref<!tpu.dma_semaphore, #tpu.memory_space<semaphore_mem>>) src(%arg8 : memref<8x512xf32, #tpu.memory_space<vmem>>) dst(%dma_wait3A_94 : memref<8x512xf32, #tpu.memory_space<hbm>>)
      tpu.yield
    }) : () -> ()
    return
  }
}

module attributes {stable_mosaic.version = 14 : i64} {
  func.func @_loss_body(%arg0: memref<2x32x8x512xf32, #tpu.memory_space<vmem>>, %arg1: memref<1x1xf32, #tpu.memory_space<vmem>>) attributes {dimension_semantics = [], scalar_prefetch = 0 : i64, scratch_operands = 0 : i64, tpu.core_type = #tpu.core_type<tc>} {
    %get3A = arith.constant 0 : index
    %get3A_0 = arith.constant 0 : index
    %get3A_1 = arith.constant 0 : index
    %get3A_2 = arith.constant 0 : index
    %get3A_3 = vector.load %arg0[%get3A, %get3A_0, %get3A_1, %get3A_2] : memref<2x32x8x512xf32, #tpu.memory_space<vmem>>, vector<2x32x8x512xf32>
    %slice3A = vector.extract_strided_slice %get3A_3 {offsets = [0, 0, 0, 0], sizes = [1, 32, 8, 512], strides = [1, 1, 1, 1]} : vector<2x32x8x512xf32> to vector<1x32x8x512xf32>
    %squeeze3A = vector.shape_cast %slice3A : vector<1x32x8x512xf32> to vector<32x8x512xf32>
    %reduce_sum3A = arith.constant dense<0.000000e+00> : vector<8x512xf32>
    %reduce_sum3A_4 = vector.multi_reduction <add>, %squeeze3A, %reduce_sum3A [0] : vector<32x8x512xf32> to vector<8x512xf32>
    %slice3A_5 = vector.extract_strided_slice %get3A_3 {offsets = [1, 0, 0, 0], sizes = [1, 32, 8, 512], strides = [1, 1, 1, 1]} : vector<2x32x8x512xf32> to vector<1x32x8x512xf32>
    %squeeze3A_6 = vector.shape_cast %slice3A_5 : vector<1x32x8x512xf32> to vector<32x8x512xf32>
    %reduce_sum3A_7 = arith.constant dense<0.000000e+00> : vector<8x512xf32>
    %reduce_sum3A_8 = vector.multi_reduction <add>, %squeeze3A_6, %reduce_sum3A_7 [0] : vector<32x8x512xf32> to vector<8x512xf32>
    %iota3A = tpu.iota {dimensions = array<i32: 0>} : vector<512x32xi32>
    %jit3A = arith.constant 16 : i32
    %div3A = vector.broadcast %jit3A : i32 to vector<512x32xi32>
    %div3A_9 = arith.divsi %iota3A, %div3A : vector<512x32xi32>
    %sign3A = arith.constant 0 : i32
    %sign3A_10 = vector.broadcast %sign3A : i32 to vector<512x32xi32>
    %sign3A_11 = arith.cmpi sgt, %iota3A, %sign3A_10 : vector<512x32xi32>
    %sign3A_12 = arith.extui %sign3A_11 : vector<512x32xi1> to vector<512x32xi32>
    %sign3A_13 = arith.constant 0 : i32
    %sign3A_14 = vector.broadcast %sign3A_13 : i32 to vector<512x32xi32>
    %sign3A_15 = arith.cmpi slt, %iota3A, %sign3A_14 : vector<512x32xi32>
    %sign3A_16 = arith.extui %sign3A_15 : vector<512x32xi1> to vector<512x32xi32>
    %sign3A_17 = arith.subi %sign3A_12, %sign3A_16 : vector<512x32xi32>
    %sign3A_18 = arith.constant 0 : i32
    %sign3A_19 = arith.cmpi sgt, %jit3A, %sign3A_18 : i32
    %sign3A_20 = arith.extui %sign3A_19 : i1 to i32
    %sign3A_21 = arith.constant 0 : i32
    %sign3A_22 = arith.cmpi slt, %jit3A, %sign3A_21 : i32
    %sign3A_23 = arith.extui %sign3A_22 : i1 to i32
    %sign3A_24 = arith.subi %sign3A_20, %sign3A_23 : i32
    %ne3A = vector.broadcast %sign3A_24 : i32 to vector<512x32xi32>
    %ne3A_25 = arith.cmpi ne, %sign3A_17, %ne3A : vector<512x32xi32>
    %rem3A = vector.broadcast %jit3A : i32 to vector<512x32xi32>
    %rem3A_26 = arith.remsi %iota3A, %rem3A : vector<512x32xi32>
    %ne3A_27 = arith.constant 0 : i32
    %ne3A_28 = vector.broadcast %ne3A_27 : i32 to vector<512x32xi32>
    %ne3A_29 = arith.cmpi ne, %rem3A_26, %ne3A_28 : vector<512x32xi32>
    %and3A = arith.andi %ne3A_25, %ne3A_29 : vector<512x32xi1>
    %sub3A = arith.constant 1 : i32
    %sub3A_30 = vector.broadcast %sub3A : i32 to vector<512x32xi32>
    %sub3A_31 = arith.subi %div3A_9, %sub3A_30 : vector<512x32xi32>
    %select_n3A = arith.select %and3A, %sub3A_31, %div3A_9 : vector<512x32xi1>, vector<512x32xi32>
    %iota3A_32 = tpu.iota {dimensions = array<i32: 1>} : vector<512x32xi32>
    %eq3A = arith.cmpi eq, %select_n3A, %iota3A_32 : vector<512x32xi32>
    %convert_element_type3A = arith.extui %eq3A : vector<512x32xi1> to vector<512x32xi32>
    %convert_element_type3A_33 = arith.sitofp %convert_element_type3A : vector<512x32xi32> to vector<512x32xf32>
    %dot_general3A = arith.constant dense<0.000000e+00> : vector<8x32xf32>
    %dot_general3A_34 = tpu.matmul %reduce_sum3A_4, %convert_element_type3A_33, %dot_general3A {dimension_numbers = #tpu.dot_dimension_numbers<[1], [0], [0], [1], [0, 0, 1, 1], [], []>, transpose_lhs_hint = false} : vector<8x512xf32>, vector<512x32xf32>, vector<8x32xf32> -> vector<8x32xf32>
    %dot_general3A_35 = arith.constant dense<0.000000e+00> : vector<8x32xf32>
    %dot_general3A_36 = tpu.matmul %reduce_sum3A_8, %convert_element_type3A_33, %dot_general3A_35 {dimension_numbers = #tpu.dot_dimension_numbers<[1], [0], [0], [1], [0, 0, 1, 1], [], []>, transpose_lhs_hint = false} : vector<8x512xf32>, vector<512x32xf32>, vector<8x32xf32> -> vector<8x32xf32>
    %reduce_sum3A_37 = vector.shape_cast %dot_general3A_34 : vector<8x32xf32> to vector<1x8x32xf32>
    %reduce_sum3A_38 = arith.constant dense<0.000000e+00> : vector<1xf32>
    %reduce_sum3A_39 = vector.multi_reduction <add>, %reduce_sum3A_37, %reduce_sum3A_38 [1, 2] : vector<1x8x32xf32> to vector<1xf32>
    %reduce_sum3A_40 = vector.shape_cast %reduce_sum3A_39 : vector<1xf32> to vector<1x1x1xf32>
    %reduce_sum3A_41 = vector.extract %reduce_sum3A_40[0, 0, 0] : f32 from vector<1x1x1xf32>
    %div3A_42 = vector.broadcast %reduce_sum3A_41 : f32 to vector<8x32xf32>
    %div3A_43 = arith.divf %dot_general3A_34, %div3A_42 : vector<8x32xf32>
    %add3A = arith.constant 9.99999993E-9 : f32
    %add3A_44 = vector.broadcast %add3A : f32 to vector<8x32xf32>
    %add3A_45 = arith.addf %div3A_43, %add3A_44 : vector<8x32xf32>
    %reduce_sum3A_46 = vector.shape_cast %dot_general3A_36 : vector<8x32xf32> to vector<1x8x32xf32>
    %reduce_sum3A_47 = arith.constant dense<0.000000e+00> : vector<1xf32>
    %reduce_sum3A_48 = vector.multi_reduction <add>, %reduce_sum3A_46, %reduce_sum3A_47 [1, 2] : vector<1x8x32xf32> to vector<1xf32>
    %reduce_sum3A_49 = vector.shape_cast %reduce_sum3A_48 : vector<1xf32> to vector<1x1x1xf32>
    %reduce_sum3A_50 = vector.extract %reduce_sum3A_49[0, 0, 0] : f32 from vector<1x1x1xf32>
    %div3A_51 = vector.broadcast %reduce_sum3A_50 : f32 to vector<8x32xf32>
    %div3A_52 = arith.divf %dot_general3A_36, %div3A_51 : vector<8x32xf32>
    %add3A_53 = arith.constant 9.99999993E-9 : f32
    %add3A_54 = vector.broadcast %add3A_53 : f32 to vector<8x32xf32>
    %add3A_55 = arith.addf %div3A_52, %add3A_54 : vector<8x32xf32>
    %sub3A_56 = arith.subf %add3A_45, %add3A_55 : vector<8x32xf32>
    %mul3A = arith.mulf %sub3A_56, %sub3A_56 : vector<8x32xf32>
    %reduce_sum3A_57 = vector.shape_cast %mul3A : vector<8x32xf32> to vector<1x8x32xf32>
    %reduce_sum3A_58 = arith.constant dense<0.000000e+00> : vector<1xf32>
    %reduce_sum3A_59 = vector.multi_reduction <add>, %reduce_sum3A_57, %reduce_sum3A_58 [1, 2] : vector<1x8x32xf32> to vector<1xf32>
    %reduce_sum3A_60 = vector.shape_cast %reduce_sum3A_59 : vector<1xf32> to vector<1x1x1xf32>
    %reduce_sum3A_61 = vector.extract %reduce_sum3A_60[0, 0, 0] : f32 from vector<1x1x1xf32>
    %mul3A_62 = arith.constant 3.906250e-03 : f32
    %mul3A_63 = arith.mulf %reduce_sum3A_61, %mul3A_62 : f32
    %reshape3A = vector.broadcast %mul3A_63 : f32 to vector<1x1xf32>
    %swap3A = arith.constant 0 : index
    %swap3A_64 = arith.constant 0 : index
    %swap3A_65 = vector.load %arg1[%swap3A, %swap3A_64] : memref<1x1xf32, #tpu.memory_space<vmem>>, vector<1x1xf32>
    tpu.vector_store %arg1[%swap3A, %swap3A_64], %reshape3A {strides = array<i32>} : memref<1x1xf32, #tpu.memory_space<vmem>>, vector<1x1xf32>,
    return
  }
}

</mosaic_0001>

<sc_bundles>
// kernel: kernel.4.cloned.1.call-start
scs
__scs_entry_jumppad:
0x0: {  	(pc) =	sbr.rel $0x88, $3  }
0x1: {  	(tag) =	ssettag $0x0;
	lr =	simm.s32 $0x1  }
0x2: {  	[smem:$0x3F9F] =	sst lr;
	_ =	strace $0xD0000000  }
0x3: {  	_ = 	snop  }
0x4: {  	_ = 	snop  }
0x5: {  	_ = 	snop  }
0x6: {  	_ = 	snop  }
0x7: {  	_ = 	snop  }
__scs_overlays_trampoline_lowered:
0x8: {  	[smem:$0x3FAE] =	sst s0  }
0x9: {  	[smem:$0x3FAF] =	sst s1  }
0xa: {  	[smem:$0x3FB0] =	sst s2  }
0xb: {  	[smem:$0x3FB1] =	sst s3  }
0xc: {  	[smem:$0x3FB2] =	sst s4  }
0xd: {  	[smem:$0x3FB3] =	sst s5  }
0xe: {  	[smem:$0x3FB4] =	sst s6  }
0xf: {  	[smem:$0x3FB5] =	sst s7  }
0x10: {  	[smem:$0x3FB6] =	sst s8  }
0x11: {  	[smem:$0x3FB7] =	sst s9;
	s0 =	simm.s32 @!p0 $0x0  }
0x12: {  	s1 =	sld [smem:$0x3F9D];
	s0 =	simm.s32 @p0 $0x1  }
0x13: {  	[smem:$0x3FB8] =	sst s0;
	s0 =	simm.s32 @!p1 $0x0  }
0x14: {  	s2 =	sld [smem:$0x3F9C];
	s0 =	simm.s32 @p1 $0x1  }
0x15: {  	[smem:$0x3FB9] =	sst s0;
	s0 =	simm.s32 @!p2 $0x0  }
0x16: {  	s3 =	sld [smem:$0x3FDB];
	s0 =	simm.s32 @p2 $0x1  }
0x17: {  	s4 =	simm.s32 $0x1BF5;
	[smem:$0x3FBB] =	sst s0  }
0x18: {  	s0 =	sld [smem:$0x3F9E];
	_ =	swait.ge [sflag:s4], $0x0  }
0x19: {  	s7 =	sld [smem:$0x3F9F]  }
0x1a: {  	s8 =	sadd.s32 $0xFFFFE003, lr  }
0x1b: {  	s9 =	sadd.s32 $0xFFFFFEF7, lr;
	s5 =	simm.s32 $0xFFFFFFFF;
	p2 =	slt.u32 s8, $0xFFFFF086  }
0x1c: {  	p1 =	slt.u32 s9, $0xF7A;
	s5 =	simm.s32 @!p2 $0x0  }
0x1d: {  	s5 =	simm.s32 @p1 $0x1;
	p0 =	seq.s32 s7, s2  }
0x1e: {  	s7 =	smul.u32 @!p0 $0xF7A, s2;
	p2 =	seq.s32 @!p0 s5, $0x0  }
0x1f: {  	s9 =	smul.u32 $0xF7A, s1;
	s8 =	simm.s32 @!p0 $0x1BF5;
	p2 =	por !p2, p0  }
0x20: {  	[sflag:s8] =	ssyncset.s32 @!p0 $0xFFFFF086;
	s6 =	sadd.s32 @!p0 s3, s7;
	s7 =	simm.s32 @!p0 $0x108  }
0x21: {  	s3 =	sadd.s32 s3, s9;
	s6 =	sadd.s32 @!p0 $0x88, s6;
	s7 =	simm.s32 @p2 $0x1082  }
0x22: {  	[simem:s7], [sflag:s8] =	dma.local @!p0 [hbm:s6], $0xF7A  }
0x23: {  	s9 =	sor.u32 $0xD0000000, s2;
	s6 =	simm.s32 $0x108;
	_ =	swait.ge @!p0 [sflag:s8], $0x0  }
0x24: {  	s3 =	sadd.s32 $0x88, s3;
	s6 =	simm.s32 @!p1 $0x1082;
	[sflag:s4] =	ssyncset.s32 $0xFFFFF086  }
0x25: {  	[simem:s6], [sflag:s4] =	dma.local [hbm:s3], $0xF7A  }
0x26: {  	[smem:$0x3F9F] =	sst s1;
	(tag) =	ssettag s2;
	_ =	strace s9  }
0x27: {  	s1 =	sld [smem:$0x3FAF]  }
0x28: {  	s2 =	sld [smem:$0x3FB0]  }
0x29: {  	s4 =	sld [smem:$0x3FB2]  }
0x2a: {  	p0 =	seq.s32 s5, $0x0;
	s5 =	sld [smem:$0x3FB3]  }
0x2b: {  	s6 =	sld [smem:$0x3FB4]  }
0x2c: {  	s7 =	sld [smem:$0x3FB5]  }
0x2d: {  	s3 =	simm.s32 $0x108;
	s8 =	sld [smem:$0x3FB6]  }
0x2e: {  	s3 =	simm.s32 @!p0 $0x1082;
	s9 =	sld [smem:$0x3FB7]  }
0x2f: {  	lr =	sadd.s32 s0, s3;
	s0 =	sld [smem:$0x3FAE]  }
0x30: {  	s3 =	sld [smem:$0x3FB1]  }
0x31: {  	[smem:$0x3FBA] =	sst s10  }
0x32: {  	s10 =	sld [smem:$0x3FB8];
	_ =	sdelay $0x3  }
0x33: {  	p0 =	seq.s32 s10, $0x1;
	s10 =	sld [smem:$0x3FBA];
	_ =	sdelay $0x3  }
0x34: {  	[smem:$0x3FBA] =	sst s10  }
0x35: {  	s10 =	sld [smem:$0x3FB9];
	_ =	sdelay $0x3  }
0x36: {  	p1 =	seq.s32 s10, $0x1;
	s10 =	sld [smem:$0x3FBA];
	_ =	sdelay $0x3  }
0x37: {  	[smem:$0x3FBA] =	sst s10  }
0x38: {  	s10 =	sld [smem:$0x3FBB]  }
0x39: {  	_ = 	snop;
	(pc) =	sbr.ind lr, $3  }
0x3a: {  	_ = 	snop  }
0x3b: {  	_ = 	snop  }
0x3c: {  	p2 =	seq.s32 s10, $0x1;
	s10 =	sld [smem:$0x3FBA]  }
0x3d: {  	_ =	shalt  }
0x3e: {  	_ =	shalt  }
0x3f: {  	_ =	shalt  }
0x40: {  	_ =	shalt  }
0x41: {  	_ =	shalt  }
0x42: {  	_ =	shalt  }
0x43: {  	_ =	shalt  }
0x44: {  	_ =	shalt  }
0x45: {  	_ =	shalt  }
0x46: {  	_ =	shalt  }
0x47: {  	_ =	shalt  }
0x48: {  	_ =	shalt  }
0x49: {  	_ =	shalt  }
0x4a: {  	_ =	shalt  }
0x4b: {  	_ =	shalt  }
0x4c: {  	_ =	shalt  }
0x4d: {  	_ =	shalt  }
0x4e: {  	_ =	shalt  }
0x4f: {  	_ =	shalt  }
0x50: {  	_ =	shalt  }
0x51: {  	_ =	shalt  }
0x52: {  	_ =	shalt  }
0x53: {  	_ =	shalt  }
0x54: {  	_ =	shalt  }
0x55: {  	_ =	shalt  }
0x56: {  	_ =	shalt  }
0x57: {  	_ =	shalt  }
0x58: {  	_ =	shalt  }
0x59: {  	_ =	shalt  }
0x5a: {  	_ =	shalt  }
0x5b: {  	_ =	shalt  }
0x5c: {  	_ =	shalt  }
0x5d: {  	_ =	shalt  }
0x5e: {  	_ =	shalt  }
0x5f: {  	_ =	shalt  }
0x60: {  	_ =	shalt  }
0x61: {  	_ =	shalt  }
0x62: {  	_ =	shalt  }
0x63: {  	_ =	shalt  }
0x64: {  	_ =	shalt  }
0x65: {  	_ =	shalt  }
0x66: {  	_ =	shalt  }
0x67: {  	_ =	shalt  }
0x68: {  	_ =	shalt  }
0x69: {  	_ =	shalt  }
0x6a: {  	_ =	shalt  }
0x6b: {  	_ =	shalt  }
0x6c: {  	_ =	shalt  }
0x6d: {  	_ =	shalt  }
0x6e: {  	_ =	shalt  }
0x6f: {  	_ =	shalt  }
0x70: {  	_ =	shalt  }
0x71: {  	_ =	shalt  }
0x72: {  	_ =	shalt  }
0x73: {  	_ =	shalt  }
0x74: {  	_ =	shalt  }
0x75: {  	_ =	shalt  }
0x76: {  	_ =	shalt  }
0x77: {  	_ =	shalt  }
0x78: {  	_ =	shalt  }
0x79: {  	_ =	shalt  }
0x7a: {  	_ =	shalt  }
0x7b: {  	_ =	shalt  }
0x7c: {  	_ =	shalt  }
0x7d: {  	_ =	shalt  }
0x7e: {  	_ =	shalt  }
0x7f: {  	_ =	shalt  }
0x80: {  	_ =	shalt  }
0x81: {  	_ =	shalt  }
0x82: {  	_ =	shalt  }
0x83: {  	_ =	shalt  }
0x84: {  	_ =	shalt  }
0x85: {  	_ =	shalt  }
0x86: {  	_ =	shalt  }
0x87: {  	_ =	shalt  }
.Lfunc_end0:
.L_simem_size_0:
called_computation_lowered:
.L_overlay_start_0:
0x88: {  	s2 =	sld [smem:$0x3FD9]  }
0x89: {  	s3 =	sld [smem:$0x3FFE];
	_ =	sdelay $0x1  }
0x8a: {  	s1 =	srdreg.scid  }
0x8b: {  	s0 =	sand.u32 $0x1, s1  }
0x8c: {  	s17 =	sshll.u32 s0, $0xA;
	s2 =	sadd.s32 s3, s2  }
0x8d: {  	s2 =	sadd.s32 s2, s17  }
0x8e: {  	[smem:$0x3FC6] =	sst s2  }
0x8f: {  	_ = 	snop  }
0x90: {  	s2 =	sld [smem:$0x3FC9]  }
0x91: {  	s18 =	sld [smem:$0x3FC8];
	(tm) =	ssettm $0x1  }
0x92: {  	s4 =	sld [smem:$0x3FFB];
	_ =	sdelay $0x3  }
0x93: {  	_ =	strace s4  }
0x94: {  	s4 =	sld [smem:$0x3FFC];
	_ =	sdelay $0x3  }
0x95: {  	_ =	strace s4  }
0x96: {  	s4 =	sld [smem:$0x3FFD];
	_ =	sdelay $0x3  }
0x97: {  	_ =	strace s4  }
0x98: {  	_ =	strace $0x8FFFFFFF  }
0x99: {  	s19 =	sld [smem:$0x3FDB];
	_ =	sdelay $0x1  }
0x9a: {  	s5 =	simm.s32 $_scs_section_size  }
0x9b: {  	s6 =	simm.s32 $_size__tile_overlayer_lowered;
	s7 =	simm.s32 $_tile_overlayer_lowered  }
0x9c: {  	s22 =	simm.s32 $0x1BFF;
	s21 =	sshll.u32 s7, $0x1;
	s4 =	sadd.s32 s5, s19  }
0x9d: {  	s8 =	simm.s32 $0x0;
	s20 =	sshll.u32 s6, $0x1;
	s6 =	sadd.s32 s21, s4  }
0x9e: {  	[timem:s8], [sflag:s22] =	dma.local [hbm:s6], s20  }
0x9f: {  	_ =	swait.ge [sflag:s22], s20  }
0xa0: {  	s5 =	ssub.s32 $0x0, s20;
	[sflag:s22] =	ssyncset.done $0x0  }
0xa1: {  	[sflag:s22] =	ssyncadd.s32 s5;
	_ =	sdelay $0x1  }
0xa2: {  	s23 =	simm.s32 $0x1B8B  }
0xa3: {  	_ =	swait.ge [sflag:s23], $0x1  }
0xa4: {  	[sflag:s23] =	ssyncset.done $0x0  }
0xa5: {  	s25 =	simm.s32 $0x1B8E;
	s24 =	sld [smem:$0x3FFE];
	[sflag:s23] =	ssyncadd.s32 $0xFFFFFFFF  }
0xa6: {  	s26 =	simm.s32 $execute0_lowered;
	[smem:$0x3FD2] =	sst s25  }
0xa7: {  	s6 =	sshll.u32 s26, $0x1;
	_ =	strace $0x80000046;
	[dreg:$0x1] =	wrdreg $0xFFFFFFFF  }
0xa8: {  	s28 =	simm.s32 $_size_execute0_lowered;
	s4 =	sadd.s32 s4, s6;
	[dreg:$0x0] =	wrdreg $0x0  }
0xa9: {  	s6 =	sshll.u32 s28, $0x1;
	[dreg:$0x2] =	wrdreg s4  }
0xaa: {  	[dreg:$0x3] =	wrdreg s6  }
0xab: {  	[dreg:$0x4] =	wrdreg $0xC0  }
0xac: {  	_ =	task [dreg:s8], $0x5FFFF  }
0xad: {  	[dreg:$0x1] =	wrdreg $0xFFFFFFFF  }
0xae: {  	[dreg:$0x0] =	wrdreg $0x60  }
0xaf: {  	[dreg:$0x2] =	wrdreg s2  }
0xb0: {  	[dreg:$0x3] =	wrdreg s18  }
0xb1: {  	[dreg:$0x4] =	wrdreg s24  }
0xb2: {  	[dreg:$0x5] =	wrdreg $0x9  }
0xb3: {  	_ =	task.clear_ibuf [dreg:s8], $0x6FFFF;
	_ =	strace $0x90000046  }
0xb4: {  	s29 =	simm.s32 $0x9;
	_ =	strace $0x80000048  }
0xb5: {  	_ =	swait.ge [sflag:s29], $0x1  }
0xb6: {  	[sflag:s29] =	ssyncadd.s32 $0xFFFFFFFF  }
0xb7: {  	_ =	strace $0x90000048  }
0xb8: {  	_ =	sfence  }
0xb9: {  	s30 =	sld [smem:$0x0];
	_ =	sdelay $0x2  }
0xba: {  	s31 =	sshll.u32 s1, $0xD;
	s1 =	sshrl.u32 s1, $0x2  }
0xbb: {  	s3 =	sand.u32 $0x4000, s31;
	s1 =	sadd.s32 s1, s30  }
0xbc: {  	s0 =	sor.u32 s3, s0;
	s1 =	sshll.u32 s1, $0x11  }
0xbd: {  	s0 =	sor.u32 s1, s0  }
0xbe: {  	s0 =	sadd.s32 $0x8F2B, s0  }
0xbf: {  	[sflag:s0] =	ssyncadd.remote.s32 $0x1  }
0xc0: {  	_ =	sfence.sel $0xFFFF  }
0xc1: {  	[dreg:$0x0] =	wrdreg $0xFFFFFFFF;
	(pc) =	sbr.abs _section_cstart, $3  }
0xc2: {  	[dreg:$0x1] =	wrdreg $0xFFFFFFFF  }
0xc3: {  	_ =	task.clear_ibuf [dreg:s8], $0x2FFFF;
	_ =	strace $0x9FFFFFFF  }
0xc4: {  	(tm) =	ssettm $0x7FFFFFFF  }
0xc5: {  	_ =	shalt  }
tec
execute0_lowered:
.L_overlay_start_1:
0x0: {  	(tag) =	ssettag $0x1  }
0x1: {  	s10 =	rddreg [dreg:$0x0]  }
0x2: {  	s11 =	rddreg [dreg:$0x1]  }
0x3: {  	s3 =	rddreg [dreg:$0x2];
	s1 =	srdreg.scid;
	s2 =	simm.s32 $0x0  }
0x4: {  	s13 =	simm.s32 $0x1;
	s14 =	simm.s32 $0x10000;
	s15 =	simm.s32 $0x2  }
0x5: {  	s16 =	simm.s32 $0x12100;
	s17 =	simm.s32 $0x3;
	s18 =	simm.s32 $0x11080  }
0x6: {  	s19 =	simm.s32 $0x0;
	s4 =	sand.u32 $0x1, s1;
	[smem:$0x7FF] =	sst s2  }
0x7: {  	s1 =	stileid.u32;
	s5 =	sshll.u32 s4, $0x4;
	s4 =	ssub.s32 $0x2, s4  }
0x8: {  	_ =	strace $0x80000047;
	s5 =	sor.u32 s1, s5;
	s31 =	sshrl.u32 s4, $0x1  }
0x9: {  	s6 =	sshll.u32 s5, $0x9;
	s7 =	sshll.u32 s5, $0x10;
	s9 =	ssub.s32 s4, s31  }
0xa: {  	s8 =	sadd.s32 s6, s3;
	s3 =	sadd.s32 s10, s7;
	s5 =	sadd.s32 s11, s7  }
0xb: {  	s12 =	sor.u32 $0x1000, s7;
	s9 =	smax.u32 s9, $0x1;
	s4 =	sadd.s32 $0x2000, s3  }
0xc: {  	s6 =	sadd.s32 $0x600, s8;
	s7 =	sadd.s32 $0x2000, s5;
	s8 =	sadd.s32 $0x4600, s8  }
0xd: {  	v0 =	vimm.f32 $0.0e+00;
	v1 =	vlaneseq.u32;
	v2 =	vimm.f32 $1.000000000e+00;
	s10 =	sadd.s32 s10, s12;
	s11 =	sadd.s32 s11, s12;
	s12 =	simm.s32 $0x8000  }
.LBB2_1:
0xe: {  	s20 =	simm.s32 $0x40;
	s21 =	simm.s32 $0x0  }
.LBB2_2:
0xf: {  	p0 =	sne.s32 s20, $0x4000;
	[tilespmem:s21+$0x10000] =	vst v0;
	s22 =	smov.u32 s20;
	s20 =	sadd.s32 $0x40, s20  }
.Ltmp0:
0x10: {  	[tilespmem:s21+$0x11080] =	vst v0;
	(pc) =	sbr.rel @p0 .LBB2_2-.Ltmp0, $2  }
0x11: {  	_ =	sdelay $0x2  }
0x12: {  	s21 =	sshra.s32 s22, $0x2  }
0x13: {  	[tilespmem:s21+$0x10000] =	vst v0  }
0x14: {  	[tilespmem:s21+$0x11080] =	vst v0;
	s20 =	simm.s32 $0x0;
	s21 =	simm.s32 $0x0  }
0x15: {  	[tilespmem:s20], [sflag:$0x1] =	stream.linear.gather [hbm4b:s3+s20], $0x8000, $0x38;
	[tilespmem:$0x13100] =	vst v63  }
.LBB2_4:
0x16: {  	s22 =	sshll.u32 s21, $0xD;
	s26 =	sand.u32 $0x2000, s20  }
0x17: {  	s24 =	simm.s32 $0x0;
	s25 =	simm.s32 $0x0;
	s23 =	sadd.s32 s10, s22  }
0x18: {  	[tilespmem:s12], [sflag:$0x2] =	stream.linear.gather [hbm4b:s23+s20], $0x8000, $0x38;
	[tilespmem:$0x13100] =	vst v63  }
0x19: {  	s24 =	sand.u32 $0x7000, s24;
	s23 =	sshrl.u32 s26, $0x2;
	_ =	swait.ge [sflag:s13], $0x8000  }
0x1a: {  	s25 =	sand.u32 $0x380, s25;
	s23 =	sor.u32 s23, s24;
	[sflag:s13] =	ssyncset.done $0x0  }
0x1b: {  	s28 =	sor.u32 s25, s23;
	[sflag:s13] =	ssyncadd.s32 $0xFFFF8000  }
0x1c: {  	v3 =	vld [tilespmem:s28+$0x400];
	_ =	sdelay $0x4  }
0x1d: {  	v3 =	vmul.f32 $2.560000000e+02, v3;
	_ =	sdelay $0x1  }
0x1e: {  	v3 =	vtrunc.f32 v3  }
0x1f: {  	v4 =	vld [tilespmem:s28+$0x0];
	v3 =	vcvt.f32.s32 v3;
	_ =	sdelay $0x1  }
0x20: {  	v3 =	vshll.u32 v3, $0x4  }
0x21: {  	v3 =	vor.u32 v1, v3;
	_ =	sdelay $0x1  }
0x22: {  	v4 =	vmul.f32 $2.560000000e+02, v4;
	_ =	sdelay $0x1  }
0x23: {  	v4 =	vtrunc.f32 v4  }
0x24: {  	[tilespmem:v3+s14+$0x0] =	vst.idx.add.f32.msk $0xffff, v2;
	v3 =	vcvt.f32.s32 v4  }
0x25: {  	v4 =	vld [tilespmem:s28+$0x410]  }
0x26: {  	v3 =	vshll.u32 v3, $0x4  }
0x27: {  	v3 =	vor.u32 v1, v3;
	_ =	sdelay $0x2  }
0x28: {  	v4 =	vmul.f32 $2.560000000e+02, v4;
	_ =	sdelay $0x1  }
0x29: {  	v4 =	vtrunc.f32 v4;
	[tilespmem:v3+s14+$0x0] =	vst.idx.add.f32.msk $0xffff, v2  }
0x2a: {  	v3 =	vcvt.f32.s32 v4;
	v4 =	vld [tilespmem:s28+$0x10];
	_ =	sdelay $0x1  }
0x2b: {  	s30 =	simm.s32 $0x2000;
	v3 =	vshll.u32 v3, $0x4  }
0x2c: {  	s31 =	simm.s32 $0x100;
	s23 =	sand.u32 $0x2000, s30;
	v3 =	vor.u32 v1, v3  }
0x2d: {  	s0 =	simm.s32 $0x40;
	s24 =	sand.u32 $0x7000, s31;
	s23 =	sshrl.u32 s23, $0x2  }
0x2e: {  	s25 =	sand.u32 $0x380, s0;
	s23 =	sor.u32 s23, s24;
	v4 =	vmul.f32 $2.560000000e+02, v4  }
0x2f: {  	s23 =	sor.u32 s25, s23  }
0x30: {  	v5 =	vld [tilespmem:s23+$0x400];
	v4 =	vtrunc.f32 v4  }
0x31: {  	[tilespmem:v3+s14+$0x0] =	vst.idx.add.f32.msk $0xffff, v2;
	v3 =	vcvt.f32.s32 v4  }
0x32: {  	v4 =	vld [tilespmem:s28+$0x420]  }
0x33: {  	v3 =	vshll.u32 v3, $0x4  }
0x34: {  	v3 =	vor.u32 v1, v3  }
0x35: {  	v5 =	vmul.f32 $2.560000000e+02, v5;
	_ =	sdelay $0x1  }
0x36: {  	v5 =	vtrunc.f32 v5;
	v4 =	vmul.f32 $2.560000000e+02, v4  }
0x37: {  	v6 =	vld [tilespmem:s23+$0x0];
	v5 =	vcvt.f32.s32 v5  }
0x38: {  	v4 =	vtrunc.f32 v4;
	[tilespmem:v3+s14+$0x0] =	vst.idx.add.f32.msk $0xffff, v2  }
0x39: {  	v3 =	vshll.u32 v5, $0x4;
	v4 =	vcvt.f32.s32 v4;
	v5 =	vld [tilespmem:s28+$0x20]  }
0x3a: {  	v3 =	vor.u32 v1, v3  }
0x3b: {  	v4 =	vshll.u32 v4, $0x4  }
0x3c: {  	v6 =	vmul.f32 $2.560000000e+02, v6;
	v4 =	vor.u32 v1, v4;
	_ =	sdelay $0x1  }
0x3d: {  	v6 =	vtrunc.f32 v6;
	v5 =	vmul.f32 $2.560000000e+02, v5  }
0x3e: {  	[tilespmem:v3+s14+$0x0] =	vst.idx.add.f32.msk $0xffff, v2;
	v3 =	vcvt.f32.s32 v6  }
0x3f: {  	v6 =	vld [tilespmem:s23+$0x410];
	v5 =	vtrunc.f32 v5  }
0x40: {  	v3 =	vshll.u32 v3, $0x4;
	[tilespmem:v4+s14+$0x0] =	vst.idx.add.f32.msk $0xffff, v2;
	v4 =	vcvt.f32.s32 v5  }
0x41: {  	v3 =	vor.u32 v1, v3;
	v5 =	vld [tilespmem:s28+$0x430]  }
0x42: {  	v4 =	vshll.u32 v4, $0x4  }
0x43: {  	v4 =	vor.u32 v1, v4  }
0x44: {  	v6 =	vmul.f32 $2.560000000e+02, v6;
	_ =	sdelay $0x1  }
0x45: {  	v6 =	vtrunc.f32 v6;
	[tilespmem:v3+s14+$0x0] =	vst.idx.add.f32.msk $0xffff, v2;
	v5 =	vmul.f32 $2.560000000e+02, v5  }
0x46: {  	v3 =	vcvt.f32.s32 v6;
	v6 =	vld [tilespmem:s23+$0x10]  }
0x47: {  	s25 =	simm.s32 $0x4000;
	v5 =	vtrunc.f32 v5;
	[tilespmem:v4+s14+$0x0] =	vst.idx.add.f32.msk $0xffff, v2  }
0x48: {  	s26 =	simm.s32 $0x200;
	s24 =	sand.u32 $0x2000, s25;
	v3 =	vshll.u32 v3, $0x4;
	v4 =	vcvt.f32.s32 v5;
	v5 =	vld [tilespmem:s28+$0x30]  }
0x49: {  	s25 =	sand.u32 $0x7000, s26;
	s26 =	simm.s32 $0x80;
	s24 =	sshrl.u32 s24, $0x2;
	v3 =	vor.u32 v1, v3  }
0x4a: {  	s26 =	sand.u32 $0x380, s26;
	s24 =	sor.u32 s24, s25;
	v4 =	vshll.u32 v4, $0x4  }
0x4b: {  	s24 =	sor.u32 s26, s24;
	v6 =	vmul.f32 $2.560000000e+02, v6;
	v4 =	vor.u32 v1, v4  }
0x4c: {  	v7 =	vld [tilespmem:s24+$0x400]  }
0x4d: {  	v6 =	vtrunc.f32 v6;
	v5 =	vmul.f32 $2.560000000e+02, v5  }
0x4e: {  	[tilespmem:v3+s14+$0x0] =	vst.idx.add.f32.msk $0xffff, v2;
	v3 =	vcvt.f32.s32 v6  }
0x4f: {  	v6 =	vld [tilespmem:s23+$0x420];
	v5 =	vtrunc.f32 v5  }
0x50: {  	v3 =	vshll.u32 v3, $0x4;
	[tilespmem:v4+s14+$0x0] =	vst.idx.add.f32.msk $0xffff, v2;
	v4 =	vcvt.f32.s32 v5  }
0x51: {  	v7 =	vmul.f32 $2.560000000e+02, v7;
	v3 =	vor.u32 v1, v3;
	v5 =	vld [tilespmem:s28+$0x440]  }
0x52: {  	v4 =	vshll.u32 v4, $0x4  }
0x53: {  	v7 =	vtrunc.f32 v7;
	v4 =	vor.u32 v1, v4  }
0x54: {  	v8 =	vld [tilespmem:s24+$0x0];
	v7 =	vcvt.f32.s32 v7;
	v6 =	vmul.f32 $2.560000000e+02, v6;
	_ =	sdelay $0x1  }
0x55: {  	v6 =	vtrunc.f32 v6;
	[tilespmem:v3+s14+$0x0] =	vst.idx.add.f32.msk $0xffff, v2;
	v3 =	vshll.u32 v7, $0x4;
	v5 =	vmul.f32 $2.560000000e+02, v5  }
0x56: {  	v6 =	vcvt.f32.s32 v6;
	v7 =	vld [tilespmem:s23+$0x20];
	v3 =	vor.u32 v1, v3  }
0x57: {  	v5 =	vtrunc.f32 v5;
	[tilespmem:v4+s14+$0x0] =	vst.idx.add.f32.msk $0xffff, v2  }
0x58: {  	v8 =	vmul.f32 $2.560000000e+02, v8;
	v4 =	vshll.u32 v6, $0x4;
	v5 =	vcvt.f32.s32 v5;
	v6 =	vld [tilespmem:s28+$0x40]  }
0x59: {  	v4 =	vor.u32 v1, v4  }
0x5a: {  	v8 =	vtrunc.f32 v8;
	v5 =	vshll.u32 v5, $0x4  }
0x5b: {  	v7 =	vmul.f32 $2.560000000e+02, v7;
	[tilespmem:v3+s14+$0x0] =	vst.idx.add.f32.msk $0xffff, v2;
	v3 =	vcvt.f32.s32 v8;
	v5 =	vor.u32 v1, v5  }
0x5c: {  	v8 =	vld [tilespmem:s24+$0x410]  }
0x5d: {  	v7 =	vtrunc.f32 v7;
	v3 =	vshll.u32 v3, $0x4;
	v6 =	vmul.f32 $2.560000000e+02, v6  }
0x5e: {  	[tilespmem:v4+s14+$0x0] =	vst.idx.add.f32.msk $0xffff, v2;
	v4 =	vcvt.f32.s32 v7;
	v3 =	vor.u32 v1, v3  }
0x5f: {  	v7 =	vld [tilespmem:s23+$0x430];
	v6 =	vtrunc.f32 v6  }
0x60: {  	v4 =	vshll.u32 v4, $0x4;
	[tilespmem:v5+s14+$0x0] =	vst.idx.add.f32.msk $0xffff, v2;
	v5 =	vcvt.f32.s32 v6  }
0x61: {  	v4 =	vor.u32 v1, v4;
	v8 =	vmul.f32 $2.560000000e+02, v8;
	v6 =	vld [tilespmem:s28+$0x450]  }
0x62: {  	v5 =	vshll.u32 v5, $0x4  }
0x63: {  	v8 =	vtrunc.f32 v8;
	[tilespmem:v3+s14+$0x0] =	vst.idx.add.f32.msk $0xffff, v2;
	v5 =	vor.u32 v1, v5  }
0x64: {  	v7 =	vmul.f32 $2.560000000e+02, v7;
	v3 =	vcvt.f32.s32 v8;
	v8 =	vld [tilespmem:s24+$0x10]  }
0x65: {  	s30 =	simm.s32 $0x6000  }
0x66: {  	s31 =	simm.s32 $0x300;
	s25 =	sand.u32 $0x2000, s30;
	v7 =	vtrunc.f32 v7;
	[tilespmem:v4+s14+$0x0] =	vst.idx.add.f32.msk $0xffff, v2;
	v3 =	vshll.u32 v3, $0x4;
	v6 =	vmul.f32 $2.560000000e+02, v6  }
0x67: {  	s29 =	simm.s32 $0xC0;
	s26 =	sand.u32 $0x7000, s31;
	s25 =	sshrl.u32 s25, $0x2;
	v4 =	vcvt.f32.s32 v7;
	v7 =	vld [tilespmem:s23+$0x30];
	v3 =	vor.u32 v1, v3  }
0x68: {  	s29 =	sand.u32 $0x380, s29;
	s25 =	sor.u32 s25, s26;
	v6 =	vtrunc.f32 v6;
	[tilespmem:v5+s14+$0x0] =	vst.idx.add.f32.msk $0xffff, v2  }
0x69: {  	s25 =	sor.u32 s29, s25;
	v4 =	vshll.u32 v4, $0x4;
	v8 =	vmul.f32 $2.560000000e+02, v8;
	v5 =	vcvt.f32.s32 v6;
	v6 =	vld [tilespmem:s28+$0x50]  }
0x6a: {  	v9 =	vld [tilespmem:s25+$0x400];
	v4 =	vor.u32 v1, v4  }
0x6b: {  	v8 =	vtrunc.f32 v8;
	v5 =	vshll.u32 v5, $0x4  }
0x6c: {  	v7 =	vmul.f32 $2.560000000e+02, v7;
	[tilespmem:v3+s14+$0x0] =	vst.idx.add.f32.msk $0xffff, v2;
	v3 =	vcvt.f32.s32 v8;
	v5 =	vor.u32 v1, v5  }
0x6d: {  	v8 =	vld [tilespmem:s24+$0x420]  }
0x6e: {  	v10 =	vld [tilespmem:s25+$0x0];
	v7 =	vtrunc.f32 v7;
	v3 =	vshll.u32 v3, $0x4;
	v6 =	vmul.f32 $2.560000000e+02, v6  }
0x6f: {  	v9 =	vmul.f32 $2.560000000e+02, v9;
	[tilespmem:v4+s14+$0x0] =	vst.idx.add.f32.msk $0xffff, v2;
	v4 =	vcvt.f32.s32 v7;
	v3 =	vor.u32 v1, v3  }
0x70: {  	v7 =	vld [tilespmem:s23+$0x440];
	v6 =	vtrunc.f32 v6  }
0x71: {  	v9 =	vtrunc.f32 v9;
	v4 =	vshll.u32 v4, $0x4;
	[tilespmem:v5+s14+$0x0] =	vst.idx.add.f32.msk $0xffff, v2;
	v5 =	vcvt.f32.s32 v6  }
0x72: {  	v9 =	vcvt.f32.s32 v9;
	v4 =	vor.u32 v1, v4;
	v8 =	vmul.f32 $2.560000000e+02, v8;
	v6 =	vld [tilespmem:s28+$0x460]  }
0x73: {  	v5 =	vshll.u32 v5, $0x4  }
0x74: {  	v8 =	vtrunc.f32 v8;
	[tilespmem:v3+s14+$0x0] =	vst.idx.add.f32.msk $0xffff, v2;
	v3 =	vshll.u32 v9, $0x4;
	v5 =	vor.u32 v1, v5  }
0x75: {  	v7 =	vmul.f32 $2.560000000e+02, v7;
	v8 =	vcvt.f32.s32 v8;
	v9 =	vld [tilespmem:s24+$0x20];
	v3 =	vor.u32 v1, v3  }
0x76: {  	v10 =	vmul.f32 $2.560000000e+02, v10  }
0x77: {  	v7 =	vtrunc.f32 v7;
	[tilespmem:v4+s14+$0x0] =	vst.idx.add.f32.msk $0xffff, v2;
	v4 =	vshll.u32 v8, $0x4;
	v6 =	vmul.f32 $2.560000000e+02, v6  }
0x78: {  	v10 =	vtrunc.f32 v10;
	v7 =	vcvt.f32.s32 v7;
	v8 =	vld [tilespmem:s23+$0x40];
	v4 =	vor.u32 v1, v4  }
0x79: {  	v10 =	vcvt.f32.s32 v10;
	v6 =	vtrunc.f32 v6;
	[tilespmem:v5+s14+$0x0] =	vst.idx.add.f32.msk $0xffff, v2  }
0x7a: {  	v5 =	vshll.u32 v7, $0x4;
	v9 =	vmul.f32 $2.560000000e+02, v9;
	[tilespmem:v3+s14+$0x0] =	vst.idx.add.f32.msk $0xffff, v2;
	v6 =	vcvt.f32.s32 v6  }
0x7b: {  	v7 =	vld [tilespmem:s28+$0x60];
	v5 =	vor.u32 v1, v5  }
0x7c: {  	v10 =	vshll.u32 v10, $0x4;
	v9 =	vtrunc.f32 v9;
	v3 =	vshll.u32 v6, $0x4;
	v6 =	vld [tilespmem:s25+$0x410]  }
0x7d: {  	[tilespmem:v4+s14+$0x0] =	vst.idx.add.f32.msk $0xffff, v2;
	v4 =	vcvt.f32.s32 v9;
	v9 =	vor.u32 v1, v10  }
0x7e: {  	v8 =	vmul.f32 $2.560000000e+02, v8;
	v3 =	vor.u32 v1, v3  }
0x7f: {  	v10 =	vld [tilespmem:s24+$0x430]  }
0x80: {  	v8 =	vtrunc.f32 v8;
	v7 =	vmul.f32 $2.560000000e+02, v7;
	[tilespmem:v5+s14+$0x0] =	vst.idx.add.f32.msk $0xffff, v2  }
0x81: {  	v4 =	vshll.u32 v4, $0x4;
	v5 =	vcvt.f32.s32 v8;
	v8 =	vld [tilespmem:s23+$0x450]  }
0x82: {  	v4 =	vor.u32 v1, v4;
	v7 =	vtrunc.f32 v7;
	v6 =	vmul.f32 $2.560000000e+02, v6;
	[tilespmem:v9+s14+$0x0] =	vst.idx.add.f32.msk $0xffff, v2  }
0x83: {  	[tilespmem:v3+s14+$0x0] =	vst.idx.add.f32.msk $0xffff, v2;
	v3 =	vshll.u32 v5, $0x4;
	v5 =	vcvt.f32.s32 v7  }
0x84: {  	v9 =	vmul.f32 $2.560000000e+02, v10;
	v10 =	vld [tilespmem:s25+$0x10];
	v3 =	vor.u32 v1, v3;
	v6 =	vtrunc.f32 v6  }
0x85: {  	v7 =	vld [tilespmem:s28+$0x470];
	v5 =	vshll.u32 v5, $0x4;
	v6 =	vcvt.f32.s32 v6  }
0x86: {  	v9 =	vtrunc.f32 v9;
	v5 =	vor.u32 v1, v5;
	v8 =	vmul.f32 $2.560000000e+02, v8  }
0x87: {  	s29 =	simm.s32 $0x8000;
	[tilespmem:v4+s14+$0x0] =	vst.idx.add.f32.msk $0xffff, v2;
	v4 =	vshll.u32 v6, $0x4;
	v6 =	vcvt.f32.s32 v9  }
0x88: {  	s30 =	simm.s32 $0x400;
	s0 =	sand.u32 $0x2000, s29;
	v9 =	vld [tilespmem:s24+$0x30];
	v4 =	vor.u32 v1, v4;
	v8 =	vtrunc.f32 v8  }
0x89: {  	s30 =	sand.u32 $0x7000, s30;
	s31 =	simm.s32 $0x100;
	s26 =	sshrl.u32 s0, $0x2;
	[tilespmem:v3+s14+$0x0] =	vst.idx.add.f32.msk $0xffff, v2;
	v3 =	vshll.u32 v6, $0x4;
	v6 =	vcvt.f32.s32 v8  }
0x8a: {  	s31 =	sand.u32 $0x380, s31;
	s26 =	sor.u32 s26, s30;
	v10 =	vmul.f32 $2.560000000e+02, v10;
	v7 =	vmul.f32 $2.560000000e+02, v7;
	v8 =	vld [tilespmem:s23+$0x50];
	v3 =	vor.u32 v1, v3  }
0x8b: {  	s26 =	sor.u32 s31, s26;
	[tilespmem:v5+s14+$0x0] =	vst.idx.add.f32.msk $0xffff, v2;
	v5 =	vshll.u32 v6, $0x4  }
0x8c: {  	v10 =	vtrunc.f32 v10;
	v6 =	vtrunc.f32 v7;
	v7 =	vld [tilespmem:s26+$0x400];
	v5 =	vor.u32 v1, v5  }
0x8d: {  	v10 =	vcvt.f32.s32 v10;
	v9 =	vmul.f32 $2.560000000e+02, v9;
	[tilespmem:v4+s14+$0x0] =	vst.idx.add.f32.msk $0xffff, v2  }
0x8e: {  	v4 =	vcvt.f32.s32 v6;
	v6 =	vld [tilespmem:s25+$0x420]  }
0x8f: {  	v10 =	vshll.u32 v10, $0x4;
	v9 =	vtrunc.f32 v9;
	v8 =	vmul.f32 $2.560000000e+02, v8;
	[tilespmem:v3+s14+$0x0] =	vst.idx.add.f32.msk $0xffff, v2  }
0x90: {  	v3 =	vcvt.f32.s32 v9;
	v9 =	vor.u32 v1, v10;
	v10 =	vld [tilespmem:s24+$0x440]  }
0x91: {  	v4 =	vshll.u32 v4, $0x4;
	v7 =	vmul.f32 $2.560000000e+02, v7;
	v8 =	vtrunc.f32 v8;
	[tilespmem:v5+s14+$0x0] =	vst.idx.add.f32.msk $0xffff, v2  }
0x92: {  	v4 =	vor.u32 v1, v4;
	v3 =	vshll.u32 v3, $0x4;
	v5 =	vcvt.f32.s32 v8;
	v8 =	vld [tilespmem:s23+$0x460]  }
0x93: {  	v12 =	vld [tilespmem:s26+$0x0];
	v3 =	vor.u32 v1, v3;
	v7 =	vtrunc.f32 v7;
	v6 =	vmul.f32 $2.560000000e+02, v6  }
0x94: {  	v11 =	vld [tilespmem:s28+$0x70];
	v7 =	vcvt.f32.s32 v7;
	v5 =	vshll.u32 v5, $0x4  }
0x95: {  	[tilespmem:v9+s14+$0x0] =	vst.idx.add.f32.msk $0xffff, v2;
	v5 =	vor.u32 v1, v5;
	v6 =	vtrunc.f32 v6;
	v9 =	vmul.f32 $2.560000000e+02, v10  }
0x96: {  	v7 =	vshll.u32 v7, $0x4;
	v10 =	vld [tilespmem:s25+$0x20];
	v6 =	vcvt.f32.s32 v6  }
0x97: {  	[tilespmem:v4+s14+$0x0] =	vst.idx.add.f32.msk $0xffff, v2;
	v4 =	vor.u32 v1, v7;
	v7 =	vtrunc.f32 v9;
	v8 =	vmul.f32 $2.560000000e+02, v8  }
0x98: {  	[tilespmem:v3+s14+$0x0] =	vst.idx.add.f32.msk $0xffff, v2;
	v3 =	vshll.u32 v6, $0x4;
	v6 =	vcvt.f32.s32 v7  }
0x99: {  	v9 =	vmul.f32 $2.560000000e+02, v12;
	v7 =	vld [tilespmem:s24+$0x40];
	v3 =	vor.u32 v1, v3;
	v8 =	vtrunc.f32 v8  }
0x9a: {  	[tilespmem:v5+s14+$0x0] =	vst.idx.add.f32.msk $0xffff, v2;
	v5 =	vshll.u32 v6, $0x4;
	v6 =	vcvt.f32.s32 v8  }
0x9b: {  	v11 =	vmul.f32 $2.560000000e+02, v11;
	v9 =	vtrunc.f32 v9;
	v8 =	vld [tilespmem:s23+$0x60];
	v5 =	vor.u32 v1, v5  }
0x9c: {  	v10 =	vmul.f32 $2.560000000e+02, v10;
	v9 =	vcvt.f32.s32 v9;
	[tilespmem:v4+s14+$0x0] =	vst.idx.add.f32.msk $0xffff, v2;
	v4 =	vshll.u32 v6, $0x4  }
0x9d: {  	v6 =	vtrunc.f32 v11;
	v11 =	vld [tilespmem:s26+$0x410];
	v4 =	vor.u32 v1, v4  }
0x9e: {  	v10 =	vtrunc.f32 v10;
	v9 =	vshll.u32 v9, $0x4;
	v7 =	vmul.f32 $2.560000000e+02, v7;
	[tilespmem:v3+s14+$0x0] =	vst.idx.add.f32.msk $0xffff, v2  }
0x9f: {  	v10 =	vcvt.f32.s32 v10;
	v3 =	vcvt.f32.s32 v6;
	v6 =	vor.u32 v1, v9;
	v9 =	vld [tilespmem:s25+$0x430]  }
0xa0: {  	v7 =	vtrunc.f32 v7;
	v8 =	vmul.f32 $2.560000000e+02, v8;
	[tilespmem:v5+s14+$0x0] =	vst.idx.add.f32.msk $0xffff, v2  }
0xa1: {  	v10 =	vshll.u32 v10, $0x4;
	v5 =	vcvt.f32.s32 v7;
	v63 =	vld [tilespmem:s24+$0x450]  }
0xa2: {  	v7 =	vor.u32 v1, v10;
	v8 =	vtrunc.f32 v8;
	[tilespmem:v4+s14+$0x0] =	vst.idx.add.f32.msk $0xffff, v2  }
0xa3: {  	v10 =	vmul.f32 $2.560000000e+02, v11;
	v5 =	vshll.u32 v5, $0x4;
	v8 =	vcvt.f32.s32 v8;
	v4 =	vld [tilespmem:s23+$0x470]  }
0xa4: {  	[tilespmem:v6+s14+$0x0] =	vst.idx.add.f32.msk $0xffff, v2;
	v6 =	vor.u32 v1, v5  }
0xa5: {  	v10 =	vtrunc.f32 v10;
	v9 =	vmul.f32 $2.560000000e+02, v9;
	v5 =	vshll.u32 v8, $0x4  }
0xa6: {  	v3 =	vshll.u32 v3, $0x4;
	v10 =	vcvt.f32.s32 v10;
	v8 =	vld [tilespmem:s26+$0x10];
	v5 =	vor.u32 v1, v5  }
0xa7: {  	s28 =	simm.s32 $0x8;
	v3 =	vor.u32 v1, v3;
	[tilespmem:v7+s14+$0x0] =	vst.idx.add.f32.msk $0xffff, v2;
	v9 =	vtrunc.f32 v9;
	v7 =	vmul.f32 $2.560000000e+02, v63  }
.LBB2_5:
0xa8: {  	s28 =	sadd.s32 $0x2, s28;
	v10 =	vshll.u32 v10, $0x4;
	s29 =	sadd.s32 $0x2000, s29;
	v11 =	vld [tilespmem:s25+$0x30];
	v9 =	vcvt.f32.s32 v9  }
0xa9: {  	s30 =	sand.u32 $0x2000, s29;
	s31 =	sshll.u32 s28, $0x7;
	p0 =	slt.u32 s28, $0xFE;
	v10 =	vor.u32 v1, v10;
	[tilespmem:v6+s14+$0x0] =	vst.idx.add.f32.msk $0xffff, v2;
	v6 =	vtrunc.f32 v7;
	v4 =	vmul.f32 $2.560000000e+02, v4  }
0xaa: {  	s0 =	sshll.u32 s28, $0x5;
	s31 =	sand.u32 $0x7000, s31;
	s30 =	sshrl.u32 s30, $0x2;
	v7 =	vshll.u32 v9, $0x4;
	v9 =	vld [tilespmem:s24+$0x50];
	v6 =	vcvt.f32.s32 v6  }
0xab: {  	s0 =	sand.u32 $0x380, s0;
	s30 =	sor.u32 s30, s31;
	v8 =	vmul.f32 $2.560000000e+02, v8;
	v7 =	vor.u32 v1, v7;
	[tilespmem:v5+s14+$0x0] =	vst.idx.add.f32.msk $0xffff, v2;
	v4 =	vtrunc.f32 v4  }
0xac: {  	s0 =	sor.u32 s0, s30;
	v5 =	vshll.u32 v6, $0x4;
	v6 =	vld [tilespmem:s23+$0x70];
	v4 =	vcvt.f32.s32 v4;
	s23 =	smov.u32 s24;
	s24 =	smov.u32 s25  }
0xad: {  	s25 =	smov.u32 s26;
	v12 =	vld [tilespmem:s0+$0x400];
	v8 =	vtrunc.f32 v8;
	v11 =	vmul.f32 $2.560000000e+02, v11;
	v5 =	vor.u32 v1, v5;
	s26 =	smov.u32 s0  }
0xae: {  	v8 =	vcvt.f32.s32 v8;
	[tilespmem:v10+s14+$0x0] =	vst.idx.add.f32.msk $0xffff, v2;
	v4 =	vshll.u32 v4, $0x4  }
0xaf: {  	v10 =	vld [tilespmem:s25+$0x420];
	v11 =	vtrunc.f32 v11;
	v9 =	vmul.f32 $2.560000000e+02, v9;
	v4 =	vor.u32 v1, v4  }
0xb0: {  	v8 =	vshll.u32 v8, $0x4;
	v11 =	vcvt.f32.s32 v11;
	[tilespmem:v7+s14+$0x0] =	vst.idx.add.f32.msk $0xffff, v2  }
0xb1: {  	v7 =	vor.u32 v1, v8;
	v8 =	vld [tilespmem:s24+$0x440];
	v9 =	vtrunc.f32 v9;
	v6 =	vmul.f32 $2.560000000e+02, v6  }
0xb2: {  	v12 =	vmul.f32 $2.560000000e+02, v12;
	v11 =	vshll.u32 v11, $0x4;
	v9 =	vcvt.f32.s32 v9;
	[tilespmem:v5+s14+$0x0] =	vst.idx.add.f32.msk $0xffff, v2  }
0xb3: {  	v5 =	vor.u32 v1, v11;
	v11 =	vld [tilespmem:s23+$0x460];
	v6 =	vtrunc.f32 v6  }
0xb4: {  	v12 =	vtrunc.f32 v12;
	v10 =	vmul.f32 $2.560000000e+02, v10;
	v9 =	vshll.u32 v9, $0x4;
	[tilespmem:v4+s14+$0x0] =	vst.idx.add.f32.msk $0xffff, v2  }
0xb5: {  	v6 =	vcvt.f32.s32 v6;
	v4 =	vld [tilespmem:s26+$0x0];
	v12 =	vcvt.f32.s32 v12;
	v9 =	vor.u32 v1, v9  }
0xb6: {  	[tilespmem:v7+s14+$0x0] =	vst.idx.add.f32.msk $0xffff, v2;
	v7 =	vtrunc.f32 v10;
	v8 =	vmul.f32 $2.560000000e+02, v8  }
0xb7: {  	v6 =	vshll.u32 v6, $0x4;
	v10 =	vshll.u32 v12, $0x4;
	v12 =	vld [tilespmem:s25+$0x20];
	v7 =	vcvt.f32.s32 v7  }
0xb8: {  	v10 =	vor.u32 v1, v10;
	[tilespmem:v5+s14+$0x0] =	vst.idx.add.f32.msk $0xffff, v2;
	v5 =	vtrunc.f32 v8;
	v8 =	vmul.f32 $2.560000000e+02, v11  }
0xb9: {  	v6 =	vor.u32 v1, v6;
	v7 =	vshll.u32 v7, $0x4;
	v11 =	vld [tilespmem:s24+$0x40];
	v5 =	vcvt.f32.s32 v5  }
0xba: {  	v4 =	vmul.f32 $2.560000000e+02, v4;
	v7 =	vor.u32 v1, v7;
	[tilespmem:v9+s14+$0x0] =	vst.idx.add.f32.msk $0xffff, v2;
	v8 =	vtrunc.f32 v8  }
0xbb: {  	v5 =	vshll.u32 v5, $0x4;
	v9 =	vld [tilespmem:s23+$0x60];
	v8 =	vcvt.f32.s32 v8  }
0xbc: {  	v4 =	vtrunc.f32 v4;
	v12 =	vmul.f32 $2.560000000e+02, v12;
	v5 =	vor.u32 v1, v5;
	[tilespmem:v3+s14+$0x0] =	vst.idx.add.f32.msk $0xffff, v2;
	v3 =	vmovc v6  }
0xbd: {  	v4 =	vcvt.f32.s32 v4;
	[tilespmem:v10+s14+$0x0] =	vst.idx.add.f32.msk $0xffff, v2;
	v6 =	vshll.u32 v8, $0x4  }
0xbe: {  	v8 =	vld [tilespmem:s26+$0x410];
	v10 =	vtrunc.f32 v12;
	v11 =	vmul.f32 $2.560000000e+02, v11;
	v6 =	vor.u32 v1, v6  }
0xbf: {  	v4 =	vshll.u32 v4, $0x4;
	v10 =	vcvt.f32.s32 v10;
	[tilespmem:v7+s14+$0x0] =	vst.idx.add.f32.msk $0xffff, v2  }
0xc0: {  	v7 =	vor.u32 v1, v4;
	v12 =	vld [tilespmem:s25+$0x430];
	v4 =	vtrunc.f32 v11;
	v9 =	vmul.f32 $2.560000000e+02, v9  }
0xc1: {  	v10 =	vshll.u32 v10, $0x4;
	v4 =	vcvt.f32.s32 v4;
	[tilespmem:v5+s14+$0x0] =	vst.idx.add.f32.msk $0xffff, v2  }
0xc2: {  	v11 =	vor.u32 v1, v10;
	v13 =	vld [tilespmem:s24+$0x450];
	v5 =	vtrunc.f32 v9  }
.Ltmp1:
0xc3: {  	v8 =	vmul.f32 $2.560000000e+02, v8;
	v4 =	vshll.u32 v4, $0x4;
	v5 =	vcvt.f32.s32 v5;
	[tilespmem:v6+s14+$0x0] =	vst.idx.add.f32.msk $0xffff, v2;
	(pc) =	sbr.rel @p0 .LBB2_5-.Ltmp1, $4  }
0xc4: {  	v6 =	vor.u32 v1, v4;
	v4 =	vld [tilespmem:s23+$0x470]  }
0xc5: {  	[tilespmem:v7+s14+$0x0] =	vst.idx.add.f32.msk $0xffff, v2;
	v7 =	vtrunc.f32 v8;
	v9 =	vmul.f32 $2.560000000e+02, v12;
	v5 =	vshll.u32 v5, $0x4  }
0xc6: {  	v8 =	vld [tilespmem:s26+$0x10];
	v10 =	vcvt.f32.s32 v7;
	v5 =	vor.u32 v1, v5  }
0xc7: {  	[tilespmem:v11+s14+$0x0] =	vst.idx.add.f32.msk $0xffff, v2;
	v9 =	vtrunc.f32 v9;
	v7 =	vmul.f32 $2.560000000e+02, v13  }
0xc8: {  	_ =	sdelay $0x2  }
0xc9: {  	v8 =	vmul.f32 $2.560000000e+02, v8;
	_ =	sdelay $0x1  }
0xca: {  	v10 =	vshll.u32 v10, $0x4;
	v8 =	vtrunc.f32 v8  }
0xcb: {  	v10 =	vor.u32 v1, v10;
	v8 =	vcvt.f32.s32 v8;
	_ =	sdelay $0x1  }
0xcc: {  	v8 =	vshll.u32 v8, $0x4  }
0xcd: {  	v8 =	vor.u32 v1, v8;
	_ =	sdelay $0x1  }
0xce: {  	[tilespmem:v10+s14+$0x0] =	vst.idx.add.f32.msk $0xffff, v2  }
0xcf: {  	v10 =	vld [tilespmem:s26+$0x420];
	_ =	sdelay $0x1  }
0xd0: {  	[tilespmem:v8+s14+$0x0] =	vst.idx.add.f32.msk $0xffff, v2  }
0xd1: {  	v8 =	vld [tilespmem:s26+$0x20];
	_ =	sdelay $0x1  }
0xd2: {  	v10 =	vmul.f32 $2.560000000e+02, v10;
	_ =	sdelay $0x1  }
0xd3: {  	v10 =	vtrunc.f32 v10  }
0xd4: {  	v10 =	vcvt.f32.s32 v10;
	v8 =	vmul.f32 $2.560000000e+02, v8;
	_ =	sdelay $0x1  }
0xd5: {  	v10 =	vshll.u32 v10, $0x4;
	v8 =	vtrunc.f32 v8  }
0xd6: {  	v10 =	vor.u32 v1, v10;
	v8 =	vcvt.f32.s32 v8;
	_ =	sdelay $0x1  }
0xd7: {  	v8 =	vshll.u32 v8, $0x4  }
0xd8: {  	v11 =	vld [tilespmem:s25+$0x30];
	v8 =	vor.u32 v1, v8  }
0xd9: {  	v9 =	vcvt.f32.s32 v9  }
0xda: {  	[tilespmem:v10+s14+$0x0] =	vst.idx.add.f32.msk $0xffff, v2  }
0xdb: {  	v9 =	vshll.u32 v9, $0x4;
	v10 =	vld [tilespmem:s26+$0x430]  }
0xdc: {  	v9 =	vor.u32 v1, v9  }
0xdd: {  	v11 =	vmul.f32 $2.560000000e+02, v11;
	[tilespmem:v8+s14+$0x0] =	vst.idx.add.f32.msk $0xffff, v2  }
0xde: {  	v8 =	vld [tilespmem:s26+$0x30]  }
0xdf: {  	v11 =	vtrunc.f32 v11  }
0xe0: {  	v11 =	vcvt.f32.s32 v11;
	v10 =	vmul.f32 $2.560000000e+02, v10  }
0xe1: {  	[tilespmem:v9+s14+$0x0] =	vst.idx.add.f32.msk $0xffff, v2  }
0xe2: {  	v9 =	vld [tilespmem:s25+$0x440];
	v11 =	vshll.u32 v11, $0x4;
	v10 =	vtrunc.f32 v10  }
0xe3: {  	v11 =	vor.u32 v1, v11;
	v10 =	vcvt.f32.s32 v10;
	v8 =	vmul.f32 $2.560000000e+02, v8;
	_ =	sdelay $0x1  }
0xe4: {  	v10 =	vshll.u32 v10, $0x4;
	v8 =	vtrunc.f32 v8  }
0xe5: {  	v10 =	vor.u32 v1, v10;
	v8 =	vcvt.f32.s32 v8  }
0xe6: {  	v9 =	vmul.f32 $2.560000000e+02, v9  }
0xe7: {  	[tilespmem:v11+s14+$0x0] =	vst.idx.add.f32.msk $0xffff, v2;
	v8 =	vshll.u32 v8, $0x4  }
0xe8: {  	v9 =	vtrunc.f32 v9;
	v11 =	vld [tilespmem:s25+$0x40];
	v8 =	vor.u32 v1, v8  }
0xe9: {  	v9 =	vcvt.f32.s32 v9  }
0xea: {  	[tilespmem:v10+s14+$0x0] =	vst.idx.add.f32.msk $0xffff, v2  }
0xeb: {  	v9 =	vshll.u32 v9, $0x4;
	v10 =	vld [tilespmem:s26+$0x440]  }
0xec: {  	v9 =	vor.u32 v1, v9  }
0xed: {  	v11 =	vmul.f32 $2.560000000e+02, v11;
	[tilespmem:v8+s14+$0x0] =	vst.idx.add.f32.msk $0xffff, v2  }
0xee: {  	v8 =	vld [tilespmem:s26+$0x40]  }
0xef: {  	v11 =	vtrunc.f32 v11  }
0xf0: {  	v11 =	vcvt.f32.s32 v11;
	v10 =	vmul.f32 $2.560000000e+02, v10  }
0xf1: {  	[tilespmem:v9+s14+$0x0] =	vst.idx.add.f32.msk $0xffff, v2  }
0xf2: {  	v9 =	vld [tilespmem:s25+$0x450];
	v11 =	vshll.u32 v11, $0x4;
	v10 =	vtrunc.f32 v10  }
0xf3: {  	v11 =	vor.u32 v1, v11;
	v10 =	vcvt.f32.s32 v10;
	v8 =	vmul.f32 $2.560000000e+02, v8;
	_ =	sdelay $0x1  }
0xf4: {  	[tilespmem:v6+s14+$0x0] =	vst.idx.add.f32.msk $0xffff, v2;
	v6 =	vshll.u32 v10, $0x4;
	v8 =	vtrunc.f32 v8  }
0xf5: {  	v6 =	vor.u32 v1, v6;
	v8 =	vcvt.f32.s32 v8  }
0xf6: {  	v9 =	vmul.f32 $2.560000000e+02, v9;
	v10 =	vld [tilespmem:s24+$0x50]  }
0xf7: {  	[tilespmem:v11+s14+$0x0] =	vst.idx.add.f32.msk $0xffff, v2;
	v8 =	vshll.u32 v8, $0x4  }
0xf8: {  	v9 =	vtrunc.f32 v9;
	v11 =	vld [tilespmem:s25+$0x50];
	v8 =	vor.u32 v1, v8  }
0xf9: {  	v7 =	vtrunc.f32 v7;
	v9 =	vcvt.f32.s32 v9  }
0xfa: {  	[tilespmem:v6+s14+$0x0] =	vst.idx.add.f32.msk $0xffff, v2;
	v6 =	vcvt.f32.s32 v7  }
0xfb: {  	v9 =	vshll.u32 v9, $0x4;
	v10 =	vmul.f32 $2.560000000e+02, v10;
	v7 =	vld [tilespmem:s26+$0x450]  }
0xfc: {  	v9 =	vor.u32 v1, v9;
	v6 =	vshll.u32 v6, $0x4  }
0xfd: {  	v11 =	vmul.f32 $2.560000000e+02, v11;
	v10 =	vtrunc.f32 v10;
	v6 =	vor.u32 v1, v6;
	[tilespmem:v8+s14+$0x0] =	vst.idx.add.f32.msk $0xffff, v2  }
0xfe: {  	v8 =	vcvt.f32.s32 v10;
	v10 =	vld [tilespmem:s26+$0x50]  }
0xff: {  	v11 =	vtrunc.f32 v11  }
0x100: {  	v11 =	vcvt.f32.s32 v11;
	v7 =	vmul.f32 $2.560000000e+02, v7;
	v8 =	vshll.u32 v8, $0x4  }
0x101: {  	[tilespmem:v9+s14+$0x0] =	vst.idx.add.f32.msk $0xffff, v2;
	v8 =	vor.u32 v1, v8  }
0x102: {  	v7 =	vtrunc.f32 v7;
	[tilespmem:v6+s14+$0x0] =	vst.idx.add.f32.msk $0xffff, v2;
	v6 =	vshll.u32 v11, $0x4  }
0x103: {  	v9 =	vld [tilespmem:s25+$0x460];
	v7 =	vcvt.f32.s32 v7;
	v6 =	vor.u32 v1, v6;
	v10 =	vmul.f32 $2.560000000e+02, v10  }
0x104: {  	v11 =	vld [tilespmem:s24+$0x460]  }
0x105: {  	v7 =	vshll.u32 v7, $0x4;
	v10 =	vtrunc.f32 v10  }
0x106: {  	v7 =	vor.u32 v1, v7;
	[tilespmem:v8+s14+$0x0] =	vst.idx.add.f32.msk $0xffff, v2;
	v8 =	vcvt.f32.s32 v10  }
0x107: {  	v10 =	vld [tilespmem:s24+$0x60]  }
0x108: {  	[tilespmem:v6+s14+$0x0] =	vst.idx.add.f32.msk $0xffff, v2;
	v8 =	vshll.u32 v8, $0x4  }
0x109: {  	v9 =	vmul.f32 $2.560000000e+02, v9;
	v11 =	vmul.f32 $2.560000000e+02, v11;
	v6 =	vld [tilespmem:s25+$0x60];
	v8 =	vor.u32 v1, v8;
	_ =	sdelay $0x1  }
0x10a: {  	v9 =	vtrunc.f32 v9;
	v11 =	vtrunc.f32 v11;
	[tilespmem:v7+s14+$0x0] =	vst.idx.add.f32.msk $0xffff, v2  }
0x10b: {  	v7 =	vcvt.f32.s32 v11;
	v11 =	vld [tilespmem:s26+$0x460];
	v10 =	vmul.f32 $2.560000000e+02, v10  }
0x10c: {  	[tilespmem:v5+s14+$0x0] =	vst.idx.add.f32.msk $0xffff, v2;
	v9 =	vcvt.f32.s32 v9  }
0x10d: {  	v7 =	vshll.u32 v7, $0x4;
	v6 =	vmul.f32 $2.560000000e+02, v6;
	v10 =	vtrunc.f32 v10;
	[tilespmem:v8+s14+$0x0] =	vst.idx.add.f32.msk $0xffff, v2  }
0x10e: {  	v5 =	vshll.u32 v9, $0x4;
	v7 =	vor.u32 v1, v7;
	v8 =	vcvt.f32.s32 v10;
	v10 =	vld [tilespmem:s26+$0x60]  }
0x10f: {  	v5 =	vor.u32 v1, v5;
	v6 =	vtrunc.f32 v6  }
0x110: {  	v11 =	vmul.f32 $2.560000000e+02, v11;
	v6 =	vcvt.f32.s32 v6;
	v8 =	vshll.u32 v8, $0x4  }
0x111: {  	v8 =	vor.u32 v1, v8  }
0x112: {  	v11 =	vtrunc.f32 v11;
	v6 =	vshll.u32 v6, $0x4  }
0x113: {  	[tilespmem:v7+s14+$0x0] =	vst.idx.add.f32.msk $0xffff, v2;
	v7 =	vcvt.f32.s32 v11;
	v6 =	vor.u32 v1, v6;
	v10 =	vmul.f32 $2.560000000e+02, v10  }
0x114: {  	v9 =	vld [tilespmem:s23+$0x70]  }
0x115: {  	[tilespmem:v5+s14+$0x0] =	vst.idx.add.f32.msk $0xffff, v2;
	v7 =	vshll.u32 v7, $0x4;
	v10 =	vtrunc.f32 v10  }
0x116: {  	v7 =	vor.u32 v1, v7;
	[tilespmem:v8+s14+$0x0] =	vst.idx.add.f32.msk $0xffff, v2;
	v8 =	vcvt.f32.s32 v10  }
0x117: {  	v11 =	vld [tilespmem:s24+$0x470]  }
0x118: {  	[tilespmem:v6+s14+$0x0] =	vst.idx.add.f32.msk $0xffff, v2;
	v5 =	vshll.u32 v8, $0x4  }
0x119: {  	v4 =	vmul.f32 $2.560000000e+02, v4;
	v9 =	vmul.f32 $2.560000000e+02, v9;
	v6 =	vld [tilespmem:s25+$0x70];
	v5 =	vor.u32 v1, v5  }
0x11a: {  	v10 =	vld [tilespmem:s24+$0x70]  }
0x11b: {  	v4 =	vtrunc.f32 v4;
	v9 =	vtrunc.f32 v9;
	[tilespmem:v7+s14+$0x0] =	vst.idx.add.f32.msk $0xffff, v2  }
0x11c: {  	v11 =	vmul.f32 $2.560000000e+02, v11;
	v7 =	vcvt.f32.s32 v9;
	v9 =	vld [tilespmem:s26+$0x470]  }
0x11d: {  	v4 =	vcvt.f32.s32 v4;
	v8 =	vld [tilespmem:s25+$0x470]  }
0x11e: {  	v11 =	vtrunc.f32 v11;
	v6 =	vmul.f32 $2.560000000e+02, v6;
	[tilespmem:v5+s14+$0x0] =	vst.idx.add.f32.msk $0xffff, v2  }
0x11f: {  	v4 =	vshll.u32 v4, $0x4;
	v5 =	vcvt.f32.s32 v11;
	v11 =	vld [tilespmem:s26+$0x70]  }
0x120: {  	v4 =	vor.u32 v1, v4;
	v10 =	vmul.f32 $2.560000000e+02, v10;
	v6 =	vtrunc.f32 v6  }
0x121: {  	v7 =	vshll.u32 v7, $0x4;
	v9 =	vmul.f32 $2.560000000e+02, v9;
	v6 =	vcvt.f32.s32 v6  }
0x122: {  	v7 =	vor.u32 v1, v7;
	v10 =	vtrunc.f32 v10;
	v8 =	vmul.f32 $2.560000000e+02, v8  }
0x123: {  	v10 =	vcvt.f32.s32 v10;
	v9 =	vtrunc.f32 v9;
	v5 =	vshll.u32 v5, $0x4  }
0x124: {  	[tilespmem:v3+s14+$0x0] =	vst.idx.add.f32.msk $0xffff, v2;
	v3 =	vshll.u32 v6, $0x4;
	v5 =	vor.u32 v1, v5;
	v11 =	vmul.f32 $2.560000000e+02, v11  }
0x125: {  	v8 =	vtrunc.f32 v8;
	v9 =	vcvt.f32.s32 v9;
	v3 =	vor.u32 v1, v3  }
0x126: {  	v8 =	vcvt.f32.s32 v8;
	v10 =	vshll.u32 v10, $0x4;
	v11 =	vtrunc.f32 v11  }
0x127: {  	[tilespmem:v4+s14+$0x0] =	vst.idx.add.f32.msk $0xffff, v2;
	v4 =	vor.u32 v1, v10;
	v9 =	vshll.u32 v9, $0x4;
	v10 =	vcvt.f32.s32 v11  }
0x128: {  	v8 =	vshll.u32 v8, $0x4;
	v6 =	vor.u32 v1, v9  }
0x129: {  	v8 =	vor.u32 v1, v8;
	[tilespmem:v5+s14+$0x0] =	vst.idx.add.f32.msk $0xffff, v2;
	v5 =	vshll.u32 v10, $0x4  }
0x12a: {  	[tilespmem:v7+s14+$0x0] =	vst.idx.add.f32.msk $0xffff, v2;
	v5 =	vor.u32 v1, v5  }
0x12b: {  	[tilespmem:v3+s14+$0x0] =	vst.idx.add.f32.msk $0xffff, v2  }
0x12c: {  	[tilespmem:v4+s14+$0x0] =	vst.idx.add.f32.msk $0xffff, v2  }
0x12d: {  	[tilespmem:v6+s14+$0x0] =	vst.idx.add.f32.msk $0xffff, v2  }
0x12e: {  	p0 =	seq.s32 s21, $0x7;
	[tilespmem:v8+s14+$0x0] =	vst.idx.add.f32.msk $0xffff, v2  }
0x12f: {  	s29 =	simm.s32 $0x0;
	s0 =	sadd.s32 @!p0 s22, s4;
	s22 =	simm.s32 @!p0 $0x0;
	[tilespmem:v5+s14+$0x0] =	vst.idx.add.f32.msk $0xffff, v2  }
0x130: {  	[tilespmem:s22], [sflag:$0x1] =	stream.linear.gather @!p0 [hbm4b:s0+s22], $0x8000, $0x38;
	[tilespmem:$0x13100] =	vst v63  }
0x131: {  	s30 =	simm.s32 $0x0;
	s31 =	simm.s32 $0x0;
	s0 =	sand.u32 $0x2000, s29  }
0x132: {  	s22 =	sand.u32 $0x7000, s30;
	_ =	swait.ge [sflag:s15], $0x8000;
	s0 =	sshrl.u32 s0, $0x2  }
0x133: {  	s23 =	sand.u32 $0x380, s31;
	[sflag:s15] =	ssyncset.done $0x0;
	s0 =	sor.u32 s0, s22  }
0x134: {  	[sflag:s15] =	ssyncadd.s32 $0xFFFF8000;
	s26 =	sor.u32 s23, s0  }
0x135: {  	v3 =	vld [tilespmem:s26+$0x8400];
	_ =	sdelay $0x4  }
0x136: {  	v3 =	vmul.f32 $2.560000000e+02, v3;
	_ =	sdelay $0x1  }
0x137: {  	v3 =	vtrunc.f32 v3  }
0x138: {  	v4 =	vld [tilespmem:s26+$0x8000];
	v3 =	vcvt.f32.s32 v3;
	_ =	sdelay $0x1  }
0x139: {  	v3 =	vshll.u32 v3, $0x4  }
0x13a: {  	v3 =	vor.u32 v1, v3;
	_ =	sdelay $0x1  }
0x13b: {  	v4 =	vmul.f32 $2.560000000e+02, v4;
	_ =	sdelay $0x1  }
0x13c: {  	v4 =	vtrunc.f32 v4  }
0x13d: {  	[tilespmem:v3+s14+$0x0] =	vst.idx.add.f32.msk $0xffff, v2;
	v3 =	vcvt.f32.s32 v4  }
0x13e: {  	v4 =	vld [tilespmem:s26+$0x8410]  }
0x13f: {  	v3 =	vshll.u32 v3, $0x4  }
0x140: {  	v3 =	vor.u32 v1, v3;
	_ =	sdelay $0x2  }
0x141: {  	v4 =	vmul.f32 $2.560000000e+02, v4;
	_ =	sdelay $0x1  }
0x142: {  	v4 =	vtrunc.f32 v4;
	[tilespmem:v3+s14+$0x0] =	vst.idx.add.f32.msk $0xffff, v2  }
0x143: {  	v3 =	vcvt.f32.s32 v4;
	v4 =	vld [tilespmem:s26+$0x8010];
	_ =	sdelay $0x1  }
0x144: {  	s23 =	simm.s32 $0x2000;
	v3 =	vshll.u32 v3, $0x4  }
0x145: {  	s24 =	simm.s32 $0x100;
	s0 =	sand.u32 $0x2000, s23;
	v3 =	vor.u32 v1, v3  }
0x146: {  	s25 =	simm.s32 $0x40;
	s22 =	sand.u32 $0x7000, s24;
	s0 =	sshrl.u32 s0, $0x2  }
0x147: {  	s23 =	sand.u32 $0x380, s25;
	s0 =	sor.u32 s0, s22;
	v4 =	vmul.f32 $2.560000000e+02, v4  }
0x148: {  	s22 =	sor.u32 s23, s0  }
0x149: {  	v5 =	vld [tilespmem:s22+$0x8400];
	v4 =	vtrunc.f32 v4  }
0x14a: {  	[tilespmem:v3+s14+$0x0] =	vst.idx.add.f32.msk $0xffff, v2;
	v3 =	vcvt.f32.s32 v4  }
0x14b: {  	v4 =	vld [tilespmem:s26+$0x8420]  }
0x14c: {  	v3 =	vshll.u32 v3, $0x4  }
0x14d: {  	v3 =	vor.u32 v1, v3  }
0x14e: {  	v5 =	vmul.f32 $2.560000000e+02, v5;
	_ =	sdelay $0x1  }
0x14f: {  	v5 =	vtrunc.f32 v5;
	v4 =	vmul.f32 $2.560000000e+02, v4  }
0x150: {  	v6 =	vld [tilespmem:s22+$0x8000];
	v5 =	vcvt.f32.s32 v5  }
0x151: {  	v4 =	vtrunc.f32 v4;
	[tilespmem:v3+s14+$0x0] =	vst.idx.add.f32.msk $0xffff, v2  }
0x152: {  	v3 =	vshll.u32 v5, $0x4;
	v4 =	vcvt.f32.s32 v4;
	v5 =	vld [tilespmem:s26+$0x8020]  }
0x153: {  	v3 =	vor.u32 v1, v3  }
0x154: {  	v4 =	vshll.u32 v4, $0x4  }
0x155: {  	v6 =	vmul.f32 $2.560000000e+02, v6;
	v4 =	vor.u32 v1, v4;
	_ =	sdelay $0x1  }
0x156: {  	v6 =	vtrunc.f32 v6;
	v5 =	vmul.f32 $2.560000000e+02, v5  }
0x157: {  	[tilespmem:v3+s14+$0x0] =	vst.idx.add.f32.msk $0xffff, v2;
	v3 =	vcvt.f32.s32 v6  }
0x158: {  	v6 =	vld [tilespmem:s22+$0x8410];
	v5 =	vtrunc.f32 v5  }
0x159: {  	v3 =	vshll.u32 v3, $0x4;
	[tilespmem:v4+s14+$0x0] =	vst.idx.add.f32.msk $0xffff, v2;
	v4 =	vcvt.f32.s32 v5  }
0x15a: {  	v3 =	vor.u32 v1, v3;
	v5 =	vld [tilespmem:s26+$0x8430]  }
0x15b: {  	v4 =	vshll.u32 v4, $0x4  }
0x15c: {  	v4 =	vor.u32 v1, v4  }
0x15d: {  	v6 =	vmul.f32 $2.560000000e+02, v6;
	_ =	sdelay $0x1  }
0x15e: {  	v6 =	vtrunc.f32 v6;
	[tilespmem:v3+s14+$0x0] =	vst.idx.add.f32.msk $0xffff, v2;
	v5 =	vmul.f32 $2.560000000e+02, v5  }
0x15f: {  	v3 =	vcvt.f32.s32 v6;
	v6 =	vld [tilespmem:s22+$0x8010]  }
0x160: {  	s29 =	simm.s32 $0x4000;
	v5 =	vtrunc.f32 v5;
	[tilespmem:v4+s14+$0x0] =	vst.idx.add.f32.msk $0xffff, v2  }
0x161: {  	s30 =	simm.s32 $0x200;
	s0 =	sand.u32 $0x2000, s29;
	v3 =	vshll.u32 v3, $0x4;
	v4 =	vcvt.f32.s32 v5;
	v5 =	vld [tilespmem:s26+$0x8030]  }
0x162: {  	s31 =	simm.s32 $0x80;
	s23 =	sand.u32 $0x7000, s30;
	s0 =	sshrl.u32 s0, $0x2;
	v3 =	vor.u32 v1, v3  }
0x163: {  	s24 =	sand.u32 $0x380, s31;
	s0 =	sor.u32 s0, s23;
	v4 =	vshll.u32 v4, $0x4  }
0x164: {  	s23 =	sor.u32 s24, s0;
	v6 =	vmul.f32 $2.560000000e+02, v6;
	v4 =	vor.u32 v1, v4  }
0x165: {  	v7 =	vld [tilespmem:s23+$0x8400]  }
0x166: {  	v6 =	vtrunc.f32 v6;
	v5 =	vmul.f32 $2.560000000e+02, v5  }
0x167: {  	[tilespmem:v3+s14+$0x0] =	vst.idx.add.f32.msk $0xffff, v2;
	v3 =	vcvt.f32.s32 v6  }
0x168: {  	v6 =	vld [tilespmem:s22+$0x8420];
	v5 =	vtrunc.f32 v5  }
0x169: {  	v3 =	vshll.u32 v3, $0x4;
	[tilespmem:v4+s14+$0x0] =	vst.idx.add.f32.msk $0xffff, v2;
	v4 =	vcvt.f32.s32 v5  }
0x16a: {  	v7 =	vmul.f32 $2.560000000e+02, v7;
	v3 =	vor.u32 v1, v3;
	v5 =	vld [tilespmem:s26+$0x8440]  }
0x16b: {  	v4 =	vshll.u32 v4, $0x4  }
0x16c: {  	v7 =	vtrunc.f32 v7;
	v4 =	vor.u32 v1, v4  }
0x16d: {  	v8 =	vld [tilespmem:s23+$0x8000];
	v7 =	vcvt.f32.s32 v7;
	v6 =	vmul.f32 $2.560000000e+02, v6;
	_ =	sdelay $0x1  }
0x16e: {  	v6 =	vtrunc.f32 v6;
	[tilespmem:v3+s14+$0x0] =	vst.idx.add.f32.msk $0xffff, v2;
	v3 =	vshll.u32 v7, $0x4;
	v5 =	vmul.f32 $2.560000000e+02, v5  }
0x16f: {  	v6 =	vcvt.f32.s32 v6;
	v7 =	vld [tilespmem:s22+$0x8020];
	v3 =	vor.u32 v1, v3  }
0x170: {  	v5 =	vtrunc.f32 v5;
	[tilespmem:v4+s14+$0x0] =	vst.idx.add.f32.msk $0xffff, v2  }
0x171: {  	v8 =	vmul.f32 $2.560000000e+02, v8;
	v4 =	vshll.u32 v6, $0x4;
	v5 =	vcvt.f32.s32 v5;
	v6 =	vld [tilespmem:s26+$0x8040]  }
0x172: {  	v4 =	vor.u32 v1, v4  }
0x173: {  	v8 =	vtrunc.f32 v8;
	v5 =	vshll.u32 v5, $0x4  }
0x174: {  	v7 =	vmul.f32 $2.560000000e+02, v7;
	[tilespmem:v3+s14+$0x0] =	vst.idx.add.f32.msk $0xffff, v2;
	v3 =	vcvt.f32.s32 v8;
	v5 =	vor.u32 v1, v5  }
0x175: {  	v8 =	vld [tilespmem:s23+$0x8410]  }
0x176: {  	v7 =	vtrunc.f32 v7;
	v3 =	vshll.u32 v3, $0x4;
	v6 =	vmul.f32 $2.560000000e+02, v6  }
0x177: {  	[tilespmem:v4+s14+$0x0] =	vst.idx.add.f32.msk $0xffff, v2;
	v4 =	vcvt.f32.s32 v7;
	v3 =	vor.u32 v1, v3  }
0x178: {  	v7 =	vld [tilespmem:s22+$0x8430];
	v6 =	vtrunc.f32 v6  }
0x179: {  	v4 =	vshll.u32 v4, $0x4;
	[tilespmem:v5+s14+$0x0] =	vst.idx.add.f32.msk $0xffff, v2;
	v5 =	vcvt.f32.s32 v6  }
0x17a: {  	v4 =	vor.u32 v1, v4;
	v8 =	vmul.f32 $2.560000000e+02, v8;
	v6 =	vld [tilespmem:s26+$0x8450]  }
0x17b: {  	v5 =	vshll.u32 v5, $0x4  }
0x17c: {  	v8 =	vtrunc.f32 v8;
	[tilespmem:v3+s14+$0x0] =	vst.idx.add.f32.msk $0xffff, v2;
	v5 =	vor.u32 v1, v5  }
0x17d: {  	v7 =	vmul.f32 $2.560000000e+02, v7;
	v3 =	vcvt.f32.s32 v8;
	v8 =	vld [tilespmem:s23+$0x8010]  }
0x17e: {  	s24 =	simm.s32 $0x6000  }
0x17f: {  	s25 =	simm.s32 $0x300;
	s0 =	sand.u32 $0x2000, s24;
	v7 =	vtrunc.f32 v7;
	[tilespmem:v4+s14+$0x0] =	vst.idx.add.f32.msk $0xffff, v2;
	v3 =	vshll.u32 v3, $0x4;
	v6 =	vmul.f32 $2.560000000e+02, v6  }
0x180: {  	s29 =	simm.s32 $0xC0;
	s24 =	sand.u32 $0x7000, s25;
	s0 =	sshrl.u32 s0, $0x2;
	v4 =	vcvt.f32.s32 v7;
	v7 =	vld [tilespmem:s22+$0x8030];
	v3 =	vor.u32 v1, v3  }
0x181: {  	s25 =	sand.u32 $0x380, s29;
	s0 =	sor.u32 s0, s24;
	v6 =	vtrunc.f32 v6;
	[tilespmem:v5+s14+$0x0] =	vst.idx.add.f32.msk $0xffff, v2  }
0x182: {  	s24 =	sor.u32 s25, s0;
	v4 =	vshll.u32 v4, $0x4;
	v8 =	vmul.f32 $2.560000000e+02, v8;
	v5 =	vcvt.f32.s32 v6;
	v6 =	vld [tilespmem:s26+$0x8050]  }
0x183: {  	v9 =	vld [tilespmem:s24+$0x8400];
	v4 =	vor.u32 v1, v4  }
0x184: {  	v8 =	vtrunc.f32 v8;
	v5 =	vshll.u32 v5, $0x4  }
0x185: {  	v7 =	vmul.f32 $2.560000000e+02, v7;
	[tilespmem:v3+s14+$0x0] =	vst.idx.add.f32.msk $0xffff, v2;
	v3 =	vcvt.f32.s32 v8;
	v5 =	vor.u32 v1, v5  }
0x186: {  	v8 =	vld [tilespmem:s23+$0x8420]  }
0x187: {  	v10 =	vld [tilespmem:s24+$0x8000];
	v7 =	vtrunc.f32 v7;
	v3 =	vshll.u32 v3, $0x4;
	v6 =	vmul.f32 $2.560000000e+02, v6  }
0x188: {  	v9 =	vmul.f32 $2.560000000e+02, v9;
	[tilespmem:v4+s14+$0x0] =	vst.idx.add.f32.msk $0xffff, v2;
	v4 =	vcvt.f32.s32 v7;
	v3 =	vor.u32 v1, v3  }
0x189: {  	v7 =	vld [tilespmem:s22+$0x8440];
	v6 =	vtrunc.f32 v6  }
0x18a: {  	v9 =	vtrunc.f32 v9;
	v4 =	vshll.u32 v4, $0x4;
	[tilespmem:v5+s14+$0x0] =	vst.idx.add.f32.msk $0xffff, v2;
	v5 =	vcvt.f32.s32 v6  }
0x18b: {  	v9 =	vcvt.f32.s32 v9;
	v4 =	vor.u32 v1, v4;
	v8 =	vmul.f32 $2.560000000e+02, v8;
	v6 =	vld [tilespmem:s26+$0x8460]  }
0x18c: {  	v5 =	vshll.u32 v5, $0x4  }
0x18d: {  	v8 =	vtrunc.f32 v8;
	[tilespmem:v3+s14+$0x0] =	vst.idx.add.f32.msk $0xffff, v2;
	v3 =	vshll.u32 v9, $0x4;
	v5 =	vor.u32 v1, v5  }
0x18e: {  	v7 =	vmul.f32 $2.560000000e+02, v7;
	v8 =	vcvt.f32.s32 v8;
	v9 =	vld [tilespmem:s23+$0x8020];
	v3 =	vor.u32 v1, v3  }
0x18f: {  	v10 =	vmul.f32 $2.560000000e+02, v10  }
0x190: {  	v7 =	vtrunc.f32 v7;
	[tilespmem:v4+s14+$0x0] =	vst.idx.add.f32.msk $0xffff, v2;
	v4 =	vshll.u32 v8, $0x4;
	v6 =	vmul.f32 $2.560000000e+02, v6  }
0x191: {  	v10 =	vtrunc.f32 v10;
	v7 =	vcvt.f32.s32 v7;
	v8 =	vld [tilespmem:s22+$0x8040];
	v4 =	vor.u32 v1, v4  }
0x192: {  	v10 =	vcvt.f32.s32 v10;
	v6 =	vtrunc.f32 v6;
	[tilespmem:v5+s14+$0x0] =	vst.idx.add.f32.msk $0xffff, v2  }
0x193: {  	v5 =	vshll.u32 v7, $0x4;
	v9 =	vmul.f32 $2.560000000e+02, v9;
	[tilespmem:v3+s14+$0x0] =	vst.idx.add.f32.msk $0xffff, v2;
	v6 =	vcvt.f32.s32 v6  }
0x194: {  	v7 =	vld [tilespmem:s26+$0x8060];
	v5 =	vor.u32 v1, v5  }
0x195: {  	v10 =	vshll.u32 v10, $0x4;
	v9 =	vtrunc.f32 v9;
	v3 =	vshll.u32 v6, $0x4;
	v6 =	vld [tilespmem:s24+$0x8410]  }
0x196: {  	[tilespmem:v4+s14+$0x0] =	vst.idx.add.f32.msk $0xffff, v2;
	v4 =	vcvt.f32.s32 v9;
	v9 =	vor.u32 v1, v10  }
0x197: {  	v8 =	vmul.f32 $2.560000000e+02, v8;
	v3 =	vor.u32 v1, v3  }
0x198: {  	v10 =	vld [tilespmem:s23+$0x8430]  }
0x199: {  	v8 =	vtrunc.f32 v8;
	v7 =	vmul.f32 $2.560000000e+02, v7;
	[tilespmem:v5+s14+$0x0] =	vst.idx.add.f32.msk $0xffff, v2  }
0x19a: {  	v4 =	vshll.u32 v4, $0x4;
	v5 =	vcvt.f32.s32 v8;
	v8 =	vld [tilespmem:s22+$0x8450]  }
0x19b: {  	v4 =	vor.u32 v1, v4;
	v7 =	vtrunc.f32 v7;
	v6 =	vmul.f32 $2.560000000e+02, v6;
	[tilespmem:v9+s14+$0x0] =	vst.idx.add.f32.msk $0xffff, v2  }
0x19c: {  	[tilespmem:v3+s14+$0x0] =	vst.idx.add.f32.msk $0xffff, v2;
	v3 =	vshll.u32 v5, $0x4;
	v5 =	vcvt.f32.s32 v7  }
0x19d: {  	v9 =	vmul.f32 $2.560000000e+02, v10;
	v10 =	vld [tilespmem:s24+$0x8010];
	v3 =	vor.u32 v1, v3;
	v6 =	vtrunc.f32 v6  }
0x19e: {  	v7 =	vld [tilespmem:s26+$0x8470];
	v5 =	vshll.u32 v5, $0x4;
	v6 =	vcvt.f32.s32 v6  }
0x19f: {  	v9 =	vtrunc.f32 v9;
	v5 =	vor.u32 v1, v5;
	v8 =	vmul.f32 $2.560000000e+02, v8  }
0x1a0: {  	s28 =	simm.s32 $0x8000;
	[tilespmem:v4+s14+$0x0] =	vst.idx.add.f32.msk $0xffff, v2;
	v4 =	vshll.u32 v6, $0x4;
	v6 =	vcvt.f32.s32 v9  }
0x1a1: {  	s31 =	simm.s32 $0x400;
	s30 =	sand.u32 $0x2000, s28;
	v9 =	vld [tilespmem:s23+$0x8030];
	v4 =	vor.u32 v1, v4;
	v8 =	vtrunc.f32 v8  }
0x1a2: {  	s29 =	simm.s32 $0x100;
	s25 =	sand.u32 $0x7000, s31;
	s0 =	sshrl.u32 s30, $0x2;
	[tilespmem:v3+s14+$0x0] =	vst.idx.add.f32.msk $0xffff, v2;
	v3 =	vshll.u32 v6, $0x4;
	v6 =	vcvt.f32.s32 v8  }
0x1a3: {  	s29 =	sand.u32 $0x380, s29;
	s0 =	sor.u32 s0, s25;
	v10 =	vmul.f32 $2.560000000e+02, v10;
	v7 =	vmul.f32 $2.560000000e+02, v7;
	v8 =	vld [tilespmem:s22+$0x8050];
	v3 =	vor.u32 v1, v3  }
0x1a4: {  	s25 =	sor.u32 s29, s0;
	[tilespmem:v5+s14+$0x0] =	vst.idx.add.f32.msk $0xffff, v2;
	v5 =	vshll.u32 v6, $0x4  }
0x1a5: {  	v10 =	vtrunc.f32 v10;
	v6 =	vtrunc.f32 v7;
	v7 =	vld [tilespmem:s25+$0x8400];
	v5 =	vor.u32 v1, v5  }
0x1a6: {  	v10 =	vcvt.f32.s32 v10;
	v9 =	vmul.f32 $2.560000000e+02, v9;
	[tilespmem:v4+s14+$0x0] =	vst.idx.add.f32.msk $0xffff, v2  }
0x1a7: {  	v4 =	vcvt.f32.s32 v6;
	v6 =	vld [tilespmem:s24+$0x8420]  }
0x1a8: {  	v10 =	vshll.u32 v10, $0x4;
	v9 =	vtrunc.f32 v9;
	v8 =	vmul.f32 $2.560000000e+02, v8;
	[tilespmem:v3+s14+$0x0] =	vst.idx.add.f32.msk $0xffff, v2  }
0x1a9: {  	v3 =	vcvt.f32.s32 v9;
	v9 =	vor.u32 v1, v10;
	v10 =	vld [tilespmem:s23+$0x8440]  }
0x1aa: {  	v4 =	vshll.u32 v4, $0x4;
	v7 =	vmul.f32 $2.560000000e+02, v7;
	v8 =	vtrunc.f32 v8;
	[tilespmem:v5+s14+$0x0] =	vst.idx.add.f32.msk $0xffff, v2  }
0x1ab: {  	v4 =	vor.u32 v1, v4;
	v3 =	vshll.u32 v3, $0x4;
	v5 =	vcvt.f32.s32 v8;
	v8 =	vld [tilespmem:s22+$0x8460]  }
0x1ac: {  	v12 =	vld [tilespmem:s25+$0x8000];
	v3 =	vor.u32 v1, v3;
	v7 =	vtrunc.f32 v7;
	v6 =	vmul.f32 $2.560000000e+02, v6  }
0x1ad: {  	v11 =	vld [tilespmem:s26+$0x8070];
	v7 =	vcvt.f32.s32 v7;
	v5 =	vshll.u32 v5, $0x4  }
0x1ae: {  	[tilespmem:v9+s14+$0x0] =	vst.idx.add.f32.msk $0xffff, v2;
	v5 =	vor.u32 v1, v5;
	v6 =	vtrunc.f32 v6;
	v9 =	vmul.f32 $2.560000000e+02, v10  }
0x1af: {  	v7 =	vshll.u32 v7, $0x4;
	v10 =	vld [tilespmem:s24+$0x8020];
	v6 =	vcvt.f32.s32 v6  }
0x1b0: {  	[tilespmem:v4+s14+$0x0] =	vst.idx.add.f32.msk $0xffff, v2;
	v4 =	vor.u32 v1, v7;
	v7 =	vtrunc.f32 v9;
	v8 =	vmul.f32 $2.560000000e+02, v8  }
0x1b1: {  	[tilespmem:v3+s14+$0x0] =	vst.idx.add.f32.msk $0xffff, v2;
	v3 =	vshll.u32 v6, $0x4;
	v6 =	vcvt.f32.s32 v7  }
0x1b2: {  	v9 =	vmul.f32 $2.560000000e+02, v12;
	v7 =	vld [tilespmem:s23+$0x8040];
	v3 =	vor.u32 v1, v3;
	v8 =	vtrunc.f32 v8  }
0x1b3: {  	[tilespmem:v5+s14+$0x0] =	vst.idx.add.f32.msk $0xffff, v2;
	v5 =	vshll.u32 v6, $0x4;
	v6 =	vcvt.f32.s32 v8  }
0x1b4: {  	v11 =	vmul.f32 $2.560000000e+02, v11;
	v9 =	vtrunc.f32 v9;
	v8 =	vld [tilespmem:s22+$0x8060];
	v5 =	vor.u32 v1, v5  }
0x1b5: {  	v10 =	vmul.f32 $2.560000000e+02, v10;
	v9 =	vcvt.f32.s32 v9;
	[tilespmem:v4+s14+$0x0] =	vst.idx.add.f32.msk $0xffff, v2;
	v4 =	vshll.u32 v6, $0x4  }
0x1b6: {  	v6 =	vtrunc.f32 v11;
	v11 =	vld [tilespmem:s25+$0x8410];
	v4 =	vor.u32 v1, v4  }
0x1b7: {  	v10 =	vtrunc.f32 v10;
	v9 =	vshll.u32 v9, $0x4;
	v7 =	vmul.f32 $2.560000000e+02, v7;
	[tilespmem:v3+s14+$0x0] =	vst.idx.add.f32.msk $0xffff, v2  }
0x1b8: {  	v10 =	vcvt.f32.s32 v10;
	v3 =	vcvt.f32.s32 v6;
	v6 =	vor.u32 v1, v9;
	v9 =	vld [tilespmem:s24+$0x8430]  }
0x1b9: {  	v7 =	vtrunc.f32 v7;
	v8 =	vmul.f32 $2.560000000e+02, v8;
	[tilespmem:v5+s14+$0x0] =	vst.idx.add.f32.msk $0xffff, v2  }
0x1ba: {  	v10 =	vshll.u32 v10, $0x4;
	v5 =	vcvt.f32.s32 v7;
	v63 =	vld [tilespmem:s23+$0x8450]  }
0x1bb: {  	v7 =	vor.u32 v1, v10;
	v8 =	vtrunc.f32 v8;
	[tilespmem:v4+s14+$0x0] =	vst.idx.add.f32.msk $0xffff, v2  }
0x1bc: {  	v10 =	vmul.f32 $2.560000000e+02, v11;
	v5 =	vshll.u32 v5, $0x4;
	v8 =	vcvt.f32.s32 v8;
	v4 =	vld [tilespmem:s22+$0x8470]  }
0x1bd: {  	[tilespmem:v6+s14+$0x0] =	vst.idx.add.f32.msk $0xffff, v2;
	v6 =	vor.u32 v1, v5  }
0x1be: {  	v10 =	vtrunc.f32 v10;
	v9 =	vmul.f32 $2.560000000e+02, v9;
	v5 =	vshll.u32 v8, $0x4  }
0x1bf: {  	v3 =	vshll.u32 v3, $0x4;
	v10 =	vcvt.f32.s32 v10;
	v8 =	vld [tilespmem:s25+$0x8010];
	v5 =	vor.u32 v1, v5  }
0x1c0: {  	s26 =	simm.s32 $0x8;
	v3 =	vor.u32 v1, v3;
	[tilespmem:v7+s14+$0x0] =	vst.idx.add.f32.msk $0xffff, v2;
	v9 =	vtrunc.f32 v9;
	v7 =	vmul.f32 $2.560000000e+02, v63  }
.LBB2_7:
0x1c1: {  	s26 =	sadd.s32 $0x2, s26;
	v10 =	vshll.u32 v10, $0x4;
	s28 =	sadd.s32 $0x2000, s28;
	v11 =	vld [tilespmem:s24+$0x8030];
	v9 =	vcvt.f32.s32 v9  }
0x1c2: {  	s0 =	sand.u32 $0x2000, s28;
	s29 =	sshll.u32 s26, $0x7;
	p0 =	slt.u32 s26, $0xFE;
	v10 =	vor.u32 v1, v10;
	[tilespmem:v6+s14+$0x0] =	vst.idx.add.f32.msk $0xffff, v2;
	v6 =	vtrunc.f32 v7;
	v4 =	vmul.f32 $2.560000000e+02, v4  }
0x1c3: {  	s30 =	sshll.u32 s26, $0x5;
	s29 =	sand.u32 $0x7000, s29;
	s0 =	sshrl.u32 s0, $0x2;
	v7 =	vshll.u32 v9, $0x4;
	v9 =	vld [tilespmem:s23+$0x8050];
	v6 =	vcvt.f32.s32 v6  }
0x1c4: {  	s30 =	sand.u32 $0x380, s30;
	s0 =	sor.u32 s0, s29;
	v8 =	vmul.f32 $2.560000000e+02, v8;
	v7 =	vor.u32 v1, v7;
	[tilespmem:v5+s14+$0x0] =	vst.idx.add.f32.msk $0xffff, v2;
	v4 =	vtrunc.f32 v4  }
0x1c5: {  	s0 =	sor.u32 s30, s0;
	v5 =	vshll.u32 v6, $0x4;
	v6 =	vld [tilespmem:s22+$0x8070];
	v4 =	vcvt.f32.s32 v4;
	s22 =	smov.u32 s23;
	s23 =	smov.u32 s24  }
0x1c6: {  	s24 =	smov.u32 s25;
	v12 =	vld [tilespmem:s0+$0x8400];
	v8 =	vtrunc.f32 v8;
	v11 =	vmul.f32 $2.560000000e+02, v11;
	v5 =	vor.u32 v1, v5;
	s25 =	smov.u32 s0  }
0x1c7: {  	v8 =	vcvt.f32.s32 v8;
	[tilespmem:v10+s14+$0x0] =	vst.idx.add.f32.msk $0xffff, v2;
	v4 =	vshll.u32 v4, $0x4  }
0x1c8: {  	v10 =	vld [tilespmem:s24+$0x8420];
	v11 =	vtrunc.f32 v11;
	v9 =	vmul.f32 $2.560000000e+02, v9;
	v4 =	vor.u32 v1, v4  }
0x1c9: {  	v8 =	vshll.u32 v8, $0x4;
	v11 =	vcvt.f32.s32 v11;
	[tilespmem:v7+s14+$0x0] =	vst.idx.add.f32.msk $0xffff, v2  }
0x1ca: {  	v7 =	vor.u32 v1, v8;
	v8 =	vld [tilespmem:s23+$0x8440];
	v9 =	vtrunc.f32 v9;
	v6 =	vmul.f32 $2.560000000e+02, v6  }
0x1cb: {  	v12 =	vmul.f32 $2.560000000e+02, v12;
	v11 =	vshll.u32 v11, $0x4;
	v9 =	vcvt.f32.s32 v9;
	[tilespmem:v5+s14+$0x0] =	vst.idx.add.f32.msk $0xffff, v2  }
0x1cc: {  	v5 =	vor.u32 v1, v11;
	v11 =	vld [tilespmem:s22+$0x8460];
	v6 =	vtrunc.f32 v6  }
0x1cd: {  	v12 =	vtrunc.f32 v12;
	v10 =	vmul.f32 $2.560000000e+02, v10;
	v9 =	vshll.u32 v9, $0x4;
	[tilespmem:v4+s14+$0x0] =	vst.idx.add.f32.msk $0xffff, v2  }
0x1ce: {  	v6 =	vcvt.f32.s32 v6;
	v4 =	vld [tilespmem:s25+$0x8000];
	v12 =	vcvt.f32.s32 v12;
	v9 =	vor.u32 v1, v9  }
0x1cf: {  	[tilespmem:v7+s14+$0x0] =	vst.idx.add.f32.msk $0xffff, v2;
	v7 =	vtrunc.f32 v10;
	v8 =	vmul.f32 $2.560000000e+02, v8  }
0x1d0: {  	v6 =	vshll.u32 v6, $0x4;
	v10 =	vshll.u32 v12, $0x4;
	v12 =	vld [tilespmem:s24+$0x8020];
	v7 =	vcvt.f32.s32 v7  }
0x1d1: {  	v10 =	vor.u32 v1, v10;
	[tilespmem:v5+s14+$0x0] =	vst.idx.add.f32.msk $0xffff, v2;
	v5 =	vtrunc.f32 v8;
	v8 =	vmul.f32 $2.560000000e+02, v11  }
0x1d2: {  	v6 =	vor.u32 v1, v6;
	v7 =	vshll.u32 v7, $0x4;
	v11 =	vld [tilespmem:s23+$0x8040];
	v5 =	vcvt.f32.s32 v5  }
0x1d3: {  	v4 =	vmul.f32 $2.560000000e+02, v4;
	v7 =	vor.u32 v1, v7;
	[tilespmem:v9+s14+$0x0] =	vst.idx.add.f32.msk $0xffff, v2;
	v8 =	vtrunc.f32 v8  }
0x1d4: {  	v5 =	vshll.u32 v5, $0x4;
	v9 =	vld [tilespmem:s22+$0x8060];
	v8 =	vcvt.f32.s32 v8  }
0x1d5: {  	v4 =	vtrunc.f32 v4;
	v12 =	vmul.f32 $2.560000000e+02, v12;
	v5 =	vor.u32 v1, v5;
	[tilespmem:v3+s14+$0x0] =	vst.idx.add.f32.msk $0xffff, v2;
	v3 =	vmovc v6  }
0x1d6: {  	v4 =	vcvt.f32.s32 v4;
	[tilespmem:v10+s14+$0x0] =	vst.idx.add.f32.msk $0xffff, v2;
	v6 =	vshll.u32 v8, $0x4  }
0x1d7: {  	v8 =	vld [tilespmem:s25+$0x8410];
	v10 =	vtrunc.f32 v12;
	v11 =	vmul.f32 $2.560000000e+02, v11;
	v6 =	vor.u32 v1, v6  }
0x1d8: {  	v4 =	vshll.u32 v4, $0x4;
	v10 =	vcvt.f32.s32 v10;
	[tilespmem:v7+s14+$0x0] =	vst.idx.add.f32.msk $0xffff, v2  }
0x1d9: {  	v7 =	vor.u32 v1, v4;
	v12 =	vld [tilespmem:s24+$0x8430];
	v4 =	vtrunc.f32 v11;
	v9 =	vmul.f32 $2.560000000e+02, v9  }
0x1da: {  	v10 =	vshll.u32 v10, $0x4;
	v4 =	vcvt.f32.s32 v4;
	[tilespmem:v5+s14+$0x0] =	vst.idx.add.f32.msk $0xffff, v2  }
0x1db: {  	v11 =	vor.u32 v1, v10;
	v13 =	vld [tilespmem:s23+$0x8450];
	v5 =	vtrunc.f32 v9  }
.Ltmp2:
0x1dc: {  	v8 =	vmul.f32 $2.560000000e+02, v8;
	v4 =	vshll.u32 v4, $0x4;
	v5 =	vcvt.f32.s32 v5;
	[tilespmem:v6+s14+$0x0] =	vst.idx.add.f32.msk $0xffff, v2;
	(pc) =	sbr.rel @p0 .LBB2_7-.Ltmp2, $4  }
0x1dd: {  	v6 =	vor.u32 v1, v4;
	v4 =	vld [tilespmem:s22+$0x8470]  }
0x1de: {  	[tilespmem:v7+s14+$0x0] =	vst.idx.add.f32.msk $0xffff, v2;
	v7 =	vtrunc.f32 v8;
	v9 =	vmul.f32 $2.560000000e+02, v12;
	v5 =	vshll.u32 v5, $0x4  }
0x1df: {  	v8 =	vld [tilespmem:s25+$0x8010];
	v10 =	vcvt.f32.s32 v7;
	v5 =	vor.u32 v1, v5  }
0x1e0: {  	[tilespmem:v11+s14+$0x0] =	vst.idx.add.f32.msk $0xffff, v2;
	v9 =	vtrunc.f32 v9;
	v7 =	vmul.f32 $2.560000000e+02, v13  }
0x1e1: {  	_ =	sdelay $0x2  }
0x1e2: {  	v8 =	vmul.f32 $2.560000000e+02, v8;
	_ =	sdelay $0x1  }
0x1e3: {  	v8 =	vtrunc.f32 v8  }
0x1e4: {  	v10 =	vshll.u32 v10, $0x4;
	v8 =	vcvt.f32.s32 v8  }
0x1e5: {  	v10 =	vor.u32 v1, v10  }
0x1e6: {  	v8 =	vshll.u32 v8, $0x4  }
0x1e7: {  	v8 =	vor.u32 v1, v8;
	_ =	sdelay $0x2  }
0x1e8: {  	[tilespmem:v10+s14+$0x0] =	vst.idx.add.f32.msk $0xffff, v2  }
0x1e9: {  	v10 =	vld [tilespmem:s25+$0x8420]  }
0x1ea: {  	[tilespmem:v8+s14+$0x0] =	vst.idx.add.f32.msk $0xffff, v2  }
0x1eb: {  	v8 =	vld [tilespmem:s25+$0x8020];
	_ =	sdelay $0x2  }
0x1ec: {  	v10 =	vmul.f32 $2.560000000e+02, v10;
	_ =	sdelay $0x1  }
0x1ed: {  	v10 =	vtrunc.f32 v10;
	v8 =	vmul.f32 $2.560000000e+02, v8  }
0x1ee: {  	v10 =	vcvt.f32.s32 v10  }
0x1ef: {  	v8 =	vtrunc.f32 v8  }
0x1f0: {  	v10 =	vshll.u32 v10, $0x4;
	v8 =	vcvt.f32.s32 v8  }
0x1f1: {  	v10 =	vor.u32 v1, v10  }
0x1f2: {  	v11 =	vld [tilespmem:s24+$0x8030];
	v8 =	vshll.u32 v8, $0x4  }
0x1f3: {  	v8 =	vor.u32 v1, v8;
	_ =	sdelay $0x2  }
0x1f4: {  	[tilespmem:v10+s14+$0x0] =	vst.idx.add.f32.msk $0xffff, v2  }
0x1f5: {  	v9 =	vcvt.f32.s32 v9;
	v11 =	vmul.f32 $2.560000000e+02, v11;
	v10 =	vld [tilespmem:s25+$0x8430]  }
0x1f6: {  	[tilespmem:v8+s14+$0x0] =	vst.idx.add.f32.msk $0xffff, v2  }
0x1f7: {  	v9 =	vshll.u32 v9, $0x4;
	v11 =	vtrunc.f32 v11;
	v8 =	vld [tilespmem:s25+$0x8030]  }
0x1f8: {  	v9 =	vor.u32 v1, v9;
	v11 =	vcvt.f32.s32 v11;
	_ =	sdelay $0x1  }
0x1f9: {  	v11 =	vshll.u32 v11, $0x4;
	v10 =	vmul.f32 $2.560000000e+02, v10  }
0x1fa: {  	v11 =	vor.u32 v1, v11  }
0x1fb: {  	v10 =	vtrunc.f32 v10;
	v8 =	vmul.f32 $2.560000000e+02, v8  }
0x1fc: {  	[tilespmem:v9+s14+$0x0] =	vst.idx.add.f32.msk $0xffff, v2;
	v10 =	vcvt.f32.s32 v10  }
0x1fd: {  	v9 =	vld [tilespmem:s24+$0x8440];
	v8 =	vtrunc.f32 v8  }
0x1fe: {  	v10 =	vshll.u32 v10, $0x4;
	v8 =	vcvt.f32.s32 v8  }
0x1ff: {  	[tilespmem:v11+s14+$0x0] =	vst.idx.add.f32.msk $0xffff, v2;
	v10 =	vor.u32 v1, v10  }
0x200: {  	v11 =	vld [tilespmem:s24+$0x8040];
	v8 =	vshll.u32 v8, $0x4  }
0x201: {  	v8 =	vor.u32 v1, v8  }
0x202: {  	v9 =	vmul.f32 $2.560000000e+02, v9;
	_ =	sdelay $0x1  }
0x203: {  	v9 =	vtrunc.f32 v9;
	[tilespmem:v10+s14+$0x0] =	vst.idx.add.f32.msk $0xffff, v2  }
0x204: {  	v9 =	vcvt.f32.s32 v9;
	v11 =	vmul.f32 $2.560000000e+02, v11;
	v10 =	vld [tilespmem:s25+$0x8440]  }
0x205: {  	[tilespmem:v8+s14+$0x0] =	vst.idx.add.f32.msk $0xffff, v2  }
0x206: {  	v9 =	vshll.u32 v9, $0x4;
	v11 =	vtrunc.f32 v11;
	v8 =	vld [tilespmem:s25+$0x8040]  }
0x207: {  	v9 =	vor.u32 v1, v9;
	v11 =	vcvt.f32.s32 v11;
	_ =	sdelay $0x1  }
0x208: {  	v11 =	vshll.u32 v11, $0x4;
	v10 =	vmul.f32 $2.560000000e+02, v10  }
0x209: {  	v11 =	vor.u32 v1, v11  }
0x20a: {  	v10 =	vtrunc.f32 v10;
	v8 =	vmul.f32 $2.560000000e+02, v8  }
0x20b: {  	[tilespmem:v9+s14+$0x0] =	vst.idx.add.f32.msk $0xffff, v2;
	v10 =	vcvt.f32.s32 v10  }
0x20c: {  	v9 =	vld [tilespmem:s24+$0x8450];
	v8 =	vtrunc.f32 v8  }
0x20d: {  	[tilespmem:v6+s14+$0x0] =	vst.idx.add.f32.msk $0xffff, v2;
	v34 =	vshll.u32 v10, $0x4;
	v8 =	vcvt.f32.s32 v8  }
0x20e: {  	[tilespmem:v11+s14+$0x0] =	vst.idx.add.f32.msk $0xffff, v2;
	v6 =	vor.u32 v1, v34  }
0x20f: {  	v11 =	vld [tilespmem:s24+$0x8050];
	v8 =	vshll.u32 v8, $0x4  }
0x210: {  	v35 =	vld [tilespmem:s23+$0x8050];
	v8 =	vor.u32 v1, v8  }
0x211: {  	v7 =	vtrunc.f32 v7;
	v9 =	vmul.f32 $2.560000000e+02, v9  }
0x212: {  	v36 =	vcvt.f32.s32 v7  }
0x213: {  	v9 =	vtrunc.f32 v9;
	[tilespmem:v6+s14+$0x0] =	vst.idx.add.f32.msk $0xffff, v2  }
0x214: {  	v9 =	vcvt.f32.s32 v9;
	v11 =	vmul.f32 $2.560000000e+02, v11;
	v6 =	vshll.u32 v36, $0x4;
	v37 =	vld [tilespmem:s25+$0x8450]  }
0x215: {  	v10 =	vmul.f32 $2.560000000e+02, v35;
	v6 =	vor.u32 v1, v6;
	[tilespmem:v8+s14+$0x0] =	vst.idx.add.f32.msk $0xffff, v2  }
0x216: {  	v9 =	vshll.u32 v9, $0x4;
	v11 =	vtrunc.f32 v11;
	v39 =	vld [tilespmem:s25+$0x8050]  }
0x217: {  	v9 =	vor.u32 v1, v9;
	v11 =	vcvt.f32.s32 v11;
	v10 =	vtrunc.f32 v10  }
0x218: {  	v38 =	vcvt.f32.s32 v10  }
0x219: {  	v40 =	vshll.u32 v11, $0x4;
	v7 =	vmul.f32 $2.560000000e+02, v37  }
0x21a: {  	[tilespmem:v6+s14+$0x0] =	vst.idx.add.f32.msk $0xffff, v2;
	v6 =	vor.u32 v1, v40;
	v8 =	vshll.u32 v38, $0x4  }
0x21b: {  	v7 =	vtrunc.f32 v7;
	v8 =	vor.u32 v1, v8;
	v10 =	vmul.f32 $2.560000000e+02, v39  }
0x21c: {  	[tilespmem:v9+s14+$0x0] =	vst.idx.add.f32.msk $0xffff, v2;
	v7 =	vcvt.f32.s32 v7  }
0x21d: {  	v9 =	vld [tilespmem:s24+$0x8460];
	v10 =	vtrunc.f32 v10  }
0x21e: {  	v41 =	vld [tilespmem:s23+$0x8460];
	v7 =	vshll.u32 v7, $0x4;
	v42 =	vcvt.f32.s32 v10  }
0x21f: {  	[tilespmem:v6+s14+$0x0] =	vst.idx.add.f32.msk $0xffff, v2;
	v7 =	vor.u32 v1, v7  }
0x220: {  	[tilespmem:v8+s14+$0x0] =	vst.idx.add.f32.msk $0xffff, v2;
	v8 =	vshll.u32 v42, $0x4  }
0x221: {  	v6 =	vld [tilespmem:s24+$0x8060];
	v8 =	vor.u32 v1, v8  }
0x222: {  	v9 =	vmul.f32 $2.560000000e+02, v9  }
0x223: {  	v43 =	vld [tilespmem:s23+$0x8060]  }
0x224: {  	v9 =	vtrunc.f32 v9;
	v11 =	vmul.f32 $2.560000000e+02, v41;
	[tilespmem:v7+s14+$0x0] =	vst.idx.add.f32.msk $0xffff, v2  }
0x225: {  	v9 =	vcvt.f32.s32 v9;
	v45 =	vld [tilespmem:s25+$0x8460]  }
0x226: {  	v11 =	vtrunc.f32 v11;
	v6 =	vmul.f32 $2.560000000e+02, v6;
	[tilespmem:v8+s14+$0x0] =	vst.idx.add.f32.msk $0xffff, v2  }
0x227: {  	v48 =	vshll.u32 v9, $0x4;
	v44 =	vcvt.f32.s32 v11;
	v47 =	vld [tilespmem:s25+$0x8060]  }
0x228: {  	[tilespmem:v5+s14+$0x0] =	vst.idx.add.f32.msk $0xffff, v2;
	v5 =	vor.u32 v1, v48;
	v6 =	vtrunc.f32 v6;
	v10 =	vmul.f32 $2.560000000e+02, v43  }
0x229: {  	v7 =	vshll.u32 v44, $0x4;
	v6 =	vcvt.f32.s32 v6  }
0x22a: {  	v7 =	vor.u32 v1, v7;
	v10 =	vtrunc.f32 v10;
	v11 =	vmul.f32 $2.560000000e+02, v45  }
0x22b: {  	v6 =	vshll.u32 v6, $0x4;
	v46 =	vcvt.f32.s32 v10  }
0x22c: {  	v49 =	vld [tilespmem:s22+$0x8070];
	v6 =	vor.u32 v1, v6;
	v11 =	vtrunc.f32 v11;
	v10 =	vmul.f32 $2.560000000e+02, v47  }
0x22d: {  	[tilespmem:v5+s14+$0x0] =	vst.idx.add.f32.msk $0xffff, v2;
	v8 =	vshll.u32 v46, $0x4;
	v50 =	vcvt.f32.s32 v11  }
0x22e: {  	v55 =	vld [tilespmem:s24+$0x8470];
	v8 =	vor.u32 v1, v8;
	v10 =	vtrunc.f32 v10  }
0x22f: {  	[tilespmem:v7+s14+$0x0] =	vst.idx.add.f32.msk $0xffff, v2;
	v7 =	vshll.u32 v50, $0x4;
	v52 =	vcvt.f32.s32 v10  }
0x230: {  	v51 =	vld [tilespmem:s23+$0x8470];
	v7 =	vor.u32 v1, v7  }
0x231: {  	[tilespmem:v6+s14+$0x0] =	vst.idx.add.f32.msk $0xffff, v2;
	v54 =	vshll.u32 v52, $0x4  }
0x232: {  	v4 =	vmul.f32 $2.560000000e+02, v4;
	v6 =	vld [tilespmem:s24+$0x8070];
	v5 =	vor.u32 v1, v54  }
0x233: {  	v9 =	vmul.f32 $2.560000000e+02, v49;
	[tilespmem:v8+s14+$0x0] =	vst.idx.add.f32.msk $0xffff, v2  }
0x234: {  	v4 =	vtrunc.f32 v4;
	v53 =	vld [tilespmem:s23+$0x8070]  }
0x235: {  	v4 =	vcvt.f32.s32 v4;
	v9 =	vtrunc.f32 v9;
	[tilespmem:v7+s14+$0x0] =	vst.idx.add.f32.msk $0xffff, v2  }
0x236: {  	v11 =	vmul.f32 $2.560000000e+02, v51;
	v8 =	vmul.f32 $2.560000000e+02, v55;
	v57 =	vld [tilespmem:s25+$0x8470]  }
0x237: {  	v56 =	vcvt.f32.s32 v9;
	[tilespmem:v5+s14+$0x0] =	vst.idx.add.f32.msk $0xffff, v2  }
0x238: {  	v4 =	vshll.u32 v4, $0x4;
	v11 =	vtrunc.f32 v11;
	v8 =	vtrunc.f32 v8;
	v59 =	vld [tilespmem:s25+$0x8070]  }
0x239: {  	v7 =	vshll.u32 v56, $0x4;
	v8 =	vcvt.f32.s32 v8;
	v6 =	vmul.f32 $2.560000000e+02, v6  }
0x23a: {  	v4 =	vor.u32 v1, v4;
	v58 =	vcvt.f32.s32 v11;
	v7 =	vor.u32 v1, v7  }
0x23b: {  	v8 =	vshll.u32 v8, $0x4;
	v6 =	vtrunc.f32 v6;
	v10 =	vmul.f32 $2.560000000e+02, v53  }
0x23c: {  	v8 =	vor.u32 v1, v8;
	v6 =	vcvt.f32.s32 v6;
	v9 =	vmul.f32 $2.560000000e+02, v57  }
0x23d: {  	v10 =	vtrunc.f32 v10;
	v5 =	vshll.u32 v58, $0x4;
	v11 =	vmul.f32 $2.560000000e+02, v59  }
0x23e: {  	v10 =	vcvt.f32.s32 v10;
	v9 =	vtrunc.f32 v9;
	v5 =	vor.u32 v1, v5  }
0x23f: {  	[tilespmem:v3+s14+$0x0] =	vst.idx.add.f32.msk $0xffff, v2;
	v3 =	vshll.u32 v6, $0x4;
	v9 =	vcvt.f32.s32 v9;
	v11 =	vtrunc.f32 v11  }
0x240: {  	v3 =	vor.u32 v1, v3;
	v10 =	vshll.u32 v10, $0x4;
	v61 =	vcvt.f32.s32 v11  }
0x241: {  	[tilespmem:v4+s14+$0x0] =	vst.idx.add.f32.msk $0xffff, v2;
	v60 =	vor.u32 v1, v10;
	v9 =	vshll.u32 v9, $0x4  }
0x242: {  	s21 =	sadd.s32 $0x1, s21;
	[tilespmem:v7+s14+$0x0] =	vst.idx.add.f32.msk $0xffff, v2;
	v62 =	vor.u32 v1, v9;
	v63 =	vshll.u32 v61, $0x4  }
0x243: {  	p0 =	sne.s32 s21, $0x8;
	[tilespmem:v5+s14+$0x0] =	vst.idx.add.f32.msk $0xffff, v2;
	v5 =	vor.u32 v1, v63  }
.Ltmp3:
0x244: {  	[tilespmem:v8+s14+$0x0] =	vst.idx.add.f32.msk $0xffff, v2;
	(pc) =	sbr.rel @p0 .LBB2_4-.Ltmp3, $4  }
0x245: {  	[tilespmem:v3+s14+$0x0] =	vst.idx.add.f32.msk $0xffff, v2  }
0x246: {  	[tilespmem:v60+s14+$0x0] =	vst.idx.add.f32.msk $0xffff, v2  }
0x247: {  	[tilespmem:v62+s14+$0x0] =	vst.idx.add.f32.msk $0xffff, v2  }
0x248: {  	[tilespmem:v5+s14+$0x0] =	vst.idx.add.f32.msk $0xffff, v2  }
0x249: {  	s0 =	simm.s32 $0x10000  }
0x24a: {  	v3 =	vld [tilespmem:s0+$0x0]  }
0x24b: {  	s20 =	simm.s32 $0x0  }
0x24c: {  	s31 =	sand.u32 $0xC00, s20;
	s21 =	sand.u32 $0x380, s20  }
0x24d: {  	s22 =	sand.u32 $0x70, s20;
	s0 =	sor.u32 s21, s31  }
0x24e: {  	s0 =	sor.u32 s22, s0  }
0x24f: {  	s23 =	simm.s32 $0x0;
	s21 =	simm.s32 $0x4;
	s22 =	simm.s32 $0x10010;
	[tilespmem:s0+$0x12100] =	vst v3  }
.LBB2_10:
0x250: {  	v3 =	vld [tilespmem:s22+$0x0];
	p0 =	sne.s32 s21, $0x3FC;
	s0 =	smov.u32 s21;
	s21 =	sadd.s32 $0x4, s21  }
.Ltmp4:
0x251: {  	s20 =	sadd.s32 $0x80, s20;
	(pc) =	sbr.rel @p0 .LBB2_10-.Ltmp4, $4  }
0x252: {  	s23 =	sadd.s32 $0x10, s23;
	s24 =	sand.u32 $0xC00, s20;
	s0 =	sand.u32 $0x380, s0  }
0x253: {  	s25 =	sand.u32 $0x70, s23;
	s0 =	sor.u32 s0, s24  }
0x254: {  	s0 =	sor.u32 s25, s0  }
0x255: {  	s22 =	sadd.s32 $0x10, s22;
	[tilespmem:s0+$0x12100] =	vst v3  }
0x256: {  	v3 =	vld [tilespmem:$0x130F0]  }
0x257: {  	v4 =	vld [tilespmem:$0x11000];
	_ =	sdelay $0x4  }
0x258: {  	v3 =	vadd.f32 v4, v3;
	_ =	sdelay $0x1  }
0x259: {  	s20 =	simm.s32 $0x0;
	[tilespmem:$0x130F0] =	vst v3  }
0x25a: {  	[hbm4b:s6+s20] =	stream.linear.scatter [tilespmem:s16], [sflag:$0x3], $0x1000, $0x38;
	[tilespmem:$0x13100] =	vst v63  }
0x25b: {  	_ =	swait.ge [sflag:s17], $0x1000  }
0x25c: {  	[sflag:s17] =	ssyncset.done $0x0  }
0x25d: {  	s21 =	simm.s32 $0x0;
	[sflag:s17] =	ssyncadd.s32 $0xFFFFF000  }
0x25e: {  	[tilespmem:s20], [sflag:$0x1] =	stream.linear.gather [hbm4b:s5+s20], $0x8000, $0x38;
	[tilespmem:$0x13100] =	vst v63  }
.LBB2_12:
0x25f: {  	s22 =	sshll.u32 s21, $0xD;
	s25 =	sand.u32 $0x2000, s20  }
0x260: {  	s23 =	simm.s32 $0x0;
	s24 =	simm.s32 $0x0;
	s0 =	sadd.s32 s11, s22  }
0x261: {  	[tilespmem:s12], [sflag:$0x2] =	stream.linear.gather [hbm4b:s0+s20], $0x8000, $0x38;
	[tilespmem:$0x13100] =	vst v63  }
0x262: {  	s23 =	sand.u32 $0x7000, s23;
	s0 =	sshrl.u32 s25, $0x2;
	_ =	swait.ge [sflag:s13], $0x8000  }
0x263: {  	s24 =	sand.u32 $0x380, s24;
	s0 =	sor.u32 s0, s23;
	[sflag:s13] =	ssyncset.done $0x0  }
0x264: {  	s28 =	sor.u32 s24, s0;
	[sflag:s13] =	ssyncadd.s32 $0xFFFF8000  }
0x265: {  	v3 =	vld [tilespmem:s28+$0x400];
	_ =	sdelay $0x4  }
0x266: {  	v3 =	vmul.f32 $2.560000000e+02, v3;
	_ =	sdelay $0x1  }
0x267: {  	v3 =	vtrunc.f32 v3  }
0x268: {  	v4 =	vld [tilespmem:s28+$0x0];
	v3 =	vcvt.f32.s32 v3;
	_ =	sdelay $0x1  }
0x269: {  	v3 =	vshll.u32 v3, $0x4  }
0x26a: {  	v3 =	vor.u32 v1, v3;
	_ =	sdelay $0x1  }
0x26b: {  	v4 =	vmul.f32 $2.560000000e+02, v4;
	_ =	sdelay $0x1  }
0x26c: {  	v4 =	vtrunc.f32 v4  }
0x26d: {  	[tilespmem:v3+s18+$0x0] =	vst.idx.add.f32.msk $0xffff, v2;
	v3 =	vcvt.f32.s32 v4  }
0x26e: {  	v4 =	vld [tilespmem:s28+$0x410]  }
0x26f: {  	v3 =	vshll.u32 v3, $0x4  }
0x270: {  	v3 =	vor.u32 v1, v3;
	_ =	sdelay $0x2  }
0x271: {  	v4 =	vmul.f32 $2.560000000e+02, v4;
	_ =	sdelay $0x1  }
0x272: {  	v4 =	vtrunc.f32 v4;
	[tilespmem:v3+s18+$0x0] =	vst.idx.add.f32.msk $0xffff, v2  }
0x273: {  	v3 =	vcvt.f32.s32 v4;
	v4 =	vld [tilespmem:s28+$0x10];
	_ =	sdelay $0x1  }
0x274: {  	s26 =	simm.s32 $0x2000;
	v3 =	vshll.u32 v3, $0x4  }
0x275: {  	s30 =	simm.s32 $0x100;
	s0 =	sand.u32 $0x2000, s26;
	v3 =	vor.u32 v1, v3  }
0x276: {  	s31 =	simm.s32 $0x40;
	s23 =	sand.u32 $0x7000, s30;
	s0 =	sshrl.u32 s0, $0x2  }
0x277: {  	s24 =	sand.u32 $0x380, s31;
	s0 =	sor.u32 s0, s23;
	v4 =	vmul.f32 $2.560000000e+02, v4  }
0x278: {  	s23 =	sor.u32 s24, s0  }
0x279: {  	v5 =	vld [tilespmem:s23+$0x400];
	v4 =	vtrunc.f32 v4  }
0x27a: {  	[tilespmem:v3+s18+$0x0] =	vst.idx.add.f32.msk $0xffff, v2;
	v3 =	vcvt.f32.s32 v4  }
0x27b: {  	v4 =	vld [tilespmem:s28+$0x420]  }
0x27c: {  	v3 =	vshll.u32 v3, $0x4  }
0x27d: {  	v3 =	vor.u32 v1, v3  }
0x27e: {  	v5 =	vmul.f32 $2.560000000e+02, v5;
	_ =	sdelay $0x1  }
0x27f: {  	v5 =	vtrunc.f32 v5;
	v4 =	vmul.f32 $2.560000000e+02, v4  }
0x280: {  	v6 =	vld [tilespmem:s23+$0x0];
	v5 =	vcvt.f32.s32 v5  }
0x281: {  	v4 =	vtrunc.f32 v4;
	[tilespmem:v3+s18+$0x0] =	vst.idx.add.f32.msk $0xffff, v2  }
0x282: {  	v3 =	vshll.u32 v5, $0x4;
	v4 =	vcvt.f32.s32 v4;
	v5 =	vld [tilespmem:s28+$0x20]  }
0x283: {  	v3 =	vor.u32 v1, v3  }
0x284: {  	v4 =	vshll.u32 v4, $0x4  }
0x285: {  	v6 =	vmul.f32 $2.560000000e+02, v6;
	v4 =	vor.u32 v1, v4;
	_ =	sdelay $0x1  }
0x286: {  	v6 =	vtrunc.f32 v6;
	v5 =	vmul.f32 $2.560000000e+02, v5  }
0x287: {  	[tilespmem:v3+s18+$0x0] =	vst.idx.add.f32.msk $0xffff, v2;
	v3 =	vcvt.f32.s32 v6  }
0x288: {  	v6 =	vld [tilespmem:s23+$0x410];
	v5 =	vtrunc.f32 v5  }
0x289: {  	v3 =	vshll.u32 v3, $0x4;
	[tilespmem:v4+s18+$0x0] =	vst.idx.add.f32.msk $0xffff, v2;
	v4 =	vcvt.f32.s32 v5  }
0x28a: {  	v3 =	vor.u32 v1, v3;
	v5 =	vld [tilespmem:s28+$0x430]  }
0x28b: {  	v4 =	vshll.u32 v4, $0x4  }
0x28c: {  	v4 =	vor.u32 v1, v4  }
0x28d: {  	v6 =	vmul.f32 $2.560000000e+02, v6;
	_ =	sdelay $0x1  }
0x28e: {  	v6 =	vtrunc.f32 v6;
	[tilespmem:v3+s18+$0x0] =	vst.idx.add.f32.msk $0xffff, v2;
	v5 =	vmul.f32 $2.560000000e+02, v5  }
0x28f: {  	v3 =	vcvt.f32.s32 v6;
	v6 =	vld [tilespmem:s23+$0x10]  }
0x290: {  	s24 =	simm.s32 $0x4000;
	v5 =	vtrunc.f32 v5;
	[tilespmem:v4+s18+$0x0] =	vst.idx.add.f32.msk $0xffff, v2  }
0x291: {  	s25 =	simm.s32 $0x200;
	s0 =	sand.u32 $0x2000, s24;
	v3 =	vshll.u32 v3, $0x4;
	v4 =	vcvt.f32.s32 v5;
	v5 =	vld [tilespmem:s28+$0x30]  }
0x292: {  	s24 =	sand.u32 $0x7000, s25;
	s25 =	simm.s32 $0x80;
	s0 =	sshrl.u32 s0, $0x2;
	v3 =	vor.u32 v1, v3  }
0x293: {  	s25 =	sand.u32 $0x380, s25;
	s0 =	sor.u32 s0, s24;
	v4 =	vshll.u32 v4, $0x4  }
0x294: {  	s24 =	sor.u32 s25, s0;
	v6 =	vmul.f32 $2.560000000e+02, v6;
	v4 =	vor.u32 v1, v4  }
0x295: {  	v7 =	vld [tilespmem:s24+$0x400]  }
0x296: {  	v6 =	vtrunc.f32 v6;
	v5 =	vmul.f32 $2.560000000e+02, v5  }
0x297: {  	[tilespmem:v3+s18+$0x0] =	vst.idx.add.f32.msk $0xffff, v2;
	v3 =	vcvt.f32.s32 v6  }
0x298: {  	v6 =	vld [tilespmem:s23+$0x420];
	v5 =	vtrunc.f32 v5  }
0x299: {  	v3 =	vshll.u32 v3, $0x4;
	[tilespmem:v4+s18+$0x0] =	vst.idx.add.f32.msk $0xffff, v2;
	v4 =	vcvt.f32.s32 v5  }
0x29a: {  	v7 =	vmul.f32 $2.560000000e+02, v7;
	v3 =	vor.u32 v1, v3;
	v5 =	vld [tilespmem:s28+$0x440]  }
0x29b: {  	v4 =	vshll.u32 v4, $0x4  }
0x29c: {  	v7 =	vtrunc.f32 v7;
	v4 =	vor.u32 v1, v4  }
0x29d: {  	v8 =	vld [tilespmem:s24+$0x0];
	v7 =	vcvt.f32.s32 v7;
	v6 =	vmul.f32 $2.560000000e+02, v6;
	_ =	sdelay $0x1  }
0x29e: {  	v6 =	vtrunc.f32 v6;
	[tilespmem:v3+s18+$0x0] =	vst.idx.add.f32.msk $0xffff, v2;
	v3 =	vshll.u32 v7, $0x4;
	v5 =	vmul.f32 $2.560000000e+02, v5  }
0x29f: {  	v6 =	vcvt.f32.s32 v6;
	v7 =	vld [tilespmem:s23+$0x20];
	v3 =	vor.u32 v1, v3  }
0x2a0: {  	v5 =	vtrunc.f32 v5;
	[tilespmem:v4+s18+$0x0] =	vst.idx.add.f32.msk $0xffff, v2  }
0x2a1: {  	v8 =	vmul.f32 $2.560000000e+02, v8;
	v4 =	vshll.u32 v6, $0x4;
	v5 =	vcvt.f32.s32 v5;
	v6 =	vld [tilespmem:s28+$0x40]  }
0x2a2: {  	v4 =	vor.u32 v1, v4  }
0x2a3: {  	v8 =	vtrunc.f32 v8;
	v5 =	vshll.u32 v5, $0x4  }
0x2a4: {  	v7 =	vmul.f32 $2.560000000e+02, v7;
	[tilespmem:v3+s18+$0x0] =	vst.idx.add.f32.msk $0xffff, v2;
	v3 =	vcvt.f32.s32 v8;
	v5 =	vor.u32 v1, v5  }
0x2a5: {  	v8 =	vld [tilespmem:s24+$0x410]  }
0x2a6: {  	v7 =	vtrunc.f32 v7;
	v3 =	vshll.u32 v3, $0x4;
	v6 =	vmul.f32 $2.560000000e+02, v6  }
0x2a7: {  	[tilespmem:v4+s18+$0x0] =	vst.idx.add.f32.msk $0xffff, v2;
	v4 =	vcvt.f32.s32 v7;
	v3 =	vor.u32 v1, v3  }
0x2a8: {  	v7 =	vld [tilespmem:s23+$0x430];
	v6 =	vtrunc.f32 v6  }
0x2a9: {  	v4 =	vshll.u32 v4, $0x4;
	[tilespmem:v5+s18+$0x0] =	vst.idx.add.f32.msk $0xffff, v2;
	v5 =	vcvt.f32.s32 v6  }
0x2aa: {  	v4 =	vor.u32 v1, v4;
	v8 =	vmul.f32 $2.560000000e+02, v8;
	v6 =	vld [tilespmem:s28+$0x450]  }
0x2ab: {  	v5 =	vshll.u32 v5, $0x4  }
0x2ac: {  	v8 =	vtrunc.f32 v8;
	[tilespmem:v3+s18+$0x0] =	vst.idx.add.f32.msk $0xffff, v2;
	v5 =	vor.u32 v1, v5  }
0x2ad: {  	v7 =	vmul.f32 $2.560000000e+02, v7;
	v3 =	vcvt.f32.s32 v8;
	v8 =	vld [tilespmem:s24+$0x10]  }
0x2ae: {  	s26 =	simm.s32 $0x6000  }
0x2af: {  	s30 =	simm.s32 $0x300;
	s0 =	sand.u32 $0x2000, s26;
	v7 =	vtrunc.f32 v7;
	[tilespmem:v4+s18+$0x0] =	vst.idx.add.f32.msk $0xffff, v2;
	v3 =	vshll.u32 v3, $0x4;
	v6 =	vmul.f32 $2.560000000e+02, v6  }
0x2b0: {  	s25 =	sand.u32 $0x7000, s30;
	s26 =	simm.s32 $0xC0;
	s0 =	sshrl.u32 s0, $0x2;
	v4 =	vcvt.f32.s32 v7;
	v7 =	vld [tilespmem:s23+$0x30];
	v3 =	vor.u32 v1, v3  }
0x2b1: {  	s26 =	sand.u32 $0x380, s26;
	s0 =	sor.u32 s0, s25;
	v6 =	vtrunc.f32 v6;
	[tilespmem:v5+s18+$0x0] =	vst.idx.add.f32.msk $0xffff, v2  }
0x2b2: {  	s25 =	sor.u32 s26, s0;
	v4 =	vshll.u32 v4, $0x4;
	v8 =	vmul.f32 $2.560000000e+02, v8;
	v5 =	vcvt.f32.s32 v6;
	v6 =	vld [tilespmem:s28+$0x50]  }
0x2b3: {  	v9 =	vld [tilespmem:s25+$0x400];
	v4 =	vor.u32 v1, v4  }
0x2b4: {  	v8 =	vtrunc.f32 v8;
	v5 =	vshll.u32 v5, $0x4  }
0x2b5: {  	v7 =	vmul.f32 $2.560000000e+02, v7;
	[tilespmem:v3+s18+$0x0] =	vst.idx.add.f32.msk $0xffff, v2;
	v3 =	vcvt.f32.s32 v8;
	v5 =	vor.u32 v1, v5  }
0x2b6: {  	v8 =	vld [tilespmem:s24+$0x420]  }
0x2b7: {  	v10 =	vld [tilespmem:s25+$0x0];
	v7 =	vtrunc.f32 v7;
	v3 =	vshll.u32 v3, $0x4;
	v6 =	vmul.f32 $2.560000000e+02, v6  }
0x2b8: {  	v9 =	vmul.f32 $2.560000000e+02, v9;
	[tilespmem:v4+s18+$0x0] =	vst.idx.add.f32.msk $0xffff, v2;
	v4 =	vcvt.f32.s32 v7;
	v3 =	vor.u32 v1, v3  }
0x2b9: {  	v7 =	vld [tilespmem:s23+$0x440];
	v6 =	vtrunc.f32 v6  }
0x2ba: {  	v9 =	vtrunc.f32 v9;
	v4 =	vshll.u32 v4, $0x4;
	[tilespmem:v5+s18+$0x0] =	vst.idx.add.f32.msk $0xffff, v2;
	v5 =	vcvt.f32.s32 v6  }
0x2bb: {  	v9 =	vcvt.f32.s32 v9;
	v4 =	vor.u32 v1, v4;
	v8 =	vmul.f32 $2.560000000e+02, v8;
	v6 =	vld [tilespmem:s28+$0x460]  }
0x2bc: {  	v5 =	vshll.u32 v5, $0x4  }
0x2bd: {  	v8 =	vtrunc.f32 v8;
	[tilespmem:v3+s18+$0x0] =	vst.idx.add.f32.msk $0xffff, v2;
	v3 =	vshll.u32 v9, $0x4;
	v5 =	vor.u32 v1, v5  }
0x2be: {  	v7 =	vmul.f32 $2.560000000e+02, v7;
	v8 =	vcvt.f32.s32 v8;
	v9 =	vld [tilespmem:s24+$0x20];
	v3 =	vor.u32 v1, v3  }
0x2bf: {  	v10 =	vmul.f32 $2.560000000e+02, v10  }
0x2c0: {  	v7 =	vtrunc.f32 v7;
	[tilespmem:v4+s18+$0x0] =	vst.idx.add.f32.msk $0xffff, v2;
	v4 =	vshll.u32 v8, $0x4;
	v6 =	vmul.f32 $2.560000000e+02, v6  }
0x2c1: {  	v10 =	vtrunc.f32 v10;
	v7 =	vcvt.f32.s32 v7;
	v8 =	vld [tilespmem:s23+$0x40];
	v4 =	vor.u32 v1, v4  }
0x2c2: {  	v10 =	vcvt.f32.s32 v10;
	v6 =	vtrunc.f32 v6;
	[tilespmem:v5+s18+$0x0] =	vst.idx.add.f32.msk $0xffff, v2  }
0x2c3: {  	v5 =	vshll.u32 v7, $0x4;
	v9 =	vmul.f32 $2.560000000e+02, v9;
	[tilespmem:v3+s18+$0x0] =	vst.idx.add.f32.msk $0xffff, v2;
	v6 =	vcvt.f32.s32 v6  }
0x2c4: {  	v7 =	vld [tilespmem:s28+$0x60];
	v5 =	vor.u32 v1, v5  }
0x2c5: {  	v10 =	vshll.u32 v10, $0x4;
	v9 =	vtrunc.f32 v9;
	v3 =	vshll.u32 v6, $0x4;
	v6 =	vld [tilespmem:s25+$0x410]  }
0x2c6: {  	[tilespmem:v4+s18+$0x0] =	vst.idx.add.f32.msk $0xffff, v2;
	v4 =	vcvt.f32.s32 v9;
	v9 =	vor.u32 v1, v10  }
0x2c7: {  	v8 =	vmul.f32 $2.560000000e+02, v8;
	v3 =	vor.u32 v1, v3  }
0x2c8: {  	v10 =	vld [tilespmem:s24+$0x430]  }
0x2c9: {  	v8 =	vtrunc.f32 v8;
	v7 =	vmul.f32 $2.560000000e+02, v7;
	[tilespmem:v5+s18+$0x0] =	vst.idx.add.f32.msk $0xffff, v2  }
0x2ca: {  	v4 =	vshll.u32 v4, $0x4;
	v5 =	vcvt.f32.s32 v8;
	v8 =	vld [tilespmem:s23+$0x450]  }
0x2cb: {  	v4 =	vor.u32 v1, v4;
	v7 =	vtrunc.f32 v7;
	v6 =	vmul.f32 $2.560000000e+02, v6;
	[tilespmem:v9+s18+$0x0] =	vst.idx.add.f32.msk $0xffff, v2  }
0x2cc: {  	[tilespmem:v3+s18+$0x0] =	vst.idx.add.f32.msk $0xffff, v2;
	v3 =	vshll.u32 v5, $0x4;
	v5 =	vcvt.f32.s32 v7  }
0x2cd: {  	v9 =	vmul.f32 $2.560000000e+02, v10;
	v10 =	vld [tilespmem:s25+$0x10];
	v3 =	vor.u32 v1, v3;
	v6 =	vtrunc.f32 v6  }
0x2ce: {  	v7 =	vld [tilespmem:s28+$0x470];
	v5 =	vshll.u32 v5, $0x4;
	v6 =	vcvt.f32.s32 v6  }
0x2cf: {  	v9 =	vtrunc.f32 v9;
	v5 =	vor.u32 v1, v5;
	v8 =	vmul.f32 $2.560000000e+02, v8  }
0x2d0: {  	s29 =	simm.s32 $0x8000;
	[tilespmem:v4+s18+$0x0] =	vst.idx.add.f32.msk $0xffff, v2;
	v4 =	vshll.u32 v6, $0x4;
	v6 =	vcvt.f32.s32 v9  }
0x2d1: {  	s31 =	simm.s32 $0x400;
	s0 =	sand.u32 $0x2000, s29;
	v9 =	vld [tilespmem:s24+$0x30];
	v4 =	vor.u32 v1, v4;
	v8 =	vtrunc.f32 v8  }
0x2d2: {  	s30 =	simm.s32 $0x100;
	s26 =	sand.u32 $0x7000, s31;
	s0 =	sshrl.u32 s0, $0x2;
	[tilespmem:v3+s18+$0x0] =	vst.idx.add.f32.msk $0xffff, v2;
	v3 =	vshll.u32 v6, $0x4;
	v6 =	vcvt.f32.s32 v8  }
0x2d3: {  	s30 =	sand.u32 $0x380, s30;
	s0 =	sor.u32 s0, s26;
	v10 =	vmul.f32 $2.560000000e+02, v10;
	v7 =	vmul.f32 $2.560000000e+02, v7;
	v8 =	vld [tilespmem:s23+$0x50];
	v3 =	vor.u32 v1, v3  }
0x2d4: {  	s26 =	sor.u32 s30, s0;
	[tilespmem:v5+s18+$0x0] =	vst.idx.add.f32.msk $0xffff, v2;
	v5 =	vshll.u32 v6, $0x4  }
0x2d5: {  	v10 =	vtrunc.f32 v10;
	v6 =	vtrunc.f32 v7;
	v7 =	vld [tilespmem:s26+$0x400];
	v5 =	vor.u32 v1, v5  }
0x2d6: {  	v10 =	vcvt.f32.s32 v10;
	v9 =	vmul.f32 $2.560000000e+02, v9;
	[tilespmem:v4+s18+$0x0] =	vst.idx.add.f32.msk $0xffff, v2  }
0x2d7: {  	v4 =	vcvt.f32.s32 v6;
	v6 =	vld [tilespmem:s25+$0x420]  }
0x2d8: {  	v10 =	vshll.u32 v10, $0x4;
	v9 =	vtrunc.f32 v9;
	v8 =	vmul.f32 $2.560000000e+02, v8;
	[tilespmem:v3+s18+$0x0] =	vst.idx.add.f32.msk $0xffff, v2  }
0x2d9: {  	v3 =	vcvt.f32.s32 v9;
	v9 =	vor.u32 v1, v10;
	v10 =	vld [tilespmem:s24+$0x440]  }
0x2da: {  	v4 =	vshll.u32 v4, $0x4;
	v7 =	vmul.f32 $2.560000000e+02, v7;
	v8 =	vtrunc.f32 v8;
	[tilespmem:v5+s18+$0x0] =	vst.idx.add.f32.msk $0xffff, v2  }
0x2db: {  	v4 =	vor.u32 v1, v4;
	v3 =	vshll.u32 v3, $0x4;
	v5 =	vcvt.f32.s32 v8;
	v8 =	vld [tilespmem:s23+$0x460]  }
0x2dc: {  	v12 =	vld [tilespmem:s26+$0x0];
	v3 =	vor.u32 v1, v3;
	v7 =	vtrunc.f32 v7;
	v6 =	vmul.f32 $2.560000000e+02, v6  }
0x2dd: {  	v11 =	vld [tilespmem:s28+$0x70];
	v7 =	vcvt.f32.s32 v7;
	v5 =	vshll.u32 v5, $0x4  }
0x2de: {  	[tilespmem:v9+s18+$0x0] =	vst.idx.add.f32.msk $0xffff, v2;
	v5 =	vor.u32 v1, v5;
	v6 =	vtrunc.f32 v6;
	v9 =	vmul.f32 $2.560000000e+02, v10  }
0x2df: {  	v7 =	vshll.u32 v7, $0x4;
	v10 =	vld [tilespmem:s25+$0x20];
	v6 =	vcvt.f32.s32 v6  }
0x2e0: {  	[tilespmem:v4+s18+$0x0] =	vst.idx.add.f32.msk $0xffff, v2;
	v4 =	vor.u32 v1, v7;
	v7 =	vtrunc.f32 v9;
	v8 =	vmul.f32 $2.560000000e+02, v8  }
0x2e1: {  	[tilespmem:v3+s18+$0x0] =	vst.idx.add.f32.msk $0xffff, v2;
	v3 =	vshll.u32 v6, $0x4;
	v6 =	vcvt.f32.s32 v7  }
0x2e2: {  	v9 =	vmul.f32 $2.560000000e+02, v12;
	v7 =	vld [tilespmem:s24+$0x40];
	v3 =	vor.u32 v1, v3;
	v8 =	vtrunc.f32 v8  }
0x2e3: {  	[tilespmem:v5+s18+$0x0] =	vst.idx.add.f32.msk $0xffff, v2;
	v5 =	vshll.u32 v6, $0x4;
	v6 =	vcvt.f32.s32 v8  }
0x2e4: {  	v11 =	vmul.f32 $2.560000000e+02, v11;
	v9 =	vtrunc.f32 v9;
	v8 =	vld [tilespmem:s23+$0x60];
	v5 =	vor.u32 v1, v5  }
0x2e5: {  	v10 =	vmul.f32 $2.560000000e+02, v10;
	v9 =	vcvt.f32.s32 v9;
	[tilespmem:v4+s18+$0x0] =	vst.idx.add.f32.msk $0xffff, v2;
	v4 =	vshll.u32 v6, $0x4  }
0x2e6: {  	v6 =	vtrunc.f32 v11;
	v11 =	vld [tilespmem:s26+$0x410];
	v4 =	vor.u32 v1, v4  }
0x2e7: {  	v10 =	vtrunc.f32 v10;
	v9 =	vshll.u32 v9, $0x4;
	v7 =	vmul.f32 $2.560000000e+02, v7;
	[tilespmem:v3+s18+$0x0] =	vst.idx.add.f32.msk $0xffff, v2  }
0x2e8: {  	v10 =	vcvt.f32.s32 v10;
	v3 =	vcvt.f32.s32 v6;
	v6 =	vor.u32 v1, v9;
	v9 =	vld [tilespmem:s25+$0x430]  }
0x2e9: {  	v7 =	vtrunc.f32 v7;
	v8 =	vmul.f32 $2.560000000e+02, v8;
	[tilespmem:v5+s18+$0x0] =	vst.idx.add.f32.msk $0xffff, v2  }
0x2ea: {  	v10 =	vshll.u32 v10, $0x4;
	v5 =	vcvt.f32.s32 v7;
	v63 =	vld [tilespmem:s24+$0x450]  }
0x2eb: {  	v7 =	vor.u32 v1, v10;
	v8 =	vtrunc.f32 v8;
	[tilespmem:v4+s18+$0x0] =	vst.idx.add.f32.msk $0xffff, v2  }
0x2ec: {  	v10 =	vmul.f32 $2.560000000e+02, v11;
	v5 =	vshll.u32 v5, $0x4;
	v8 =	vcvt.f32.s32 v8;
	v4 =	vld [tilespmem:s23+$0x470]  }
0x2ed: {  	[tilespmem:v6+s18+$0x0] =	vst.idx.add.f32.msk $0xffff, v2;
	v6 =	vor.u32 v1, v5  }
0x2ee: {  	v10 =	vtrunc.f32 v10;
	v9 =	vmul.f32 $2.560000000e+02, v9;
	v5 =	vshll.u32 v8, $0x4  }
0x2ef: {  	v3 =	vshll.u32 v3, $0x4;
	v10 =	vcvt.f32.s32 v10;
	v8 =	vld [tilespmem:s26+$0x10];
	v5 =	vor.u32 v1, v5  }
0x2f0: {  	s28 =	simm.s32 $0x8;
	v3 =	vor.u32 v1, v3;
	[tilespmem:v7+s18+$0x0] =	vst.idx.add.f32.msk $0xffff, v2;
	v9 =	vtrunc.f32 v9;
	v7 =	vmul.f32 $2.560000000e+02, v63  }
.LBB2_13:
0x2f1: {  	s28 =	sadd.s32 $0x2, s28;
	v10 =	vshll.u32 v10, $0x4;
	s29 =	sadd.s32 $0x2000, s29;
	v11 =	vld [tilespmem:s25+$0x30];
	v9 =	vcvt.f32.s32 v9  }
0x2f2: {  	s0 =	sand.u32 $0x2000, s29;
	s30 =	sshll.u32 s28, $0x7;
	p0 =	slt.u32 s28, $0xFE;
	v10 =	vor.u32 v1, v10;
	[tilespmem:v6+s18+$0x0] =	vst.idx.add.f32.msk $0xffff, v2;
	v6 =	vtrunc.f32 v7;
	v4 =	vmul.f32 $2.560000000e+02, v4  }
0x2f3: {  	s31 =	sshll.u32 s28, $0x5;
	s30 =	sand.u32 $0x7000, s30;
	s0 =	sshrl.u32 s0, $0x2;
	v7 =	vshll.u32 v9, $0x4;
	v9 =	vld [tilespmem:s24+$0x50];
	v6 =	vcvt.f32.s32 v6  }
0x2f4: {  	s31 =	sand.u32 $0x380, s31;
	s0 =	sor.u32 s0, s30;
	v8 =	vmul.f32 $2.560000000e+02, v8;
	v7 =	vor.u32 v1, v7;
	[tilespmem:v5+s18+$0x0] =	vst.idx.add.f32.msk $0xffff, v2;
	v4 =	vtrunc.f32 v4  }
0x2f5: {  	s0 =	sor.u32 s31, s0;
	v5 =	vshll.u32 v6, $0x4;
	v6 =	vld [tilespmem:s23+$0x70];
	v4 =	vcvt.f32.s32 v4;
	s23 =	smov.u32 s24;
	s24 =	smov.u32 s25  }
0x2f6: {  	s25 =	smov.u32 s26;
	v12 =	vld [tilespmem:s0+$0x400];
	v8 =	vtrunc.f32 v8;
	v11 =	vmul.f32 $2.560000000e+02, v11;
	v5 =	vor.u32 v1, v5;
	s26 =	smov.u32 s0  }
0x2f7: {  	v8 =	vcvt.f32.s32 v8;
	[tilespmem:v10+s18+$0x0] =	vst.idx.add.f32.msk $0xffff, v2;
	v4 =	vshll.u32 v4, $0x4  }
0x2f8: {  	v10 =	vld [tilespmem:s25+$0x420];
	v11 =	vtrunc.f32 v11;
	v9 =	vmul.f32 $2.560000000e+02, v9;
	v4 =	vor.u32 v1, v4  }
0x2f9: {  	v8 =	vshll.u32 v8, $0x4;
	v11 =	vcvt.f32.s32 v11;
	[tilespmem:v7+s18+$0x0] =	vst.idx.add.f32.msk $0xffff, v2  }
0x2fa: {  	v7 =	vor.u32 v1, v8;
	v8 =	vld [tilespmem:s24+$0x440];
	v9 =	vtrunc.f32 v9;
	v6 =	vmul.f32 $2.560000000e+02, v6  }
0x2fb: {  	v12 =	vmul.f32 $2.560000000e+02, v12;
	v11 =	vshll.u32 v11, $0x4;
	v9 =	vcvt.f32.s32 v9;
	[tilespmem:v5+s18+$0x0] =	vst.idx.add.f32.msk $0xffff, v2  }
0x2fc: {  	v5 =	vor.u32 v1, v11;
	v11 =	vld [tilespmem:s23+$0x460];
	v6 =	vtrunc.f32 v6  }
0x2fd: {  	v12 =	vtrunc.f32 v12;
	v10 =	vmul.f32 $2.560000000e+02, v10;
	v9 =	vshll.u32 v9, $0x4;
	[tilespmem:v4+s18+$0x0] =	vst.idx.add.f32.msk $0xffff, v2  }
0x2fe: {  	v6 =	vcvt.f32.s32 v6;
	v4 =	vld [tilespmem:s26+$0x0];
	v12 =	vcvt.f32.s32 v12;
	v9 =	vor.u32 v1, v9  }
0x2ff: {  	[tilespmem:v7+s18+$0x0] =	vst.idx.add.f32.msk $0xffff, v2;
	v7 =	vtrunc.f32 v10;
	v8 =	vmul.f32 $2.560000000e+02, v8  }
0x300: {  	v6 =	vshll.u32 v6, $0x4;
	v10 =	vshll.u32 v12, $0x4;
	v12 =	vld [tilespmem:s25+$0x20];
	v7 =	vcvt.f32.s32 v7  }
0x301: {  	v10 =	vor.u32 v1, v10;
	[tilespmem:v5+s18+$0x0] =	vst.idx.add.f32.msk $0xffff, v2;
	v5 =	vtrunc.f32 v8;
	v8 =	vmul.f32 $2.560000000e+02, v11  }
0x302: {  	v6 =	vor.u32 v1, v6;
	v7 =	vshll.u32 v7, $0x4;
	v11 =	vld [tilespmem:s24+$0x40];
	v5 =	vcvt.f32.s32 v5  }
0x303: {  	v4 =	vmul.f32 $2.560000000e+02, v4;
	v7 =	vor.u32 v1, v7;
	[tilespmem:v9+s18+$0x0] =	vst.idx.add.f32.msk $0xffff, v2;
	v8 =	vtrunc.f32 v8  }
0x304: {  	v5 =	vshll.u32 v5, $0x4;
	v9 =	vld [tilespmem:s23+$0x60];
	v8 =	vcvt.f32.s32 v8  }
0x305: {  	v4 =	vtrunc.f32 v4;
	v12 =	vmul.f32 $2.560000000e+02, v12;
	v5 =	vor.u32 v1, v5;
	[tilespmem:v3+s18+$0x0] =	vst.idx.add.f32.msk $0xffff, v2;
	v3 =	vmovc v6  }
0x306: {  	v4 =	vcvt.f32.s32 v4;
	[tilespmem:v10+s18+$0x0] =	vst.idx.add.f32.msk $0xffff, v2;
	v6 =	vshll.u32 v8, $0x4  }
0x307: {  	v8 =	vld [tilespmem:s26+$0x410];
	v10 =	vtrunc.f32 v12;
	v11 =	vmul.f32 $2.560000000e+02, v11;
	v6 =	vor.u32 v1, v6  }
0x308: {  	v4 =	vshll.u32 v4, $0x4;
	v10 =	vcvt.f32.s32 v10;
	[tilespmem:v7+s18+$0x0] =	vst.idx.add.f32.msk $0xffff, v2  }
0x309: {  	v7 =	vor.u32 v1, v4;
	v12 =	vld [tilespmem:s25+$0x430];
	v4 =	vtrunc.f32 v11;
	v9 =	vmul.f32 $2.560000000e+02, v9  }
0x30a: {  	v10 =	vshll.u32 v10, $0x4;
	v4 =	vcvt.f32.s32 v4;
	[tilespmem:v5+s18+$0x0] =	vst.idx.add.f32.msk $0xffff, v2  }
0x30b: {  	v11 =	vor.u32 v1, v10;
	v13 =	vld [tilespmem:s24+$0x450];
	v5 =	vtrunc.f32 v9  }
.Ltmp5:
0x30c: {  	v8 =	vmul.f32 $2.560000000e+02, v8;
	v4 =	vshll.u32 v4, $0x4;
	v5 =	vcvt.f32.s32 v5;
	[tilespmem:v6+s18+$0x0] =	vst.idx.add.f32.msk $0xffff, v2;
	(pc) =	sbr.rel @p0 .LBB2_13-.Ltmp5, $4  }
0x30d: {  	v6 =	vor.u32 v1, v4;
	v4 =	vld [tilespmem:s23+$0x470]  }
0x30e: {  	[tilespmem:v7+s18+$0x0] =	vst.idx.add.f32.msk $0xffff, v2;
	v7 =	vtrunc.f32 v8;
	v9 =	vmul.f32 $2.560000000e+02, v12;
	v5 =	vshll.u32 v5, $0x4  }
0x30f: {  	v8 =	vld [tilespmem:s26+$0x10];
	v10 =	vcvt.f32.s32 v7;
	v5 =	vor.u32 v1, v5  }
0x310: {  	[tilespmem:v11+s18+$0x0] =	vst.idx.add.f32.msk $0xffff, v2;
	v9 =	vtrunc.f32 v9;
	v7 =	vmul.f32 $2.560000000e+02, v13  }
0x311: {  	_ =	sdelay $0x2  }
0x312: {  	v8 =	vmul.f32 $2.560000000e+02, v8;
	_ =	sdelay $0x1  }
0x313: {  	v10 =	vshll.u32 v10, $0x4;
	v8 =	vtrunc.f32 v8  }
0x314: {  	v10 =	vor.u32 v1, v10;
	v8 =	vcvt.f32.s32 v8;
	_ =	sdelay $0x1  }
0x315: {  	v8 =	vshll.u32 v8, $0x4  }
0x316: {  	v8 =	vor.u32 v1, v8;
	_ =	sdelay $0x1  }
0x317: {  	[tilespmem:v10+s18+$0x0] =	vst.idx.add.f32.msk $0xffff, v2  }
0x318: {  	v10 =	vld [tilespmem:s26+$0x420];
	_ =	sdelay $0x1  }
0x319: {  	[tilespmem:v8+s18+$0x0] =	vst.idx.add.f32.msk $0xffff, v2  }
0x31a: {  	v8 =	vld [tilespmem:s26+$0x20];
	_ =	sdelay $0x1  }
0x31b: {  	v10 =	vmul.f32 $2.560000000e+02, v10;
	_ =	sdelay $0x1  }
0x31c: {  	v10 =	vtrunc.f32 v10  }
0x31d: {  	v10 =	vcvt.f32.s32 v10;
	v8 =	vmul.f32 $2.560000000e+02, v8;
	_ =	sdelay $0x1  }
0x31e: {  	v10 =	vshll.u32 v10, $0x4;
	v8 =	vtrunc.f32 v8  }
0x31f: {  	v10 =	vor.u32 v1, v10;
	v8 =	vcvt.f32.s32 v8;
	_ =	sdelay $0x1  }
0x320: {  	v8 =	vshll.u32 v8, $0x4  }
0x321: {  	v11 =	vld [tilespmem:s25+$0x30];
	v8 =	vor.u32 v1, v8  }
0x322: {  	v9 =	vcvt.f32.s32 v9  }
0x323: {  	[tilespmem:v10+s18+$0x0] =	vst.idx.add.f32.msk $0xffff, v2  }
0x324: {  	v9 =	vshll.u32 v9, $0x4;
	v10 =	vld [tilespmem:s26+$0x430]  }
0x325: {  	v9 =	vor.u32 v1, v9  }
0x326: {  	v11 =	vmul.f32 $2.560000000e+02, v11;
	[tilespmem:v8+s18+$0x0] =	vst.idx.add.f32.msk $0xffff, v2  }
0x327: {  	v8 =	vld [tilespmem:s26+$0x30]  }
0x328: {  	v11 =	vtrunc.f32 v11  }
0x329: {  	v11 =	vcvt.f32.s32 v11;
	v10 =	vmul.f32 $2.560000000e+02, v10  }
0x32a: {  	[tilespmem:v9+s18+$0x0] =	vst.idx.add.f32.msk $0xffff, v2  }
0x32b: {  	v9 =	vld [tilespmem:s25+$0x440];
	v11 =	vshll.u32 v11, $0x4;
	v10 =	vtrunc.f32 v10  }
0x32c: {  	v11 =	vor.u32 v1, v11;
	v10 =	vcvt.f32.s32 v10;
	v8 =	vmul.f32 $2.560000000e+02, v8;
	_ =	sdelay $0x1  }
0x32d: {  	v10 =	vshll.u32 v10, $0x4;
	v8 =	vtrunc.f32 v8  }
0x32e: {  	v10 =	vor.u32 v1, v10;
	v8 =	vcvt.f32.s32 v8  }
0x32f: {  	v9 =	vmul.f32 $2.560000000e+02, v9  }
0x330: {  	[tilespmem:v11+s18+$0x0] =	vst.idx.add.f32.msk $0xffff, v2;
	v8 =	vshll.u32 v8, $0x4  }
0x331: {  	v9 =	vtrunc.f32 v9;
	v11 =	vld [tilespmem:s25+$0x40];
	v8 =	vor.u32 v1, v8  }
0x332: {  	v9 =	vcvt.f32.s32 v9  }
0x333: {  	[tilespmem:v10+s18+$0x0] =	vst.idx.add.f32.msk $0xffff, v2  }
0x334: {  	v9 =	vshll.u32 v9, $0x4;
	v10 =	vld [tilespmem:s26+$0x440]  }
0x335: {  	v9 =	vor.u32 v1, v9  }
0x336: {  	v11 =	vmul.f32 $2.560000000e+02, v11;
	[tilespmem:v8+s18+$0x0] =	vst.idx.add.f32.msk $0xffff, v2  }
0x337: {  	v8 =	vld [tilespmem:s26+$0x40]  }
0x338: {  	v11 =	vtrunc.f32 v11  }
0x339: {  	v11 =	vcvt.f32.s32 v11;
	v10 =	vmul.f32 $2.560000000e+02, v10  }
0x33a: {  	[tilespmem:v9+s18+$0x0] =	vst.idx.add.f32.msk $0xffff, v2  }
0x33b: {  	v9 =	vld [tilespmem:s25+$0x450];
	v11 =	vshll.u32 v11, $0x4;
	v10 =	vtrunc.f32 v10  }
0x33c: {  	v11 =	vor.u32 v1, v11;
	v10 =	vcvt.f32.s32 v10;
	v8 =	vmul.f32 $2.560000000e+02, v8;
	_ =	sdelay $0x1  }
0x33d: {  	[tilespmem:v6+s18+$0x0] =	vst.idx.add.f32.msk $0xffff, v2;
	v6 =	vshll.u32 v10, $0x4;
	v8 =	vtrunc.f32 v8  }
0x33e: {  	v6 =	vor.u32 v1, v6;
	v8 =	vcvt.f32.s32 v8  }
0x33f: {  	v9 =	vmul.f32 $2.560000000e+02, v9;
	v10 =	vld [tilespmem:s24+$0x50]  }
0x340: {  	[tilespmem:v11+s18+$0x0] =	vst.idx.add.f32.msk $0xffff, v2;
	v8 =	vshll.u32 v8, $0x4  }
0x341: {  	v9 =	vtrunc.f32 v9;
	v11 =	vld [tilespmem:s25+$0x50];
	v8 =	vor.u32 v1, v8  }
0x342: {  	v7 =	vtrunc.f32 v7;
	v9 =	vcvt.f32.s32 v9  }
0x343: {  	[tilespmem:v6+s18+$0x0] =	vst.idx.add.f32.msk $0xffff, v2;
	v6 =	vcvt.f32.s32 v7  }
0x344: {  	v9 =	vshll.u32 v9, $0x4;
	v10 =	vmul.f32 $2.560000000e+02, v10;
	v7 =	vld [tilespmem:s26+$0x450]  }
0x345: {  	v9 =	vor.u32 v1, v9;
	v6 =	vshll.u32 v6, $0x4  }
0x346: {  	v11 =	vmul.f32 $2.560000000e+02, v11;
	v10 =	vtrunc.f32 v10;
	v6 =	vor.u32 v1, v6;
	[tilespmem:v8+s18+$0x0] =	vst.idx.add.f32.msk $0xffff, v2  }
0x347: {  	v8 =	vcvt.f32.s32 v10;
	v10 =	vld [tilespmem:s26+$0x50]  }
0x348: {  	v11 =	vtrunc.f32 v11  }
0x349: {  	v11 =	vcvt.f32.s32 v11;
	v7 =	vmul.f32 $2.560000000e+02, v7;
	v8 =	vshll.u32 v8, $0x4  }
0x34a: {  	[tilespmem:v9+s18+$0x0] =	vst.idx.add.f32.msk $0xffff, v2;
	v8 =	vor.u32 v1, v8  }
0x34b: {  	v7 =	vtrunc.f32 v7;
	[tilespmem:v6+s18+$0x0] =	vst.idx.add.f32.msk $0xffff, v2;
	v6 =	vshll.u32 v11, $0x4  }
0x34c: {  	v9 =	vld [tilespmem:s25+$0x460];
	v7 =	vcvt.f32.s32 v7;
	v6 =	vor.u32 v1, v6;
	v10 =	vmul.f32 $2.560000000e+02, v10  }
0x34d: {  	v11 =	vld [tilespmem:s24+$0x460]  }
0x34e: {  	v7 =	vshll.u32 v7, $0x4;
	v10 =	vtrunc.f32 v10  }
0x34f: {  	v7 =	vor.u32 v1, v7;
	[tilespmem:v8+s18+$0x0] =	vst.idx.add.f32.msk $0xffff, v2;
	v8 =	vcvt.f32.s32 v10  }
0x350: {  	v10 =	vld [tilespmem:s24+$0x60]  }
0x351: {  	[tilespmem:v6+s18+$0x0] =	vst.idx.add.f32.msk $0xffff, v2;
	v8 =	vshll.u32 v8, $0x4  }
0x352: {  	v9 =	vmul.f32 $2.560000000e+02, v9;
	v11 =	vmul.f32 $2.560000000e+02, v11;
	v6 =	vld [tilespmem:s25+$0x60];
	v8 =	vor.u32 v1, v8;
	_ =	sdelay $0x1  }
0x353: {  	v9 =	vtrunc.f32 v9;
	v11 =	vtrunc.f32 v11;
	[tilespmem:v7+s18+$0x0] =	vst.idx.add.f32.msk $0xffff, v2  }
0x354: {  	v7 =	vcvt.f32.s32 v11;
	v11 =	vld [tilespmem:s26+$0x460];
	v10 =	vmul.f32 $2.560000000e+02, v10  }
0x355: {  	[tilespmem:v5+s18+$0x0] =	vst.idx.add.f32.msk $0xffff, v2;
	v9 =	vcvt.f32.s32 v9  }
0x356: {  	v7 =	vshll.u32 v7, $0x4;
	v6 =	vmul.f32 $2.560000000e+02, v6;
	v10 =	vtrunc.f32 v10;
	[tilespmem:v8+s18+$0x0] =	vst.idx.add.f32.msk $0xffff, v2  }
0x357: {  	v5 =	vshll.u32 v9, $0x4;
	v7 =	vor.u32 v1, v7;
	v8 =	vcvt.f32.s32 v10;
	v10 =	vld [tilespmem:s26+$0x60]  }
0x358: {  	v5 =	vor.u32 v1, v5;
	v6 =	vtrunc.f32 v6  }
0x359: {  	v11 =	vmul.f32 $2.560000000e+02, v11;
	v6 =	vcvt.f32.s32 v6;
	v8 =	vshll.u32 v8, $0x4  }
0x35a: {  	v8 =	vor.u32 v1, v8  }
0x35b: {  	v11 =	vtrunc.f32 v11;
	v6 =	vshll.u32 v6, $0x4  }
0x35c: {  	[tilespmem:v7+s18+$0x0] =	vst.idx.add.f32.msk $0xffff, v2;
	v7 =	vcvt.f32.s32 v11;
	v6 =	vor.u32 v1, v6;
	v10 =	vmul.f32 $2.560000000e+02, v10  }
0x35d: {  	v9 =	vld [tilespmem:s23+$0x70]  }
0x35e: {  	[tilespmem:v5+s18+$0x0] =	vst.idx.add.f32.msk $0xffff, v2;
	v7 =	vshll.u32 v7, $0x4;
	v10 =	vtrunc.f32 v10  }
0x35f: {  	v7 =	vor.u32 v1, v7;
	[tilespmem:v8+s18+$0x0] =	vst.idx.add.f32.msk $0xffff, v2;
	v8 =	vcvt.f32.s32 v10  }
0x360: {  	v11 =	vld [tilespmem:s24+$0x470]  }
0x361: {  	[tilespmem:v6+s18+$0x0] =	vst.idx.add.f32.msk $0xffff, v2;
	v5 =	vshll.u32 v8, $0x4  }
0x362: {  	v4 =	vmul.f32 $2.560000000e+02, v4;
	v9 =	vmul.f32 $2.560000000e+02, v9;
	v6 =	vld [tilespmem:s25+$0x70];
	v5 =	vor.u32 v1, v5  }
0x363: {  	v10 =	vld [tilespmem:s24+$0x70]  }
0x364: {  	v4 =	vtrunc.f32 v4;
	v9 =	vtrunc.f32 v9;
	[tilespmem:v7+s18+$0x0] =	vst.idx.add.f32.msk $0xffff, v2  }
0x365: {  	v11 =	vmul.f32 $2.560000000e+02, v11;
	v7 =	vcvt.f32.s32 v9;
	v9 =	vld [tilespmem:s26+$0x470]  }
0x366: {  	v4 =	vcvt.f32.s32 v4;
	v8 =	vld [tilespmem:s25+$0x470]  }
0x367: {  	v11 =	vtrunc.f32 v11;
	v6 =	vmul.f32 $2.560000000e+02, v6;
	[tilespmem:v5+s18+$0x0] =	vst.idx.add.f32.msk $0xffff, v2  }
0x368: {  	v4 =	vshll.u32 v4, $0x4;
	v5 =	vcvt.f32.s32 v11;
	v11 =	vld [tilespmem:s26+$0x70]  }
0x369: {  	v4 =	vor.u32 v1, v4;
	v10 =	vmul.f32 $2.560000000e+02, v10;
	v6 =	vtrunc.f32 v6  }
0x36a: {  	v7 =	vshll.u32 v7, $0x4;
	v9 =	vmul.f32 $2.560000000e+02, v9;
	v6 =	vcvt.f32.s32 v6  }
0x36b: {  	v7 =	vor.u32 v1, v7;
	v10 =	vtrunc.f32 v10;
	v8 =	vmul.f32 $2.560000000e+02, v8  }
0x36c: {  	v10 =	vcvt.f32.s32 v10;
	v9 =	vtrunc.f32 v9;
	v5 =	vshll.u32 v5, $0x4  }
0x36d: {  	[tilespmem:v3+s18+$0x0] =	vst.idx.add.f32.msk $0xffff, v2;
	v3 =	vshll.u32 v6, $0x4;
	v5 =	vor.u32 v1, v5;
	v11 =	vmul.f32 $2.560000000e+02, v11  }
0x36e: {  	v8 =	vtrunc.f32 v8;
	v9 =	vcvt.f32.s32 v9;
	v3 =	vor.u32 v1, v3  }
0x36f: {  	v8 =	vcvt.f32.s32 v8;
	v10 =	vshll.u32 v10, $0x4;
	v11 =	vtrunc.f32 v11  }
0x370: {  	[tilespmem:v4+s18+$0x0] =	vst.idx.add.f32.msk $0xffff, v2;
	v4 =	vor.u32 v1, v10;
	v9 =	vshll.u32 v9, $0x4;
	v10 =	vcvt.f32.s32 v11  }
0x371: {  	v8 =	vshll.u32 v8, $0x4;
	v6 =	vor.u32 v1, v9  }
0x372: {  	v8 =	vor.u32 v1, v8;
	[tilespmem:v5+s18+$0x0] =	vst.idx.add.f32.msk $0xffff, v2;
	v5 =	vshll.u32 v10, $0x4  }
0x373: {  	[tilespmem:v7+s18+$0x0] =	vst.idx.add.f32.msk $0xffff, v2;
	v5 =	vor.u32 v1, v5  }
0x374: {  	[tilespmem:v3+s18+$0x0] =	vst.idx.add.f32.msk $0xffff, v2  }
0x375: {  	[tilespmem:v4+s18+$0x0] =	vst.idx.add.f32.msk $0xffff, v2  }
0x376: {  	[tilespmem:v6+s18+$0x0] =	vst.idx.add.f32.msk $0xffff, v2  }
0x377: {  	p0 =	seq.s32 s21, $0x7;
	[tilespmem:v8+s18+$0x0] =	vst.idx.add.f32.msk $0xffff, v2  }
0x378: {  	s29 =	simm.s32 $0x0;
	s0 =	sadd.s32 @!p0 s22, s7;
	s22 =	simm.s32 @!p0 $0x0;
	[tilespmem:v5+s18+$0x0] =	vst.idx.add.f32.msk $0xffff, v2  }
0x379: {  	[tilespmem:s22], [sflag:$0x1] =	stream.linear.gather @!p0 [hbm4b:s0+s22], $0x8000, $0x38;
	[tilespmem:$0x13100] =	vst v63  }
0x37a: {  	s30 =	simm.s32 $0x0;
	s31 =	simm.s32 $0x0;
	s0 =	sand.u32 $0x2000, s29  }
0x37b: {  	s22 =	sand.u32 $0x7000, s30;
	_ =	swait.ge [sflag:s15], $0x8000;
	s0 =	sshrl.u32 s0, $0x2  }
0x37c: {  	s23 =	sand.u32 $0x380, s31;
	[sflag:s15] =	ssyncset.done $0x0;
	s0 =	sor.u32 s0, s22  }
0x37d: {  	[sflag:s15] =	ssyncadd.s32 $0xFFFF8000;
	s26 =	sor.u32 s23, s0  }
0x37e: {  	v3 =	vld [tilespmem:s26+$0x8400];
	_ =	sdelay $0x4  }
0x37f: {  	v3 =	vmul.f32 $2.560000000e+02, v3;
	_ =	sdelay $0x1  }
0x380: {  	v3 =	vtrunc.f32 v3  }
0x381: {  	v4 =	vld [tilespmem:s26+$0x8000];
	v3 =	vcvt.f32.s32 v3;
	_ =	sdelay $0x1  }
0x382: {  	v3 =	vshll.u32 v3, $0x4  }
0x383: {  	v3 =	vor.u32 v1, v3;
	_ =	sdelay $0x1  }
0x384: {  	v4 =	vmul.f32 $2.560000000e+02, v4;
	_ =	sdelay $0x1  }
0x385: {  	v4 =	vtrunc.f32 v4  }
0x386: {  	[tilespmem:v3+s18+$0x0] =	vst.idx.add.f32.msk $0xffff, v2;
	v3 =	vcvt.f32.s32 v4  }
0x387: {  	v4 =	vld [tilespmem:s26+$0x8410]  }
0x388: {  	v3 =	vshll.u32 v3, $0x4  }
0x389: {  	v3 =	vor.u32 v1, v3;
	_ =	sdelay $0x2  }
0x38a: {  	v4 =	vmul.f32 $2.560000000e+02, v4;
	_ =	sdelay $0x1  }
0x38b: {  	v4 =	vtrunc.f32 v4;
	[tilespmem:v3+s18+$0x0] =	vst.idx.add.f32.msk $0xffff, v2  }
0x38c: {  	v3 =	vcvt.f32.s32 v4;
	v4 =	vld [tilespmem:s26+$0x8010];
	_ =	sdelay $0x1  }
0x38d: {  	s23 =	simm.s32 $0x2000;
	v3 =	vshll.u32 v3, $0x4  }
0x38e: {  	s24 =	simm.s32 $0x100;
	s0 =	sand.u32 $0x2000, s23;
	v3 =	vor.u32 v1, v3  }
0x38f: {  	s25 =	simm.s32 $0x40;
	s22 =	sand.u32 $0x7000, s24;
	s0 =	sshrl.u32 s0, $0x2  }
0x390: {  	s23 =	sand.u32 $0x380, s25;
	s0 =	sor.u32 s0, s22;
	v4 =	vmul.f32 $2.560000000e+02, v4  }
0x391: {  	s22 =	sor.u32 s23, s0  }
0x392: {  	v5 =	vld [tilespmem:s22+$0x8400];
	v4 =	vtrunc.f32 v4  }
0x393: {  	[tilespmem:v3+s18+$0x0] =	vst.idx.add.f32.msk $0xffff, v2;
	v3 =	vcvt.f32.s32 v4  }
0x394: {  	v4 =	vld [tilespmem:s26+$0x8420]  }
0x395: {  	v3 =	vshll.u32 v3, $0x4  }
0x396: {  	v3 =	vor.u32 v1, v3  }
0x397: {  	v5 =	vmul.f32 $2.560000000e+02, v5;
	_ =	sdelay $0x1  }
0x398: {  	v5 =	vtrunc.f32 v5;
	v4 =	vmul.f32 $2.560000000e+02, v4  }
0x399: {  	v6 =	vld [tilespmem:s22+$0x8000];
	v5 =	vcvt.f32.s32 v5  }
0x39a: {  	v4 =	vtrunc.f32 v4;
	[tilespmem:v3+s18+$0x0] =	vst.idx.add.f32.msk $0xffff, v2  }
0x39b: {  	v3 =	vshll.u32 v5, $0x4;
	v4 =	vcvt.f32.s32 v4;
	v5 =	vld [tilespmem:s26+$0x8020]  }
0x39c: {  	v3 =	vor.u32 v1, v3  }
0x39d: {  	v4 =	vshll.u32 v4, $0x4  }
0x39e: {  	v6 =	vmul.f32 $2.560000000e+02, v6;
	v4 =	vor.u32 v1, v4;
	_ =	sdelay $0x1  }
0x39f: {  	v6 =	vtrunc.f32 v6;
	v5 =	vmul.f32 $2.560000000e+02, v5  }
0x3a0: {  	[tilespmem:v3+s18+$0x0] =	vst.idx.add.f32.msk $0xffff, v2;
	v3 =	vcvt.f32.s32 v6  }
0x3a1: {  	v6 =	vld [tilespmem:s22+$0x8410];
	v5 =	vtrunc.f32 v5  }
0x3a2: {  	v3 =	vshll.u32 v3, $0x4;
	[tilespmem:v4+s18+$0x0] =	vst.idx.add.f32.msk $0xffff, v2;
	v4 =	vcvt.f32.s32 v5  }
0x3a3: {  	v3 =	vor.u32 v1, v3;
	v5 =	vld [tilespmem:s26+$0x8430]  }
0x3a4: {  	v4 =	vshll.u32 v4, $0x4  }
0x3a5: {  	v4 =	vor.u32 v1, v4  }
0x3a6: {  	v6 =	vmul.f32 $2.560000000e+02, v6;
	_ =	sdelay $0x1  }
0x3a7: {  	v6 =	vtrunc.f32 v6;
	[tilespmem:v3+s18+$0x0] =	vst.idx.add.f32.msk $0xffff, v2;
	v5 =	vmul.f32 $2.560000000e+02, v5  }
0x3a8: {  	v3 =	vcvt.f32.s32 v6;
	v6 =	vld [tilespmem:s22+$0x8010]  }
0x3a9: {  	s29 =	simm.s32 $0x4000;
	v5 =	vtrunc.f32 v5;
	[tilespmem:v4+s18+$0x0] =	vst.idx.add.f32.msk $0xffff, v2  }
0x3aa: {  	s30 =	simm.s32 $0x200;
	s0 =	sand.u32 $0x2000, s29;
	v3 =	vshll.u32 v3, $0x4;
	v4 =	vcvt.f32.s32 v5;
	v5 =	vld [tilespmem:s26+$0x8030]  }
0x3ab: {  	s31 =	simm.s32 $0x80;
	s23 =	sand.u32 $0x7000, s30;
	s0 =	sshrl.u32 s0, $0x2;
	v3 =	vor.u32 v1, v3  }
0x3ac: {  	s24 =	sand.u32 $0x380, s31;
	s0 =	sor.u32 s0, s23;
	v4 =	vshll.u32 v4, $0x4  }
0x3ad: {  	s23 =	sor.u32 s24, s0;
	v6 =	vmul.f32 $2.560000000e+02, v6;
	v4 =	vor.u32 v1, v4  }
0x3ae: {  	v7 =	vld [tilespmem:s23+$0x8400]  }
0x3af: {  	v6 =	vtrunc.f32 v6;
	v5 =	vmul.f32 $2.560000000e+02, v5  }
0x3b0: {  	[tilespmem:v3+s18+$0x0] =	vst.idx.add.f32.msk $0xffff, v2;
	v3 =	vcvt.f32.s32 v6  }
0x3b1: {  	v6 =	vld [tilespmem:s22+$0x8420];
	v5 =	vtrunc.f32 v5  }
0x3b2: {  	v3 =	vshll.u32 v3, $0x4;
	[tilespmem:v4+s18+$0x0] =	vst.idx.add.f32.msk $0xffff, v2;
	v4 =	vcvt.f32.s32 v5  }
0x3b3: {  	v7 =	vmul.f32 $2.560000000e+02, v7;
	v3 =	vor.u32 v1, v3;
	v5 =	vld [tilespmem:s26+$0x8440]  }
0x3b4: {  	v4 =	vshll.u32 v4, $0x4  }
0x3b5: {  	v7 =	vtrunc.f32 v7;
	v4 =	vor.u32 v1, v4  }
0x3b6: {  	v8 =	vld [tilespmem:s23+$0x8000];
	v7 =	vcvt.f32.s32 v7;
	v6 =	vmul.f32 $2.560000000e+02, v6;
	_ =	sdelay $0x1  }
0x3b7: {  	v6 =	vtrunc.f32 v6;
	[tilespmem:v3+s18+$0x0] =	vst.idx.add.f32.msk $0xffff, v2;
	v3 =	vshll.u32 v7, $0x4;
	v5 =	vmul.f32 $2.560000000e+02, v5  }
0x3b8: {  	v6 =	vcvt.f32.s32 v6;
	v7 =	vld [tilespmem:s22+$0x8020];
	v3 =	vor.u32 v1, v3  }
0x3b9: {  	v5 =	vtrunc.f32 v5;
	[tilespmem:v4+s18+$0x0] =	vst.idx.add.f32.msk $0xffff, v2  }
0x3ba: {  	v8 =	vmul.f32 $2.560000000e+02, v8;
	v4 =	vshll.u32 v6, $0x4;
	v5 =	vcvt.f32.s32 v5;
	v6 =	vld [tilespmem:s26+$0x8040]  }
0x3bb: {  	v4 =	vor.u32 v1, v4  }
0x3bc: {  	v8 =	vtrunc.f32 v8;
	v5 =	vshll.u32 v5, $0x4  }
0x3bd: {  	v7 =	vmul.f32 $2.560000000e+02, v7;
	[tilespmem:v3+s18+$0x0] =	vst.idx.add.f32.msk $0xffff, v2;
	v3 =	vcvt.f32.s32 v8;
	v5 =	vor.u32 v1, v5  }
0x3be: {  	v8 =	vld [tilespmem:s23+$0x8410]  }
0x3bf: {  	v7 =	vtrunc.f32 v7;
	v3 =	vshll.u32 v3, $0x4;
	v6 =	vmul.f32 $2.560000000e+02, v6  }
0x3c0: {  	[tilespmem:v4+s18+$0x0] =	vst.idx.add.f32.msk $0xffff, v2;
	v4 =	vcvt.f32.s32 v7;
	v3 =	vor.u32 v1, v3  }
0x3c1: {  	v7 =	vld [tilespmem:s22+$0x8430];
	v6 =	vtrunc.f32 v6  }
0x3c2: {  	v4 =	vshll.u32 v4, $0x4;
	[tilespmem:v5+s18+$0x0] =	vst.idx.add.f32.msk $0xffff, v2;
	v5 =	vcvt.f32.s32 v6  }
0x3c3: {  	v4 =	vor.u32 v1, v4;
	v8 =	vmul.f32 $2.560000000e+02, v8;
	v6 =	vld [tilespmem:s26+$0x8450]  }
0x3c4: {  	v5 =	vshll.u32 v5, $0x4  }
0x3c5: {  	v8 =	vtrunc.f32 v8;
	[tilespmem:v3+s18+$0x0] =	vst.idx.add.f32.msk $0xffff, v2;
	v5 =	vor.u32 v1, v5  }
0x3c6: {  	v7 =	vmul.f32 $2.560000000e+02, v7;
	v3 =	vcvt.f32.s32 v8;
	v8 =	vld [tilespmem:s23+$0x8010]  }
0x3c7: {  	s24 =	simm.s32 $0x6000  }
0x3c8: {  	s25 =	simm.s32 $0x300;
	s0 =	sand.u32 $0x2000, s24;
	v7 =	vtrunc.f32 v7;
	[tilespmem:v4+s18+$0x0] =	vst.idx.add.f32.msk $0xffff, v2;
	v3 =	vshll.u32 v3, $0x4;
	v6 =	vmul.f32 $2.560000000e+02, v6  }
0x3c9: {  	s29 =	simm.s32 $0xC0;
	s24 =	sand.u32 $0x7000, s25;
	s0 =	sshrl.u32 s0, $0x2;
	v4 =	vcvt.f32.s32 v7;
	v7 =	vld [tilespmem:s22+$0x8030];
	v3 =	vor.u32 v1, v3  }
0x3ca: {  	s25 =	sand.u32 $0x380, s29;
	s0 =	sor.u32 s0, s24;
	v6 =	vtrunc.f32 v6;
	[tilespmem:v5+s18+$0x0] =	vst.idx.add.f32.msk $0xffff, v2  }
0x3cb: {  	s24 =	sor.u32 s25, s0;
	v4 =	vshll.u32 v4, $0x4;
	v8 =	vmul.f32 $2.560000000e+02, v8;
	v5 =	vcvt.f32.s32 v6;
	v6 =	vld [tilespmem:s26+$0x8050]  }
0x3cc: {  	v9 =	vld [tilespmem:s24+$0x8400];
	v4 =	vor.u32 v1, v4  }
0x3cd: {  	v8 =	vtrunc.f32 v8;
	v5 =	vshll.u32 v5, $0x4  }
0x3ce: {  	v7 =	vmul.f32 $2.560000000e+02, v7;
	[tilespmem:v3+s18+$0x0] =	vst.idx.add.f32.msk $0xffff, v2;
	v3 =	vcvt.f32.s32 v8;
	v5 =	vor.u32 v1, v5  }
0x3cf: {  	v8 =	vld [tilespmem:s23+$0x8420]  }
0x3d0: {  	v10 =	vld [tilespmem:s24+$0x8000];
	v7 =	vtrunc.f32 v7;
	v3 =	vshll.u32 v3, $0x4;
	v6 =	vmul.f32 $2.560000000e+02, v6  }
0x3d1: {  	v9 =	vmul.f32 $2.560000000e+02, v9;
	[tilespmem:v4+s18+$0x0] =	vst.idx.add.f32.msk $0xffff, v2;
	v4 =	vcvt.f32.s32 v7;
	v3 =	vor.u32 v1, v3  }
0x3d2: {  	v7 =	vld [tilespmem:s22+$0x8440];
	v6 =	vtrunc.f32 v6  }
0x3d3: {  	v9 =	vtrunc.f32 v9;
	v4 =	vshll.u32 v4, $0x4;
	[tilespmem:v5+s18+$0x0] =	vst.idx.add.f32.msk $0xffff, v2;
	v5 =	vcvt.f32.s32 v6  }
0x3d4: {  	v9 =	vcvt.f32.s32 v9;
	v4 =	vor.u32 v1, v4;
	v8 =	vmul.f32 $2.560000000e+02, v8;
	v6 =	vld [tilespmem:s26+$0x8460]  }
0x3d5: {  	v5 =	vshll.u32 v5, $0x4  }
0x3d6: {  	v8 =	vtrunc.f32 v8;
	[tilespmem:v3+s18+$0x0] =	vst.idx.add.f32.msk $0xffff, v2;
	v3 =	vshll.u32 v9, $0x4;
	v5 =	vor.u32 v1, v5  }
0x3d7: {  	v7 =	vmul.f32 $2.560000000e+02, v7;
	v8 =	vcvt.f32.s32 v8;
	v9 =	vld [tilespmem:s23+$0x8020];
	v3 =	vor.u32 v1, v3  }
0x3d8: {  	v10 =	vmul.f32 $2.560000000e+02, v10  }
0x3d9: {  	v7 =	vtrunc.f32 v7;
	[tilespmem:v4+s18+$0x0] =	vst.idx.add.f32.msk $0xffff, v2;
	v4 =	vshll.u32 v8, $0x4;
	v6 =	vmul.f32 $2.560000000e+02, v6  }
0x3da: {  	v10 =	vtrunc.f32 v10;
	v7 =	vcvt.f32.s32 v7;
	v8 =	vld [tilespmem:s22+$0x8040];
	v4 =	vor.u32 v1, v4  }
0x3db: {  	v10 =	vcvt.f32.s32 v10;
	v6 =	vtrunc.f32 v6;
	[tilespmem:v5+s18+$0x0] =	vst.idx.add.f32.msk $0xffff, v2  }
0x3dc: {  	v5 =	vshll.u32 v7, $0x4;
	v9 =	vmul.f32 $2.560000000e+02, v9;
	[tilespmem:v3+s18+$0x0] =	vst.idx.add.f32.msk $0xffff, v2;
	v6 =	vcvt.f32.s32 v6  }
0x3dd: {  	v7 =	vld [tilespmem:s26+$0x8060];
	v5 =	vor.u32 v1, v5  }
0x3de: {  	v10 =	vshll.u32 v10, $0x4;
	v9 =	vtrunc.f32 v9;
	v3 =	vshll.u32 v6, $0x4;
	v6 =	vld [tilespmem:s24+$0x8410]  }
0x3df: {  	[tilespmem:v4+s18+$0x0] =	vst.idx.add.f32.msk $0xffff, v2;
	v4 =	vcvt.f32.s32 v9;
	v9 =	vor.u32 v1, v10  }
0x3e0: {  	v8 =	vmul.f32 $2.560000000e+02, v8;
	v3 =	vor.u32 v1, v3  }
0x3e1: {  	v10 =	vld [tilespmem:s23+$0x8430]  }
0x3e2: {  	v8 =	vtrunc.f32 v8;
	v7 =	vmul.f32 $2.560000000e+02, v7;
	[tilespmem:v5+s18+$0x0] =	vst.idx.add.f32.msk $0xffff, v2  }
0x3e3: {  	v4 =	vshll.u32 v4, $0x4;
	v5 =	vcvt.f32.s32 v8;
	v8 =	vld [tilespmem:s22+$0x8450]  }
0x3e4: {  	v4 =	vor.u32 v1, v4;
	v7 =	vtrunc.f32 v7;
	v6 =	vmul.f32 $2.560000000e+02, v6;
	[tilespmem:v9+s18+$0x0] =	vst.idx.add.f32.msk $0xffff, v2  }
0x3e5: {  	[tilespmem:v3+s18+$0x0] =	vst.idx.add.f32.msk $0xffff, v2;
	v3 =	vshll.u32 v5, $0x4;
	v5 =	vcvt.f32.s32 v7  }
0x3e6: {  	v9 =	vmul.f32 $2.560000000e+02, v10;
	v10 =	vld [tilespmem:s24+$0x8010];
	v3 =	vor.u32 v1, v3;
	v6 =	vtrunc.f32 v6  }
0x3e7: {  	v7 =	vld [tilespmem:s26+$0x8470];
	v5 =	vshll.u32 v5, $0x4;
	v6 =	vcvt.f32.s32 v6  }
0x3e8: {  	v9 =	vtrunc.f32 v9;
	v5 =	vor.u32 v1, v5;
	v8 =	vmul.f32 $2.560000000e+02, v8  }
0x3e9: {  	s28 =	simm.s32 $0x8000;
	[tilespmem:v4+s18+$0x0] =	vst.idx.add.f32.msk $0xffff, v2;
	v4 =	vshll.u32 v6, $0x4;
	v6 =	vcvt.f32.s32 v9  }
0x3ea: {  	s31 =	simm.s32 $0x400;
	s30 =	sand.u32 $0x2000, s28;
	v9 =	vld [tilespmem:s23+$0x8030];
	v4 =	vor.u32 v1, v4;
	v8 =	vtrunc.f32 v8  }
0x3eb: {  	s29 =	simm.s32 $0x100;
	s25 =	sand.u32 $0x7000, s31;
	s0 =	sshrl.u32 s30, $0x2;
	[tilespmem:v3+s18+$0x0] =	vst.idx.add.f32.msk $0xffff, v2;
	v3 =	vshll.u32 v6, $0x4;
	v6 =	vcvt.f32.s32 v8  }
0x3ec: {  	s29 =	sand.u32 $0x380, s29;
	s0 =	sor.u32 s0, s25;
	v10 =	vmul.f32 $2.560000000e+02, v10;
	v7 =	vmul.f32 $2.560000000e+02, v7;
	v8 =	vld [tilespmem:s22+$0x8050];
	v3 =	vor.u32 v1, v3  }
0x3ed: {  	s25 =	sor.u32 s29, s0;
	[tilespmem:v5+s18+$0x0] =	vst.idx.add.f32.msk $0xffff, v2;
	v5 =	vshll.u32 v6, $0x4  }
0x3ee: {  	v10 =	vtrunc.f32 v10;
	v6 =	vtrunc.f32 v7;
	v7 =	vld [tilespmem:s25+$0x8400];
	v5 =	vor.u32 v1, v5  }
0x3ef: {  	v10 =	vcvt.f32.s32 v10;
	v9 =	vmul.f32 $2.560000000e+02, v9;
	[tilespmem:v4+s18+$0x0] =	vst.idx.add.f32.msk $0xffff, v2  }
0x3f0: {  	v4 =	vcvt.f32.s32 v6;
	v6 =	vld [tilespmem:s24+$0x8420]  }
0x3f1: {  	v10 =	vshll.u32 v10, $0x4;
	v9 =	vtrunc.f32 v9;
	v8 =	vmul.f32 $2.560000000e+02, v8;
	[tilespmem:v3+s18+$0x0] =	vst.idx.add.f32.msk $0xffff, v2  }
0x3f2: {  	v3 =	vcvt.f32.s32 v9;
	v9 =	vor.u32 v1, v10;
	v10 =	vld [tilespmem:s23+$0x8440]  }
0x3f3: {  	v4 =	vshll.u32 v4, $0x4;
	v7 =	vmul.f32 $2.560000000e+02, v7;
	v8 =	vtrunc.f32 v8;
	[tilespmem:v5+s18+$0x0] =	vst.idx.add.f32.msk $0xffff, v2  }
0x3f4: {  	v4 =	vor.u32 v1, v4;
	v3 =	vshll.u32 v3, $0x4;
	v5 =	vcvt.f32.s32 v8;
	v8 =	vld [tilespmem:s22+$0x8460]  }
0x3f5: {  	v12 =	vld [tilespmem:s25+$0x8000];
	v3 =	vor.u32 v1, v3;
	v7 =	vtrunc.f32 v7;
	v6 =	vmul.f32 $2.560000000e+02, v6  }
0x3f6: {  	v11 =	vld [tilespmem:s26+$0x8070];
	v7 =	vcvt.f32.s32 v7;
	v5 =	vshll.u32 v5, $0x4  }
0x3f7: {  	[tilespmem:v9+s18+$0x0] =	vst.idx.add.f32.msk $0xffff, v2;
	v5 =	vor.u32 v1, v5;
	v6 =	vtrunc.f32 v6;
	v9 =	vmul.f32 $2.560000000e+02, v10  }
0x3f8: {  	v7 =	vshll.u32 v7, $0x4;
	v10 =	vld [tilespmem:s24+$0x8020];
	v6 =	vcvt.f32.s32 v6  }
0x3f9: {  	[tilespmem:v4+s18+$0x0] =	vst.idx.add.f32.msk $0xffff, v2;
	v4 =	vor.u32 v1, v7;
	v7 =	vtrunc.f32 v9;
	v8 =	vmul.f32 $2.560000000e+02, v8  }
0x3fa: {  	[tilespmem:v3+s18+$0x0] =	vst.idx.add.f32.msk $0xffff, v2;
	v3 =	vshll.u32 v6, $0x4;
	v6 =	vcvt.f32.s32 v7  }
0x3fb: {  	v9 =	vmul.f32 $2.560000000e+02, v12;
	v7 =	vld [tilespmem:s23+$0x8040];
	v3 =	vor.u32 v1, v3;
	v8 =	vtrunc.f32 v8  }
0x3fc: {  	[tilespmem:v5+s18+$0x0] =	vst.idx.add.f32.msk $0xffff, v2;
	v5 =	vshll.u32 v6, $0x4;
	v6 =	vcvt.f32.s32 v8  }
0x3fd: {  	v11 =	vmul.f32 $2.560000000e+02, v11;
	v9 =	vtrunc.f32 v9;
	v8 =	vld [tilespmem:s22+$0x8060];
	v5 =	vor.u32 v1, v5  }
0x3fe: {  	v10 =	vmul.f32 $2.560000000e+02, v10;
	v9 =	vcvt.f32.s32 v9;
	[tilespmem:v4+s18+$0x0] =	vst.idx.add.f32.msk $0xffff, v2;
	v4 =	vshll.u32 v6, $0x4  }
0x3ff: {  	v6 =	vtrunc.f32 v11;
	v11 =	vld [tilespmem:s25+$0x8410];
	v4 =	vor.u32 v1, v4  }
0x400: {  	v10 =	vtrunc.f32 v10;
	v9 =	vshll.u32 v9, $0x4;
	v7 =	vmul.f32 $2.560000000e+02, v7;
	[tilespmem:v3+s18+$0x0] =	vst.idx.add.f32.msk $0xffff, v2  }
0x401: {  	v10 =	vcvt.f32.s32 v10;
	v3 =	vcvt.f32.s32 v6;
	v6 =	vor.u32 v1, v9;
	v9 =	vld [tilespmem:s24+$0x8430]  }
0x402: {  	v7 =	vtrunc.f32 v7;
	v8 =	vmul.f32 $2.560000000e+02, v8;
	[tilespmem:v5+s18+$0x0] =	vst.idx.add.f32.msk $0xffff, v2  }
0x403: {  	v10 =	vshll.u32 v10, $0x4;
	v5 =	vcvt.f32.s32 v7;
	v63 =	vld [tilespmem:s23+$0x8450]  }
0x404: {  	v7 =	vor.u32 v1, v10;
	v8 =	vtrunc.f32 v8;
	[tilespmem:v4+s18+$0x0] =	vst.idx.add.f32.msk $0xffff, v2  }
0x405: {  	v10 =	vmul.f32 $2.560000000e+02, v11;
	v5 =	vshll.u32 v5, $0x4;
	v8 =	vcvt.f32.s32 v8;
	v4 =	vld [tilespmem:s22+$0x8470]  }
0x406: {  	[tilespmem:v6+s18+$0x0] =	vst.idx.add.f32.msk $0xffff, v2;
	v6 =	vor.u32 v1, v5  }
0x407: {  	v10 =	vtrunc.f32 v10;
	v9 =	vmul.f32 $2.560000000e+02, v9;
	v5 =	vshll.u32 v8, $0x4  }
0x408: {  	v3 =	vshll.u32 v3, $0x4;
	v10 =	vcvt.f32.s32 v10;
	v8 =	vld [tilespmem:s25+$0x8010];
	v5 =	vor.u32 v1, v5  }
0x409: {  	s26 =	simm.s32 $0x8;
	v3 =	vor.u32 v1, v3;
	[tilespmem:v7+s18+$0x0] =	vst.idx.add.f32.msk $0xffff, v2;
	v9 =	vtrunc.f32 v9;
	v7 =	vmul.f32 $2.560000000e+02, v63  }
.LBB2_15:
0x40a: {  	s26 =	sadd.s32 $0x2, s26;
	v10 =	vshll.u32 v10, $0x4;
	s28 =	sadd.s32 $0x2000, s28;
	v11 =	vld [tilespmem:s24+$0x8030];
	v9 =	vcvt.f32.s32 v9  }
0x40b: {  	s0 =	sand.u32 $0x2000, s28;
	s29 =	sshll.u32 s26, $0x7;
	p0 =	slt.u32 s26, $0xFE;
	v10 =	vor.u32 v1, v10;
	[tilespmem:v6+s18+$0x0] =	vst.idx.add.f32.msk $0xffff, v2;
	v6 =	vtrunc.f32 v7;
	v4 =	vmul.f32 $2.560000000e+02, v4  }
0x40c: {  	s30 =	sshll.u32 s26, $0x5;
	s29 =	sand.u32 $0x7000, s29;
	s0 =	sshrl.u32 s0, $0x2;
	v7 =	vshll.u32 v9, $0x4;
	v9 =	vld [tilespmem:s23+$0x8050];
	v6 =	vcvt.f32.s32 v6  }
0x40d: {  	s30 =	sand.u32 $0x380, s30;
	s0 =	sor.u32 s0, s29;
	v8 =	vmul.f32 $2.560000000e+02, v8;
	v7 =	vor.u32 v1, v7;
	[tilespmem:v5+s18+$0x0] =	vst.idx.add.f32.msk $0xffff, v2;
	v4 =	vtrunc.f32 v4  }
0x40e: {  	s0 =	sor.u32 s30, s0;
	v5 =	vshll.u32 v6, $0x4;
	v6 =	vld [tilespmem:s22+$0x8070];
	v4 =	vcvt.f32.s32 v4;
	s22 =	smov.u32 s23;
	s23 =	smov.u32 s24  }
0x40f: {  	s24 =	smov.u32 s25;
	v12 =	vld [tilespmem:s0+$0x8400];
	v8 =	vtrunc.f32 v8;
	v11 =	vmul.f32 $2.560000000e+02, v11;
	v5 =	vor.u32 v1, v5;
	s25 =	smov.u32 s0  }
0x410: {  	v8 =	vcvt.f32.s32 v8;
	[tilespmem:v10+s18+$0x0] =	vst.idx.add.f32.msk $0xffff, v2;
	v4 =	vshll.u32 v4, $0x4  }
0x411: {  	v10 =	vld [tilespmem:s24+$0x8420];
	v11 =	vtrunc.f32 v11;
	v9 =	vmul.f32 $2.560000000e+02, v9;
	v4 =	vor.u32 v1, v4  }
0x412: {  	v8 =	vshll.u32 v8, $0x4;
	v11 =	vcvt.f32.s32 v11;
	[tilespmem:v7+s18+$0x0] =	vst.idx.add.f32.msk $0xffff, v2  }
0x413: {  	v7 =	vor.u32 v1, v8;
	v8 =	vld [tilespmem:s23+$0x8440];
	v9 =	vtrunc.f32 v9;
	v6 =	vmul.f32 $2.560000000e+02, v6  }
0x414: {  	v12 =	vmul.f32 $2.560000000e+02, v12;
	v11 =	vshll.u32 v11, $0x4;
	v9 =	vcvt.f32.s32 v9;
	[tilespmem:v5+s18+$0x0] =	vst.idx.add.f32.msk $0xffff, v2  }
0x415: {  	v5 =	vor.u32 v1, v11;
	v11 =	vld [tilespmem:s22+$0x8460];
	v6 =	vtrunc.f32 v6  }
0x416: {  	v12 =	vtrunc.f32 v12;
	v10 =	vmul.f32 $2.560000000e+02, v10;
	v9 =	vshll.u32 v9, $0x4;
	[tilespmem:v4+s18+$0x0] =	vst.idx.add.f32.msk $0xffff, v2  }
0x417: {  	v6 =	vcvt.f32.s32 v6;
	v4 =	vld [tilespmem:s25+$0x8000];
	v12 =	vcvt.f32.s32 v12;
	v9 =	vor.u32 v1, v9  }
0x418: {  	[tilespmem:v7+s18+$0x0] =	vst.idx.add.f32.msk $0xffff, v2;
	v7 =	vtrunc.f32 v10;
	v8 =	vmul.f32 $2.560000000e+02, v8  }
0x419: {  	v6 =	vshll.u32 v6, $0x4;
	v10 =	vshll.u32 v12, $0x4;
	v12 =	vld [tilespmem:s24+$0x8020];
	v7 =	vcvt.f32.s32 v7  }
0x41a: {  	v10 =	vor.u32 v1, v10;
	[tilespmem:v5+s18+$0x0] =	vst.idx.add.f32.msk $0xffff, v2;
	v5 =	vtrunc.f32 v8;
	v8 =	vmul.f32 $2.560000000e+02, v11  }
0x41b: {  	v6 =	vor.u32 v1, v6;
	v7 =	vshll.u32 v7, $0x4;
	v11 =	vld [tilespmem:s23+$0x8040];
	v5 =	vcvt.f32.s32 v5  }
0x41c: {  	v4 =	vmul.f32 $2.560000000e+02, v4;
	v7 =	vor.u32 v1, v7;
	[tilespmem:v9+s18+$0x0] =	vst.idx.add.f32.msk $0xffff, v2;
	v8 =	vtrunc.f32 v8  }
0x41d: {  	v5 =	vshll.u32 v5, $0x4;
	v9 =	vld [tilespmem:s22+$0x8060];
	v8 =	vcvt.f32.s32 v8  }
0x41e: {  	v4 =	vtrunc.f32 v4;
	v12 =	vmul.f32 $2.560000000e+02, v12;
	v5 =	vor.u32 v1, v5;
	[tilespmem:v3+s18+$0x0] =	vst.idx.add.f32.msk $0xffff, v2;
	v3 =	vmovc v6  }
0x41f: {  	v4 =	vcvt.f32.s32 v4;
	[tilespmem:v10+s18+$0x0] =	vst.idx.add.f32.msk $0xffff, v2;
	v6 =	vshll.u32 v8, $0x4  }
0x420: {  	v8 =	vld [tilespmem:s25+$0x8410];
	v10 =	vtrunc.f32 v12;
	v11 =	vmul.f32 $2.560000000e+02, v11;
	v6 =	vor.u32 v1, v6  }
0x421: {  	v4 =	vshll.u32 v4, $0x4;
	v10 =	vcvt.f32.s32 v10;
	[tilespmem:v7+s18+$0x0] =	vst.idx.add.f32.msk $0xffff, v2  }
0x422: {  	v7 =	vor.u32 v1, v4;
	v12 =	vld [tilespmem:s24+$0x8430];
	v4 =	vtrunc.f32 v11;
	v9 =	vmul.f32 $2.560000000e+02, v9  }
0x423: {  	v10 =	vshll.u32 v10, $0x4;
	v4 =	vcvt.f32.s32 v4;
	[tilespmem:v5+s18+$0x0] =	vst.idx.add.f32.msk $0xffff, v2  }
0x424: {  	v11 =	vor.u32 v1, v10;
	v13 =	vld [tilespmem:s23+$0x8450];
	v5 =	vtrunc.f32 v9  }
.Ltmp6:
0x425: {  	v8 =	vmul.f32 $2.560000000e+02, v8;
	v4 =	vshll.u32 v4, $0x4;
	v5 =	vcvt.f32.s32 v5;
	[tilespmem:v6+s18+$0x0] =	vst.idx.add.f32.msk $0xffff, v2;
	(pc) =	sbr.rel @p0 .LBB2_15-.Ltmp6, $4  }
0x426: {  	v6 =	vor.u32 v1, v4;
	v4 =	vld [tilespmem:s22+$0x8470]  }
0x427: {  	[tilespmem:v7+s18+$0x0] =	vst.idx.add.f32.msk $0xffff, v2;
	v7 =	vtrunc.f32 v8;
	v9 =	vmul.f32 $2.560000000e+02, v12;
	v5 =	vshll.u32 v5, $0x4  }
0x428: {  	v8 =	vld [tilespmem:s25+$0x8010];
	v10 =	vcvt.f32.s32 v7;
	v5 =	vor.u32 v1, v5  }
0x429: {  	[tilespmem:v11+s18+$0x0] =	vst.idx.add.f32.msk $0xffff, v2;
	v9 =	vtrunc.f32 v9;
	v7 =	vmul.f32 $2.560000000e+02, v13  }
0x42a: {  	_ =	sdelay $0x2  }
0x42b: {  	v8 =	vmul.f32 $2.560000000e+02, v8;
	_ =	sdelay $0x1  }
0x42c: {  	v8 =	vtrunc.f32 v8  }
0x42d: {  	v10 =	vshll.u32 v10, $0x4;
	v8 =	vcvt.f32.s32 v8  }
0x42e: {  	v10 =	vor.u32 v1, v10  }
0x42f: {  	v8 =	vshll.u32 v8, $0x4  }
0x430: {  	v8 =	vor.u32 v1, v8;
	_ =	sdelay $0x2  }
0x431: {  	[tilespmem:v10+s18+$0x0] =	vst.idx.add.f32.msk $0xffff, v2  }
0x432: {  	v10 =	vld [tilespmem:s25+$0x8420]  }
0x433: {  	[tilespmem:v8+s18+$0x0] =	vst.idx.add.f32.msk $0xffff, v2  }
0x434: {  	v8 =	vld [tilespmem:s25+$0x8020];
	_ =	sdelay $0x2  }
0x435: {  	v10 =	vmul.f32 $2.560000000e+02, v10;
	_ =	sdelay $0x1  }
0x436: {  	v10 =	vtrunc.f32 v10;
	v8 =	vmul.f32 $2.560000000e+02, v8  }
0x437: {  	v10 =	vcvt.f32.s32 v10  }
0x438: {  	v8 =	vtrunc.f32 v8  }
0x439: {  	v10 =	vshll.u32 v10, $0x4;
	v8 =	vcvt.f32.s32 v8  }
0x43a: {  	v10 =	vor.u32 v1, v10  }
0x43b: {  	v11 =	vld [tilespmem:s24+$0x8030];
	v8 =	vshll.u32 v8, $0x4  }
0x43c: {  	v8 =	vor.u32 v1, v8;
	_ =	sdelay $0x2  }
0x43d: {  	[tilespmem:v10+s18+$0x0] =	vst.idx.add.f32.msk $0xffff, v2  }
0x43e: {  	v9 =	vcvt.f32.s32 v9;
	v11 =	vmul.f32 $2.560000000e+02, v11;
	v10 =	vld [tilespmem:s25+$0x8430]  }
0x43f: {  	[tilespmem:v8+s18+$0x0] =	vst.idx.add.f32.msk $0xffff, v2  }
0x440: {  	v9 =	vshll.u32 v9, $0x4;
	v11 =	vtrunc.f32 v11;
	v8 =	vld [tilespmem:s25+$0x8030]  }
0x441: {  	v9 =	vor.u32 v1, v9;
	v11 =	vcvt.f32.s32 v11;
	_ =	sdelay $0x1  }
0x442: {  	v11 =	vshll.u32 v11, $0x4;
	v10 =	vmul.f32 $2.560000000e+02, v10  }
0x443: {  	v11 =	vor.u32 v1, v11  }
0x444: {  	v10 =	vtrunc.f32 v10;
	v8 =	vmul.f32 $2.560000000e+02, v8  }
0x445: {  	[tilespmem:v9+s18+$0x0] =	vst.idx.add.f32.msk $0xffff, v2;
	v10 =	vcvt.f32.s32 v10  }
0x446: {  	v9 =	vld [tilespmem:s24+$0x8440];
	v8 =	vtrunc.f32 v8  }
0x447: {  	v10 =	vshll.u32 v10, $0x4;
	v8 =	vcvt.f32.s32 v8  }
0x448: {  	[tilespmem:v11+s18+$0x0] =	vst.idx.add.f32.msk $0xffff, v2;
	v10 =	vor.u32 v1, v10  }
0x449: {  	v11 =	vld [tilespmem:s24+$0x8040];
	v8 =	vshll.u32 v8, $0x4  }
0x44a: {  	v8 =	vor.u32 v1, v8  }
0x44b: {  	v9 =	vmul.f32 $2.560000000e+02, v9;
	_ =	sdelay $0x1  }
0x44c: {  	v9 =	vtrunc.f32 v9;
	[tilespmem:v10+s18+$0x0] =	vst.idx.add.f32.msk $0xffff, v2  }
0x44d: {  	v9 =	vcvt.f32.s32 v9;
	v11 =	vmul.f32 $2.560000000e+02, v11;
	v10 =	vld [tilespmem:s25+$0x8440]  }
0x44e: {  	[tilespmem:v8+s18+$0x0] =	vst.idx.add.f32.msk $0xffff, v2  }
0x44f: {  	v9 =	vshll.u32 v9, $0x4;
	v11 =	vtrunc.f32 v11;
	v8 =	vld [tilespmem:s25+$0x8040]  }
0x450: {  	v9 =	vor.u32 v1, v9;
	v11 =	vcvt.f32.s32 v11;
	_ =	sdelay $0x1  }
0x451: {  	v11 =	vshll.u32 v11, $0x4;
	v10 =	vmul.f32 $2.560000000e+02, v10  }
0x452: {  	v11 =	vor.u32 v1, v11  }
0x453: {  	v10 =	vtrunc.f32 v10;
	v8 =	vmul.f32 $2.560000000e+02, v8  }
0x454: {  	[tilespmem:v9+s18+$0x0] =	vst.idx.add.f32.msk $0xffff, v2;
	v10 =	vcvt.f32.s32 v10  }
0x455: {  	v9 =	vld [tilespmem:s24+$0x8450];
	v8 =	vtrunc.f32 v8  }
0x456: {  	[tilespmem:v6+s18+$0x0] =	vst.idx.add.f32.msk $0xffff, v2;
	v34 =	vshll.u32 v10, $0x4;
	v8 =	vcvt.f32.s32 v8  }
0x457: {  	[tilespmem:v11+s18+$0x0] =	vst.idx.add.f32.msk $0xffff, v2;
	v6 =	vor.u32 v1, v34  }
0x458: {  	v11 =	vld [tilespmem:s24+$0x8050];
	v8 =	vshll.u32 v8, $0x4  }
0x459: {  	v35 =	vld [tilespmem:s23+$0x8050];
	v8 =	vor.u32 v1, v8  }
0x45a: {  	v7 =	vtrunc.f32 v7;
	v9 =	vmul.f32 $2.560000000e+02, v9  }
0x45b: {  	v36 =	vcvt.f32.s32 v7  }
0x45c: {  	v9 =	vtrunc.f32 v9;
	[tilespmem:v6+s18+$0x0] =	vst.idx.add.f32.msk $0xffff, v2  }
0x45d: {  	v9 =	vcvt.f32.s32 v9;
	v11 =	vmul.f32 $2.560000000e+02, v11;
	v6 =	vshll.u32 v36, $0x4;
	v37 =	vld [tilespmem:s25+$0x8450]  }
0x45e: {  	v10 =	vmul.f32 $2.560000000e+02, v35;
	v6 =	vor.u32 v1, v6;
	[tilespmem:v8+s18+$0x0] =	vst.idx.add.f32.msk $0xffff, v2  }
0x45f: {  	v9 =	vshll.u32 v9, $0x4;
	v11 =	vtrunc.f32 v11;
	v39 =	vld [tilespmem:s25+$0x8050]  }
0x460: {  	v9 =	vor.u32 v1, v9;
	v11 =	vcvt.f32.s32 v11;
	v10 =	vtrunc.f32 v10  }
0x461: {  	v38 =	vcvt.f32.s32 v10  }
0x462: {  	v40 =	vshll.u32 v11, $0x4;
	v7 =	vmul.f32 $2.560000000e+02, v37  }
0x463: {  	[tilespmem:v6+s18+$0x0] =	vst.idx.add.f32.msk $0xffff, v2;
	v6 =	vor.u32 v1, v40;
	v8 =	vshll.u32 v38, $0x4  }
0x464: {  	v7 =	vtrunc.f32 v7;
	v8 =	vor.u32 v1, v8;
	v10 =	vmul.f32 $2.560000000e+02, v39  }
0x465: {  	[tilespmem:v9+s18+$0x0] =	vst.idx.add.f32.msk $0xffff, v2;
	v7 =	vcvt.f32.s32 v7  }
0x466: {  	v9 =	vld [tilespmem:s24+$0x8460];
	v10 =	vtrunc.f32 v10  }
0x467: {  	v41 =	vld [tilespmem:s23+$0x8460];
	v7 =	vshll.u32 v7, $0x4;
	v42 =	vcvt.f32.s32 v10  }
0x468: {  	[tilespmem:v6+s18+$0x0] =	vst.idx.add.f32.msk $0xffff, v2;
	v7 =	vor.u32 v1, v7  }
0x469: {  	[tilespmem:v8+s18+$0x0] =	vst.idx.add.f32.msk $0xffff, v2;
	v8 =	vshll.u32 v42, $0x4  }
0x46a: {  	v6 =	vld [tilespmem:s24+$0x8060];
	v8 =	vor.u32 v1, v8  }
0x46b: {  	v9 =	vmul.f32 $2.560000000e+02, v9  }
0x46c: {  	v43 =	vld [tilespmem:s23+$0x8060]  }
0x46d: {  	v9 =	vtrunc.f32 v9;
	v11 =	vmul.f32 $2.560000000e+02, v41;
	[tilespmem:v7+s18+$0x0] =	vst.idx.add.f32.msk $0xffff, v2  }
0x46e: {  	v9 =	vcvt.f32.s32 v9;
	v45 =	vld [tilespmem:s25+$0x8460]  }
0x46f: {  	v11 =	vtrunc.f32 v11;
	v6 =	vmul.f32 $2.560000000e+02, v6;
	[tilespmem:v8+s18+$0x0] =	vst.idx.add.f32.msk $0xffff, v2  }
0x470: {  	v48 =	vshll.u32 v9, $0x4;
	v44 =	vcvt.f32.s32 v11;
	v47 =	vld [tilespmem:s25+$0x8060]  }
0x471: {  	[tilespmem:v5+s18+$0x0] =	vst.idx.add.f32.msk $0xffff, v2;
	v5 =	vor.u32 v1, v48;
	v6 =	vtrunc.f32 v6;
	v10 =	vmul.f32 $2.560000000e+02, v43  }
0x472: {  	v7 =	vshll.u32 v44, $0x4;
	v6 =	vcvt.f32.s32 v6  }
0x473: {  	v7 =	vor.u32 v1, v7;
	v10 =	vtrunc.f32 v10;
	v11 =	vmul.f32 $2.560000000e+02, v45  }
0x474: {  	v6 =	vshll.u32 v6, $0x4;
	v46 =	vcvt.f32.s32 v10  }
0x475: {  	v49 =	vld [tilespmem:s22+$0x8070];
	v6 =	vor.u32 v1, v6;
	v11 =	vtrunc.f32 v11;
	v10 =	vmul.f32 $2.560000000e+02, v47  }
0x476: {  	[tilespmem:v5+s18+$0x0] =	vst.idx.add.f32.msk $0xffff, v2;
	v8 =	vshll.u32 v46, $0x4;
	v50 =	vcvt.f32.s32 v11  }
0x477: {  	v55 =	vld [tilespmem:s24+$0x8470];
	v8 =	vor.u32 v1, v8;
	v10 =	vtrunc.f32 v10  }
0x478: {  	[tilespmem:v7+s18+$0x0] =	vst.idx.add.f32.msk $0xffff, v2;
	v7 =	vshll.u32 v50, $0x4;
	v52 =	vcvt.f32.s32 v10  }
0x479: {  	v51 =	vld [tilespmem:s23+$0x8470];
	v7 =	vor.u32 v1, v7  }
0x47a: {  	[tilespmem:v6+s18+$0x0] =	vst.idx.add.f32.msk $0xffff, v2;
	v54 =	vshll.u32 v52, $0x4  }
0x47b: {  	v4 =	vmul.f32 $2.560000000e+02, v4;
	v6 =	vld [tilespmem:s24+$0x8070];
	v5 =	vor.u32 v1, v54  }
0x47c: {  	v9 =	vmul.f32 $2.560000000e+02, v49;
	[tilespmem:v8+s18+$0x0] =	vst.idx.add.f32.msk $0xffff, v2  }
0x47d: {  	v4 =	vtrunc.f32 v4;
	v53 =	vld [tilespmem:s23+$0x8070]  }
0x47e: {  	v4 =	vcvt.f32.s32 v4;
	v9 =	vtrunc.f32 v9;
	[tilespmem:v7+s18+$0x0] =	vst.idx.add.f32.msk $0xffff, v2  }
0x47f: {  	v11 =	vmul.f32 $2.560000000e+02, v51;
	v8 =	vmul.f32 $2.560000000e+02, v55;
	v57 =	vld [tilespmem:s25+$0x8470]  }
0x480: {  	v56 =	vcvt.f32.s32 v9;
	[tilespmem:v5+s18+$0x0] =	vst.idx.add.f32.msk $0xffff, v2  }
0x481: {  	v4 =	vshll.u32 v4, $0x4;
	v11 =	vtrunc.f32 v11;
	v8 =	vtrunc.f32 v8;
	v59 =	vld [tilespmem:s25+$0x8070]  }
0x482: {  	v7 =	vshll.u32 v56, $0x4;
	v8 =	vcvt.f32.s32 v8;
	v6 =	vmul.f32 $2.560000000e+02, v6  }
0x483: {  	v4 =	vor.u32 v1, v4;
	v58 =	vcvt.f32.s32 v11;
	v7 =	vor.u32 v1, v7  }
0x484: {  	v8 =	vshll.u32 v8, $0x4;
	v6 =	vtrunc.f32 v6;
	v10 =	vmul.f32 $2.560000000e+02, v53  }
0x485: {  	v8 =	vor.u32 v1, v8;
	v6 =	vcvt.f32.s32 v6;
	v9 =	vmul.f32 $2.560000000e+02, v57  }
0x486: {  	v10 =	vtrunc.f32 v10;
	v5 =	vshll.u32 v58, $0x4;
	v11 =	vmul.f32 $2.560000000e+02, v59  }
0x487: {  	v10 =	vcvt.f32.s32 v10;
	v9 =	vtrunc.f32 v9;
	v5 =	vor.u32 v1, v5  }
0x488: {  	[tilespmem:v3+s18+$0x0] =	vst.idx.add.f32.msk $0xffff, v2;
	v3 =	vshll.u32 v6, $0x4;
	v9 =	vcvt.f32.s32 v9;
	v11 =	vtrunc.f32 v11  }
0x489: {  	v3 =	vor.u32 v1, v3;
	v10 =	vshll.u32 v10, $0x4;
	v61 =	vcvt.f32.s32 v11  }
0x48a: {  	[tilespmem:v4+s18+$0x0] =	vst.idx.add.f32.msk $0xffff, v2;
	v60 =	vor.u32 v1, v10;
	v9 =	vshll.u32 v9, $0x4  }
0x48b: {  	s21 =	sadd.s32 $0x1, s21;
	[tilespmem:v7+s18+$0x0] =	vst.idx.add.f32.msk $0xffff, v2;
	v62 =	vor.u32 v1, v9;
	v63 =	vshll.u32 v61, $0x4  }
0x48c: {  	p0 =	sne.s32 s21, $0x8;
	[tilespmem:v5+s18+$0x0] =	vst.idx.add.f32.msk $0xffff, v2;
	v5 =	vor.u32 v1, v63  }
.Ltmp7:
0x48d: {  	[tilespmem:v8+s18+$0x0] =	vst.idx.add.f32.msk $0xffff, v2;
	(pc) =	sbr.rel @p0 .LBB2_12-.Ltmp7, $4  }
0x48e: {  	[tilespmem:v3+s18+$0x0] =	vst.idx.add.f32.msk $0xffff, v2  }
0x48f: {  	[tilespmem:v60+s18+$0x0] =	vst.idx.add.f32.msk $0xffff, v2  }
0x490: {  	[tilespmem:v62+s18+$0x0] =	vst.idx.add.f32.msk $0xffff, v2  }
0x491: {  	[tilespmem:v5+s18+$0x0] =	vst.idx.add.f32.msk $0xffff, v2  }
0x492: {  	s0 =	simm.s32 $0x11080  }
0x493: {  	v3 =	vld [tilespmem:s0+$0x0]  }
0x494: {  	s20 =	simm.s32 $0x0  }
0x495: {  	s31 =	sand.u32 $0xC00, s20;
	s21 =	sand.u32 $0x380, s20  }
0x496: {  	s22 =	sand.u32 $0x70, s20;
	s0 =	sor.u32 s21, s31  }
0x497: {  	s0 =	sor.u32 s22, s0  }
0x498: {  	s23 =	simm.s32 $0x0;
	s21 =	simm.s32 $0x4;
	s22 =	simm.s32 $0x11090;
	[tilespmem:s0+$0x12100] =	vst v3  }
.LBB2_18:
0x499: {  	v3 =	vld [tilespmem:s22+$0x0];
	p0 =	sne.s32 s21, $0x3FC;
	s0 =	smov.u32 s21;
	s21 =	sadd.s32 $0x4, s21  }
.Ltmp8:
0x49a: {  	s20 =	sadd.s32 $0x80, s20;
	(pc) =	sbr.rel @p0 .LBB2_18-.Ltmp8, $4  }
0x49b: {  	s23 =	sadd.s32 $0x10, s23;
	s24 =	sand.u32 $0xC00, s20;
	s0 =	sand.u32 $0x380, s0  }
0x49c: {  	s25 =	sand.u32 $0x70, s23;
	s0 =	sor.u32 s0, s24  }
0x49d: {  	s0 =	sor.u32 s25, s0  }
0x49e: {  	s22 =	sadd.s32 $0x10, s22;
	[tilespmem:s0+$0x12100] =	vst v3  }
0x49f: {  	v3 =	vld [tilespmem:$0x130F0]  }
0x4a0: {  	v4 =	vld [tilespmem:$0x12080];
	_ =	sdelay $0x4  }
0x4a1: {  	s19 =	sadd.s32 $0x1, s19;
	v3 =	vadd.f32 v4, v3  }
0x4a2: {  	p0 =	sne.s32 s19, s9  }
.Ltmp9:
0x4a3: {  	[tilespmem:$0x130F0] =	vst v3;
	(pc) =	sbr.rel @p0 .LBB2_1-.Ltmp9, $4  }
0x4a4: {  	[hbm4b:s8+s2] =	stream.linear.scatter [tilespmem:s16], [sflag:$0x3], $0x1000, $0x38;
	[tilespmem:$0x13100] =	vst v63  }
0x4a5: {  	_ =	swait.ge [sflag:s17], $0x1000  }
0x4a6: {  	[sflag:s17] =	ssyncset.done $0x0  }
0x4a7: {  	[sflag:s17] =	ssyncadd.s32 $0xFFFFF000  }
0x4a8: {  	_ =	sfence.sel $0x180000  }
0x4a9: {  	[bflag:$0x0] =	sbarrier.arrive $0xFFFF  }
0x4aa: {  	_ =	strace $0x90000047  }
0x4ab: {  	[bflag:$0x2] =	sbarrier.arrive $0xFFFF  }
0x4ac: {  	p0 =	sne.s32 s1, $0x0;
	s0 =	rddreg [dreg:$0x3]  }
0x4ad: {  	s0 =	sadd.s32 @!p0 $0x100000, s0  }
0x4ae: {  	[sflag:s0] =	ssyncadd.tile.s32 @!p0 $0x1;
	_ =	shalt  }
.Lfunc_end2:
_tile_overlayer_lowered:
.L_overlay_start_2:
0x4af: {  	(tag) =	ssettag $0x2  }
0x4b0: {  	s0 =	rddreg [dreg:$0x0];
	s2 =	stileid.u32  }
0x4b1: {  	s1 =	rddreg [dreg:$0x1];
	p0 =	sne.s32 s2, $0x0  }
0x4b2: {  	s3 =	rddreg [dreg:$0x2];
	[bflag:$0x3] =	sbarrier.arrive $0xFFFF;
	s2 =	simm.s32 @!p0 $0x1C03  }
0x4b3: {  	[timem:s3], [sflag:s2] =	dma.local @!p0 [hbm:s0], s1  }
0x4b4: {  	s0 =	simm.s32 @!p0 $0x3  }
0x4b5: {  	_ =	swait.ge @!p0 [sflag:s0], s1  }
0x4b6: {  	s1 =	ssub.s32 @!p0 $0x0, s1;
	[sflag:s0] =	ssyncset.done @!p0 $0x0  }
0x4b7: {  	[sflag:s0] =	ssyncadd.s32 @!p0 s1  }
0x4b8: {  	[bflag:$0x3] =	sbarrier.arrive $0xFFFF  }
0x4b9: {  	_ =	shalt  }

</sc_bundles>
